<compile_context>
chip_gen: v7x
topology: tpu7x:2x2x1
jax: 0.10.2.dev20260603
libtpu: 0.0.44.dev20260713+nightly
codegen_flags: <defaults>
</compile_context>

<pallas_src>
import functools

import jax
import jax.numpy as jnp
from jax import lax
from jax.experimental import pallas as pl
from jax.experimental.pallas import tpu as pltpu
from jax.experimental.pallas import tpu_sc as plsc

_ALPHA = 1.0
_BETA = 10.0
_RATIO = 3.0
_EPS = 1e-6

_N = 8 * 512 * 512
_B, _H, _W = 8, 512, 512
_NC, _NS, _L = 2, 16, 16
_NW = _NC * _NS
_ROWS_W = _B * _H // _NW
_CROWS = 32
_NCHUNK = _ROWS_W // _CROWS
_VROW = _W // _L
_NACC = 4
_U = 4

_LN2 = 0.6931471805599453
_CLIP_LO = 1e-7
_CLIP_HI = 1.0 - 1e-7

_R, _C = 2048, 1024
_BR = 256


def _plog_b(x):
    bits = lax.bitcast_convert_type(x, jnp.int32)
    ef = jnp.right_shift(bits, 23).astype(jnp.float32)
    m = lax.bitcast_convert_type(
        jnp.bitwise_or(jnp.bitwise_and(bits, 0x007FFFFF), 0x3F800000),
        jnp.float32)
    t = (m - 1.0) / (m + 1.0)
    t2 = t * t
    q = 1.0 / 3.0 + t2 * (1.0 / 5.0)
    p = 1.0 + t2 * q
    return ef * _LN2 + (t + t) * p


def _sc_dense_body(ph, gph, gmh, out_h, *scratch):
    bufs = (scratch[0:3], scratch[3:6])
    sums_v = scratch[6]
    sems = scratch[7:9]

    wid = lax.axis_index("s") * _NC + lax.axis_index("c")
    bidx = wid // 4
    row0 = (wid % 4) * _ROWS_W
    streams = (ph, gph, gmh)

    def start(c, s):
        r = row0 + c * _CROWS
        return [pltpu.async_copy(h.at[bidx, 0, pl.ds(r, _CROWS), :],
                                 bufs[s][j], sems[s])
                for j, h in enumerate(streams)]

    def compute(s, accs):
        b_p, b_gp, b_gm = bufs[s]

        def row_body(i, acc0):
            def vec_body(j, a):
                for k in range(_U):
                    sl = pl.ds((j * _U + k) * _L, _L)
                    p = b_p[i, sl]
                    g = b_gp[i, sl]
                    mk = b_gm[i, sl]
                    posi = jnp.where(g > 0.5, 1.0, 0.0)
                    pos = posi * mk
                    lp = _plog_b(p)
                    lq = _plog_b(1.0 - p)
                    lraw = lq + g * (lp - lq)
                    a = (a[0] + pos, a[1] + mk,
                         a[2] + lraw * pos, a[3] + lraw * mk)
                return a

            return lax.fori_loop(0, _VROW // _U, vec_body, acc0)

        return lax.fori_loop(0, _CROWS, row_body, accs)

    z = jnp.zeros((_L,), jnp.float32)
    accs = (z,) * _NACC
    cps = start(0, 0)
    for c in range(_NCHUNK):
        s = c % 2
        for cp in cps:
            cp.wait()
        if c + 1 < _NCHUNK:
            cps = start(c + 1, 1 - s)
        accs = compute(s, accs)
    for j in range(_NACC):
        sums_v[j] = accs[j]
    pltpu.sync_copy(sums_v, out_h.at[wid])


@functools.cache
def _get_sc_dense():
    mesh = plsc.VectorSubcoreMesh(core_axis_name="c", subcore_axis_name="s")
    return pl.kernel(
        _sc_dense_body,
        mesh=mesh,
        out_type=jax.ShapeDtypeStruct((_NW, _NACC, _L), jnp.float32),
        scratch_types=[pltpu.VMEM((_CROWS, _W), jnp.float32)] * 6
        + [pltpu.VMEM((_NACC, _L), jnp.float32)]
        + [pltpu.SemaphoreType.DMA] * 2,
        compiler_params=pltpu.CompilerParams(use_tc_tiling_on_sc=True),
    )



def _tc_dense_body(b_ref, g_ref, t_ref, gt_ref, m_ref,
                   o_inter, o_pm, o_g, o_l1, o_m):
    b = b_ref[...]
    g = g_ref[...]
    t = t_ref[...]
    gt = gt_ref[...]
    mk = m_ref[...]
    posi = (g > 0.5).astype(jnp.float32)
    gm = g * mk
    sh = (1, 8, 128)
    o_inter[...] = jnp.full(sh, jnp.sum(b * gm), jnp.float32)
    o_pm[...] = jnp.full(sh, jnp.sum(b * mk), jnp.float32)
    o_g[...] = jnp.full(sh, jnp.sum(gm), jnp.float32)
    o_l1[...] = jnp.full(sh, jnp.sum(jnp.abs(t - gt) * posi), jnp.float32)
    o_m[...] = jnp.full(sh, jnp.sum(posi), jnp.float32)


def _tc_dense(binary_map, gt_prob, thresh_map, gt_thresh, gt_mask):
    outs = pl.pallas_call(
        _tc_dense_body,
        grid=(_B,),
        in_specs=[pl.BlockSpec((1, 1, _H, _W), lambda i: (i, 0, 0, 0))] * 5,
        out_specs=[pl.BlockSpec((1, 8, 128), lambda i: (i, 0, 0))] * 5,
        out_shape=[jax.ShapeDtypeStruct((_B, 8, 128), jnp.float32)] * 5,
    )(binary_map, gt_prob, thresh_map, gt_thresh, gt_mask)
    return tuple(o[:, 0, 0].sum() for o in outs)



def _nl_body(p_ref, g_ref, m_ref, nl_ref):
    p = jnp.clip(p_ref[...], _CLIP_LO, _CLIP_HI)
    g = g_ref[...]
    mk = m_ref[...]
    pos = (g > 0.5).astype(jnp.float32) * mk
    neg = mk - pos
    loss = -(g * jnp.log(p) + (1.0 - g) * jnp.log(1.0 - p))
    nl_ref[...] = loss * neg


def _sel_body(k_ref, nl_ref, out_ref):
    k = k_ref[0, 0]
    nl = nl_ref[...]
    lo0 = jnp.full((1, 1), -1, jnp.int32)
    hi0 = jnp.full((1, 1), 0x7F800000, jnp.int32)

    def body(_, carry):
        lo, hi = carry
        mid = (lo + hi) // 2
        t = lax.bitcast_convert_type(mid, jnp.float32)
        cnt = jnp.sum((nl > t).astype(jnp.float32))
        ge = cnt >= k
        done = (hi - lo) <= 1
        lo_n = jnp.where(jnp.logical_and(jnp.logical_not(done), ge), mid, lo)
        hi_n = jnp.where(
            jnp.logical_and(jnp.logical_not(done), jnp.logical_not(ge)), mid, hi)
        return (lo_n, hi_n)

    _, hi = lax.fori_loop(0, 34, body, (lo0, hi0))
    vk = lax.bitcast_convert_type(hi, jnp.float32)
    cs = jnp.sum((nl > vk).astype(jnp.float32))
    ss = jnp.sum(jnp.where(nl > vk, nl, 0.0))
    res = ss + (k - cs) * vk
    res = jnp.where(k > 0.0, res, jnp.zeros_like(res))
    out_ref[...] = jnp.broadcast_to(res, out_ref.shape)


def _rare_topk_sum(p4, gp4, gm4, k, _ns):
    p2 = p4.reshape(_R, _C)
    gp2 = gp4.reshape(_R, _C)
    gm2 = gm4.reshape(_R, _C)
    nl = pl.pallas_call(
        _nl_body,
        grid=(_R // _BR,),
        in_specs=[pl.BlockSpec((_BR, _C), lambda i: (i, 0))] * 3,
        out_specs=pl.BlockSpec((_BR, _C), lambda i: (i, 0)),
        out_shape=jax.ShapeDtypeStruct((_R, _C), jnp.float32),
    )(p2, gp2, gm2)
    out = pl.pallas_call(
        _sel_body,
        in_specs=[
            pl.BlockSpec(memory_space=pltpu.SMEM),
            pl.BlockSpec(memory_space=pltpu.VMEM),
        ],
        out_specs=pl.BlockSpec(memory_space=pltpu.VMEM),
        out_shape=jax.ShapeDtypeStruct((8, 128), jnp.float32),
    )(k.reshape(1, 1), nl)
    return out[0, 0]


def _fast_neg_sum(_p4, _gp4, _gm4, _k, ns):
    return ns


def kernel(prob_map, binary_map, thresh_map, gt_prob, gt_thresh, gt_mask):
    part = _get_sc_dense()(prob_map, gt_prob, gt_mask)
    inter, pm_sum, g_sum, l1_num, m_sum = _tc_dense(
        binary_map, gt_prob, thresh_map, gt_thresh, gt_mask)
    s = jnp.sum(part, axis=(0, 2))
    _C127 = 127.0 * _LN2
    pos_cnt = s[0]
    neg_cnt = s[1] - s[0]
    pos_loss = _C127 * s[0] - s[2]
    neg_sum = (_C127 * s[1] - s[3]) - pos_loss

    k = jnp.minimum(neg_cnt, pos_cnt * _RATIO)
    negative_loss = lax.cond(
        k < neg_cnt,
        _rare_topk_sum,
        _fast_neg_sum,
        prob_map, gt_prob, gt_mask, k, neg_sum)

    total_count = pos_cnt + k
    safe_total = jnp.where(total_count > 0, total_count, 1.0)
    prob_loss = jnp.where(total_count > 0,
                          (pos_loss + negative_loss) / safe_total,
                          jnp.asarray(0.0, jnp.float32))
    dice = (2.0 * inter + _EPS) / (pm_sum + g_sum + _EPS)
    binary_loss = 1.0 - dice
    thresh_loss = l1_num / (m_sum + _EPS)
    total_loss = prob_loss + _ALPHA * binary_loss + _BETA * thresh_loss
    return (total_loss, prob_loss, binary_loss, thresh_loss)

# --- scband reference (transcript-rebuilt; emitter-appended) ---
"""Pipeline reference for scband-dbloss-386547056727 (READ-ONLY COPY).

The authoritative reference and input builder live on the scoring server;
editing this copy changes nothing except your own understanding.
"""

import jax, jax.numpy as jnp
import numpy as np

ALPHA = 1.0
BETA = 10.0
OHEM_RATIO = 3
EPS = 1e-06


def _bce(pred, gt):
    p = jnp.clip(pred, 1e-07, 1.0 - 1e-07)
    return -(gt * jnp.log(p) + (1.0 - gt) * jnp.log(1.0 - p))


def setup_inputs(seed: int = 0) -> dict:
    key = jax.random.key(seed)
    ks = jax.random.split(key, 6)
    shape = (8, 1, 512, 512)
    # predictions must lie strictly in (0,1) for BCE
    prob_map = jax.random.uniform(ks[0], shape, dtype=jnp.float32) * 0.98 + 0.01
    binary_map = jax.random.uniform(ks[1], shape, dtype=jnp.float32) * 0.98 + 0.01
    thresh_map = jax.random.uniform(ks[2], shape, dtype=jnp.float32)
    gt_prob = jax.random.uniform(ks[3], shape, dtype=jnp.float32)
    gt_thresh = jax.random.uniform(ks[4], shape, dtype=jnp.float32)
    gt_mask = (jax.random.uniform(ks[5], shape, dtype=jnp.float32) > 0.1).astype(jnp.float32)
    return {
        'prob_map': prob_map,
        'binary_map': binary_map,
        'thresh_map': thresh_map,
        'gt_prob': gt_prob,
        'gt_thresh': gt_thresh,
        'gt_mask': gt_mask,
    }


def reference(prob_map, binary_map, thresh_map, gt_prob, gt_thresh, gt_mask):
    # ---- balanced BCE with OHEM (prob loss) ----
    positive = (gt_prob > 0.5).astype(jnp.float32) * gt_mask
    negative = (gt_prob <= 0.5).astype(jnp.float32) * gt_mask
    positive_count = positive.sum()
    negative_count = jnp.minimum(negative.sum(), positive_count * OHEM_RATIO)
    loss = _bce(prob_map, gt_prob)
    positive_loss = (loss * positive).sum()
    neg_loss_flat = (loss * negative).reshape(-1)
    total_count = positive_count + negative_count
    n_flat = neg_loss_flat.shape[0]
    neg_sorted, _ = jax.lax.top_k(neg_loss_flat, n_flat)
    sel = jnp.arange(n_flat, dtype=jnp.float32) < negative_count
    negative_loss = jnp.where(sel, neg_sorted, 0.0).sum()
    safe_total = jnp.where(total_count > 0, total_count, 1.0)
    prob_loss = jnp.where(
        total_count > 0,
        (positive_loss + negative_loss) / safe_total,
        jnp.asarray(0.0, dtype=jnp.float32),
    )
    # ---- dice loss (binary map) ----
    pm = binary_map * gt_mask
    g = gt_prob * gt_mask
    intersection = (pm * g).sum()
    union = pm.sum() + g.sum()
    dice = (2.0 * intersection + EPS) / (union + EPS)
    binary_loss = 1.0 - dice
    # ---- L1 loss (threshold map), masked by gt_prob > 0.5 ----
    m = (gt_prob > 0.5).astype(jnp.float32)
    thresh_loss = (jnp.abs(thresh_map - gt_thresh) * m).sum() / (m.sum() + EPS)
    total_loss = prob_loss + ALPHA * binary_loss + BETA * thresh_loss
    return (total_loss, prob_loss, binary_loss, thresh_loss)

if __name__ == "__main__":
    import jax
    _d = setup_inputs()
    print(jax.jit(kernel)(*tuple(_d.values())))

</pallas_src>

<mosaic_0001>
#map = affine_map<(d0, d1) -> (0, 0, 0, 0)>
#map1 = affine_map<(d0, d1) -> (0, 0, 0)>
module attributes {stable_mosaic.version = 14 : i64} {
  func.func @_sc_dense_body(%arg0: i32, %arg1: i32, %arg2: memref<8x1x512x512xf32, #tpu.memory_space<hbm>>, %arg3: memref<8x1x512x512xf32, #tpu.memory_space<hbm>>, %arg4: memref<8x1x512x512xf32, #tpu.memory_space<hbm>>, %arg5: memref<32x4x16xf32, #tpu.memory_space<hbm>>, %arg6: memref<32x512xf32, #tpu.memory_space<vmem>>, %arg7: memref<32x512xf32, #tpu.memory_space<vmem>>, %arg8: memref<32x512xf32, #tpu.memory_space<vmem>>, %arg9: memref<32x512xf32, #tpu.memory_space<vmem>>, %arg10: memref<32x512xf32, #tpu.memory_space<vmem>>, %arg11: memref<32x512xf32, #tpu.memory_space<vmem>>, %arg12: memref<4x16xf32, #tpu.memory_space<vmem>>, %arg13: memref<!tpu.dma_semaphore, #tpu.memory_space<semaphore_mem>>, %arg14: memref<!tpu.dma_semaphore, #tpu.memory_space<semaphore_mem>>) attributes {dimension_semantics = [#tpu.dimension_semantics<core_parallel>, #tpu.dimension_semantics<subcore_parallel>], iteration_bounds = array<i64: 2, 16>, scalar_prefetch = 0 : i64, scratch_operands = 9 : i64, tpu.core_type = #tpu.core_type<sc_vector_subcore>, window_params = [{transform_indices = #map}, {transform_indices = #map}, {transform_indices = #map}, {transform_indices = #map1}]} {
    %mul3A = arith.constant 2 : i32
    %mul3A_0 = arith.muli %arg1, %mul3A : i32
    %add3A = arith.addi %mul3A_0, %arg0 : i32
    %jit3A = arith.constant 4 : i32
    %div3A = arith.divsi %add3A, %jit3A : i32
    %sign3A = arith.constant 0 : i32
    %sign3A_1 = arith.cmpi sgt, %add3A, %sign3A : i32
    %sign3A_2 = arith.extui %sign3A_1 : i1 to i32
    %sign3A_3 = arith.constant 0 : i32
    %sign3A_4 = arith.cmpi slt, %add3A, %sign3A_3 : i32
    %sign3A_5 = arith.extui %sign3A_4 : i1 to i32
    %sign3A_6 = arith.subi %sign3A_2, %sign3A_5 : i32
    %sign3A_7 = arith.constant 0 : i32
    %sign3A_8 = arith.cmpi sgt, %jit3A, %sign3A_7 : i32
    %sign3A_9 = arith.extui %sign3A_8 : i1 to i32
    %sign3A_10 = arith.constant 0 : i32
    %sign3A_11 = arith.cmpi slt, %jit3A, %sign3A_10 : i32
    %sign3A_12 = arith.extui %sign3A_11 : i1 to i32
    %sign3A_13 = arith.subi %sign3A_9, %sign3A_12 : i32
    %ne3A = arith.cmpi ne, %sign3A_6, %sign3A_13 : i32
    %rem3A = arith.remsi %add3A, %jit3A : i32
    %ne3A_14 = arith.constant 0 : i32
    %ne3A_15 = arith.cmpi ne, %rem3A, %ne3A_14 : i32
    %and3A = arith.andi %ne3A, %ne3A_15 : i1
    %sub3A = arith.constant 1 : i32
    %sub3A_16 = arith.subi %div3A, %sub3A : i32
    %select_n3A = arith.select %and3A, %sub3A_16, %div3A : i32
    %jit3A_17 = arith.constant 4 : i32
    %eq3A = arith.constant 0 : i32
    %eq3A_18 = arith.cmpi eq, %jit3A_17, %eq3A : i32
    %jit3A_19 = arith.constant 1 : i32
    %select_n3A_20 = arith.select %eq3A_18, %jit3A_19, %jit3A_17 : i32
    %rem3A_21 = arith.remsi %add3A, %select_n3A_20 : i32
    %ne3A_22 = arith.constant 0 : i32
    %ne3A_23 = arith.cmpi ne, %rem3A_21, %ne3A_22 : i32
    %lt3A = arith.constant 0 : i32
    %lt3A_24 = arith.cmpi slt, %rem3A_21, %lt3A : i32
    %lt3A_25 = arith.constant 0 : i32
    %lt3A_26 = arith.cmpi slt, %select_n3A_20, %lt3A_25 : i32
    %ne3A_27 = arith.xori %lt3A_24, %lt3A_26 : i1
    %and3A_28 = arith.andi %ne3A_27, %ne3A_23 : i1
    %add3A_29 = arith.addi %rem3A_21, %select_n3A_20 : i32
    %select_n3A_30 = arith.select %and3A_28, %add3A_29, %rem3A_21 : i32
    %mul3A_31 = arith.constant 128 : i32
    %mul3A_32 = arith.muli %select_n3A_30, %mul3A_31 : i32
    %broadcast_in_dim3A = arith.constant 0.000000e+00 : f32
    %broadcast_in_dim3A_33 = vector.broadcast %broadcast_in_dim3A : f32 to vector<16xf32>
    %add3A_34 = arith.constant 0 : i32
    %add3A_35 = arith.addi %mul3A_32, %add3A_34 : i32
    %dma_start3A = arith.constant 0 : i32
    %dma_start3A_36 = arith.constant 0 : i32
    %dma_start3A_37 = tpu.memref_slice %arg2[%select_n3A, %dma_start3A, %add3A_35, %dma_start3A_36] : memref<8x1x512x512xf32, #tpu.memory_space<hbm>> -> memref<1x1x32x512xf32, #tpu.memory_space<hbm>>
    %dma_start3A_38 = tpu.memref_squeeze %dma_start3A_37 : memref<1x1x32x512xf32, #tpu.memory_space<hbm>> -> memref<32x512xf32, #tpu.memory_space<hbm>>
    %dma_start3A_39 = arith.constant 0 : i32
    %dma_start3A_40 = tpu.memref_slice %arg2[%select_n3A, %dma_start3A, %add3A_35, %dma_start3A_39] : memref<8x1x512x512xf32, #tpu.memory_space<hbm>> -> memref<1x1x32x512xf32, #tpu.memory_space<hbm>>
    %dma_start3A_41 = tpu.memref_squeeze %dma_start3A_40 : memref<1x1x32x512xf32, #tpu.memory_space<hbm>> -> memref<32x512xf32, #tpu.memory_space<hbm>>
    tpu.enqueue_dma source(%dma_start3A_41 : memref<32x512xf32, #tpu.memory_space<hbm>>) target(%arg6 : memref<32x512xf32, #tpu.memory_space<vmem>>) target_semaphore(%arg13 : memref<!tpu.dma_semaphore, #tpu.memory_space<semaphore_mem>>)
    %dma_start3A_42 = arith.constant 0 : i32
    %dma_start3A_43 = arith.constant 0 : i32
    %dma_start3A_44 = tpu.memref_slice %arg3[%select_n3A, %dma_start3A_42, %add3A_35, %dma_start3A_43] : memref<8x1x512x512xf32, #tpu.memory_space<hbm>> -> memref<1x1x32x512xf32, #tpu.memory_space<hbm>>
    %dma_start3A_45 = tpu.memref_squeeze %dma_start3A_44 : memref<1x1x32x512xf32, #tpu.memory_space<hbm>> -> memref<32x512xf32, #tpu.memory_space<hbm>>
    %dma_start3A_46 = arith.constant 0 : i32
    %dma_start3A_47 = tpu.memref_slice %arg3[%select_n3A, %dma_start3A_42, %add3A_35, %dma_start3A_46] : memref<8x1x512x512xf32, #tpu.memory_space<hbm>> -> memref<1x1x32x512xf32, #tpu.memory_space<hbm>>
    %dma_start3A_48 = tpu.memref_squeeze %dma_start3A_47 : memref<1x1x32x512xf32, #tpu.memory_space<hbm>> -> memref<32x512xf32, #tpu.memory_space<hbm>>
    tpu.enqueue_dma source(%dma_start3A_48 : memref<32x512xf32, #tpu.memory_space<hbm>>) target(%arg7 : memref<32x512xf32, #tpu.memory_space<vmem>>) target_semaphore(%arg13 : memref<!tpu.dma_semaphore, #tpu.memory_space<semaphore_mem>>)
    %dma_start3A_49 = arith.constant 0 : i32
    %dma_start3A_50 = arith.constant 0 : i32
    %dma_start3A_51 = tpu.memref_slice %arg4[%select_n3A, %dma_start3A_49, %add3A_35, %dma_start3A_50] : memref<8x1x512x512xf32, #tpu.memory_space<hbm>> -> memref<1x1x32x512xf32, #tpu.memory_space<hbm>>
    %dma_start3A_52 = tpu.memref_squeeze %dma_start3A_51 : memref<1x1x32x512xf32, #tpu.memory_space<hbm>> -> memref<32x512xf32, #tpu.memory_space<hbm>>
    %dma_start3A_53 = arith.constant 0 : i32
    %dma_start3A_54 = tpu.memref_slice %arg4[%select_n3A, %dma_start3A_49, %add3A_35, %dma_start3A_53] : memref<8x1x512x512xf32, #tpu.memory_space<hbm>> -> memref<1x1x32x512xf32, #tpu.memory_space<hbm>>
    %dma_start3A_55 = tpu.memref_squeeze %dma_start3A_54 : memref<1x1x32x512xf32, #tpu.memory_space<hbm>> -> memref<32x512xf32, #tpu.memory_space<hbm>>
    tpu.enqueue_dma source(%dma_start3A_55 : memref<32x512xf32, #tpu.memory_space<hbm>>) target(%arg8 : memref<32x512xf32, #tpu.memory_space<vmem>>) target_semaphore(%arg13 : memref<!tpu.dma_semaphore, #tpu.memory_space<semaphore_mem>>)
    %dma_wait3A = arith.constant 0 : i32
    %dma_wait3A_56 = arith.constant 0 : i32
    %dma_wait3A_57 = tpu.memref_slice %arg2[%select_n3A, %dma_wait3A, %add3A_35, %dma_wait3A_56] : memref<8x1x512x512xf32, #tpu.memory_space<hbm>> -> memref<1x1x32x512xf32, #tpu.memory_space<hbm>>
    %dma_wait3A_58 = tpu.memref_squeeze %dma_wait3A_57 : memref<1x1x32x512xf32, #tpu.memory_space<hbm>> -> memref<32x512xf32, #tpu.memory_space<hbm>>
    %dma_wait3A_59 = arith.constant 0 : i32
    %dma_wait3A_60 = tpu.memref_slice %arg2[%select_n3A, %dma_wait3A, %add3A_35, %dma_wait3A_59] : memref<8x1x512x512xf32, #tpu.memory_space<hbm>> -> memref<1x1x32x512xf32, #tpu.memory_space<hbm>>
    %dma_wait3A_61 = tpu.memref_squeeze %dma_wait3A_60 : memref<1x1x32x512xf32, #tpu.memory_space<hbm>> -> memref<32x512xf32, #tpu.memory_space<hbm>>
    tpu.wait_dma2 semaphore(%arg13 : memref<!tpu.dma_semaphore, #tpu.memory_space<semaphore_mem>>) src(%dma_wait3A_61 : memref<32x512xf32, #tpu.memory_space<hbm>>) dst(%arg6 : memref<32x512xf32, #tpu.memory_space<vmem>>)
    %dma_wait3A_62 = arith.constant 0 : i32
    %dma_wait3A_63 = arith.constant 0 : i32
    %dma_wait3A_64 = tpu.memref_slice %arg3[%select_n3A, %dma_wait3A_62, %add3A_35, %dma_wait3A_63] : memref<8x1x512x512xf32, #tpu.memory_space<hbm>> -> memref<1x1x32x512xf32, #tpu.memory_space<hbm>>
    %dma_wait3A_65 = tpu.memref_squeeze %dma_wait3A_64 : memref<1x1x32x512xf32, #tpu.memory_space<hbm>> -> memref<32x512xf32, #tpu.memory_space<hbm>>
    %dma_wait3A_66 = arith.constant 0 : i32
    %dma_wait3A_67 = tpu.memref_slice %arg3[%select_n3A, %dma_wait3A_62, %add3A_35, %dma_wait3A_66] : memref<8x1x512x512xf32, #tpu.memory_space<hbm>> -> memref<1x1x32x512xf32, #tpu.memory_space<hbm>>
    %dma_wait3A_68 = tpu.memref_squeeze %dma_wait3A_67 : memref<1x1x32x512xf32, #tpu.memory_space<hbm>> -> memref<32x512xf32, #tpu.memory_space<hbm>>
    tpu.wait_dma2 semaphore(%arg13 : memref<!tpu.dma_semaphore, #tpu.memory_space<semaphore_mem>>) src(%dma_wait3A_68 : memref<32x512xf32, #tpu.memory_space<hbm>>) dst(%arg7 : memref<32x512xf32, #tpu.memory_space<vmem>>)
    %dma_wait3A_69 = arith.constant 0 : i32
    %dma_wait3A_70 = arith.constant 0 : i32
    %dma_wait3A_71 = tpu.memref_slice %arg4[%select_n3A, %dma_wait3A_69, %add3A_35, %dma_wait3A_70] : memref<8x1x512x512xf32, #tpu.memory_space<hbm>> -> memref<1x1x32x512xf32, #tpu.memory_space<hbm>>
    %dma_wait3A_72 = tpu.memref_squeeze %dma_wait3A_71 : memref<1x1x32x512xf32, #tpu.memory_space<hbm>> -> memref<32x512xf32, #tpu.memory_space<hbm>>
    %dma_wait3A_73 = arith.constant 0 : i32
    %dma_wait3A_74 = tpu.memref_slice %arg4[%select_n3A, %dma_wait3A_69, %add3A_35, %dma_wait3A_73] : memref<8x1x512x512xf32, #tpu.memory_space<hbm>> -> memref<1x1x32x512xf32, #tpu.memory_space<hbm>>
    %dma_wait3A_75 = tpu.memref_squeeze %dma_wait3A_74 : memref<1x1x32x512xf32, #tpu.memory_space<hbm>> -> memref<32x512xf32, #tpu.memory_space<hbm>>
    tpu.wait_dma2 semaphore(%arg13 : memref<!tpu.dma_semaphore, #tpu.memory_space<semaphore_mem>>) src(%dma_wait3A_75 : memref<32x512xf32, #tpu.memory_space<hbm>>) dst(%arg8 : memref<32x512xf32, #tpu.memory_space<vmem>>)
    %add3A_76 = arith.constant 32 : i32
    %add3A_77 = arith.addi %mul3A_32, %add3A_76 : i32
    %dma_start3A_78 = arith.constant 0 : i32
    %dma_start3A_79 = arith.constant 0 : i32
    %dma_start3A_80 = tpu.memref_slice %arg2[%select_n3A, %dma_start3A_78, %add3A_77, %dma_start3A_79] : memref<8x1x512x512xf32, #tpu.memory_space<hbm>> -> memref<1x1x32x512xf32, #tpu.memory_space<hbm>>
    %dma_start3A_81 = tpu.memref_squeeze %dma_start3A_80 : memref<1x1x32x512xf32, #tpu.memory_space<hbm>> -> memref<32x512xf32, #tpu.memory_space<hbm>>
    %dma_start3A_82 = arith.constant 0 : i32
    %dma_start3A_83 = tpu.memref_slice %arg2[%select_n3A, %dma_start3A_78, %add3A_77, %dma_start3A_82] : memref<8x1x512x512xf32, #tpu.memory_space<hbm>> -> memref<1x1x32x512xf32, #tpu.memory_space<hbm>>
    %dma_start3A_84 = tpu.memref_squeeze %dma_start3A_83 : memref<1x1x32x512xf32, #tpu.memory_space<hbm>> -> memref<32x512xf32, #tpu.memory_space<hbm>>
    tpu.enqueue_dma source(%dma_start3A_84 : memref<32x512xf32, #tpu.memory_space<hbm>>) target(%arg9 : memref<32x512xf32, #tpu.memory_space<vmem>>) target_semaphore(%arg14 : memref<!tpu.dma_semaphore, #tpu.memory_space<semaphore_mem>>)
    %dma_start3A_85 = arith.constant 0 : i32
    %dma_start3A_86 = arith.constant 0 : i32
    %dma_start3A_87 = tpu.memref_slice %arg3[%select_n3A, %dma_start3A_85, %add3A_77, %dma_start3A_86] : memref<8x1x512x512xf32, #tpu.memory_space<hbm>> -> memref<1x1x32x512xf32, #tpu.memory_space<hbm>>
    %dma_start3A_88 = tpu.memref_squeeze %dma_start3A_87 : memref<1x1x32x512xf32, #tpu.memory_space<hbm>> -> memref<32x512xf32, #tpu.memory_space<hbm>>
    %dma_start3A_89 = arith.constant 0 : i32
    %dma_start3A_90 = tpu.memref_slice %arg3[%select_n3A, %dma_start3A_85, %add3A_77, %dma_start3A_89] : memref<8x1x512x512xf32, #tpu.memory_space<hbm>> -> memref<1x1x32x512xf32, #tpu.memory_space<hbm>>
    %dma_start3A_91 = tpu.memref_squeeze %dma_start3A_90 : memref<1x1x32x512xf32, #tpu.memory_space<hbm>> -> memref<32x512xf32, #tpu.memory_space<hbm>>
    tpu.enqueue_dma source(%dma_start3A_91 : memref<32x512xf32, #tpu.memory_space<hbm>>) target(%arg10 : memref<32x512xf32, #tpu.memory_space<vmem>>) target_semaphore(%arg14 : memref<!tpu.dma_semaphore, #tpu.memory_space<semaphore_mem>>)
    %dma_start3A_92 = arith.constant 0 : i32
    %dma_start3A_93 = arith.constant 0 : i32
    %dma_start3A_94 = tpu.memref_slice %arg4[%select_n3A, %dma_start3A_92, %add3A_77, %dma_start3A_93] : memref<8x1x512x512xf32, #tpu.memory_space<hbm>> -> memref<1x1x32x512xf32, #tpu.memory_space<hbm>>
    %dma_start3A_95 = tpu.memref_squeeze %dma_start3A_94 : memref<1x1x32x512xf32, #tpu.memory_space<hbm>> -> memref<32x512xf32, #tpu.memory_space<hbm>>
    %dma_start3A_96 = arith.constant 0 : i32
    %dma_start3A_97 = tpu.memref_slice %arg4[%select_n3A, %dma_start3A_92, %add3A_77, %dma_start3A_96] : memref<8x1x512x512xf32, #tpu.memory_space<hbm>> -> memref<1x1x32x512xf32, #tpu.memory_space<hbm>>
    %dma_start3A_98 = tpu.memref_squeeze %dma_start3A_97 : memref<1x1x32x512xf32, #tpu.memory_space<hbm>> -> memref<32x512xf32, #tpu.memory_space<hbm>>
    tpu.enqueue_dma source(%dma_start3A_98 : memref<32x512xf32, #tpu.memory_space<hbm>>) target(%arg11 : memref<32x512xf32, #tpu.memory_space<vmem>>) target_semaphore(%arg14 : memref<!tpu.dma_semaphore, #tpu.memory_space<semaphore_mem>>)
    %scan3A = arith.constant 0 : i32
    %scan3A_99 = arith.constant 32 : i32
    %scan3A_100 = arith.addi %scan3A, %scan3A_99 : i32
    %scan3A_101 = arith.constant 1 : i32
    %scan3A_102:4 = scf.for %scan3A_254 = %scan3A to %scan3A_100 step %scan3A_101 iter_args(%scan3A_255 = %broadcast_in_dim3A_33, %scan3A_256 = %broadcast_in_dim3A_33, %scan3A_257 = %broadcast_in_dim3A_33, %scan3A_258 = %broadcast_in_dim3A_33) -> (vector<16xf32>, vector<16xf32>, vector<16xf32>, vector<16xf32>)  : i32 {
      %scan3A_259 = arith.constant 0 : i32
      %scan3A_260 = arith.constant 8 : i32
      %scan3A_261 = arith.addi %scan3A_259, %scan3A_260 : i32
      %scan3A_262 = arith.constant 1 : i32
      %scan3A_263:4 = scf.for %scan3A_265 = %scan3A_259 to %scan3A_261 step %scan3A_262 iter_args(%scan3A_266 = %scan3A_255, %scan3A_267 = %scan3A_256, %scan3A_268 = %scan3A_257, %scan3A_269 = %scan3A_258) -> (vector<16xf32>, vector<16xf32>, vector<16xf32>, vector<16xf32>)  : i32 {
        %mul3A_270 = arith.constant 4 : i32
        %mul3A_271 = arith.muli %scan3A_265, %mul3A_270 : i32
        %add3A_272 = arith.constant 0 : i32
        %add3A_273 = arith.addi %mul3A_271, %add3A_272 : i32
        %mul3A_274 = arith.constant 16 : i32
        %mul3A_275 = arith.muli %add3A_273, %mul3A_274 : i32
        %get3A = arith.index_cast %scan3A_254 : i32 to index
        %get3A_276 = arith.index_cast %mul3A_275 : i32 to index
        %get3A_277 = tpu.vector_load %arg6[%get3A, %get3A_276] {strides = array<i32>} : memref<32x512xf32, #tpu.memory_space<vmem>>, vector<1x16xf32>,
        %get3A_278 = vector.shape_cast %get3A_277 : vector<1x16xf32> to vector<16xf32>
        %get3A_279 = arith.index_cast %scan3A_254 : i32 to index
        %get3A_280 = arith.index_cast %mul3A_275 : i32 to index
        %get3A_281 = tpu.vector_load %arg7[%get3A_279, %get3A_280] {strides = array<i32>} : memref<32x512xf32, #tpu.memory_space<vmem>>, vector<1x16xf32>,
        %get3A_282 = vector.shape_cast %get3A_281 : vector<1x16xf32> to vector<16xf32>
        %get3A_283 = arith.index_cast %scan3A_254 : i32 to index
        %get3A_284 = arith.index_cast %mul3A_275 : i32 to index
        %get3A_285 = tpu.vector_load %arg8[%get3A_283, %get3A_284] {strides = array<i32>} : memref<32x512xf32, #tpu.memory_space<vmem>>, vector<1x16xf32>,
        %get3A_286 = vector.shape_cast %get3A_285 : vector<1x16xf32> to vector<16xf32>
        %gt3A = arith.constant 5.000000e-01 : f32
        %gt3A_287 = vector.broadcast %gt3A : f32 to vector<16xf32>
        %gt3A_288 = arith.cmpf ogt, %get3A_282, %gt3A_287 : vector<16xf32>
        %jit3A_289 = arith.constant 1.000000e+00 : f32
        %jit3A_290 = arith.constant 0.000000e+00 : f32
        %broadcast_in_dim3A_291 = vector.broadcast %jit3A_289 : f32 to vector<16xf32>
        %broadcast_in_dim3A_292 = vector.broadcast %jit3A_290 : f32 to vector<16xf32>
        %select_n3A_293 = arith.select %gt3A_288, %broadcast_in_dim3A_291, %broadcast_in_dim3A_292 : vector<16xi1>, vector<16xf32>
        %mul3A_294 = arith.mulf %select_n3A_293, %get3A_286 : vector<16xf32>
        %bitcast_convert_type3A = tpu.bitcast %get3A_278 : vector<16xf32> -> vector<16xi32>
        %shift_right_arithmetic3A = arith.constant 23 : i32
        %shift_right_arithmetic3A_295 = vector.broadcast %shift_right_arithmetic3A : i32 to vector<16xi32>
        %shift_right_arithmetic3A_296 = arith.shrsi %bitcast_convert_type3A, %shift_right_arithmetic3A_295 : vector<16xi32>
        %convert_element_type3A = arith.sitofp %shift_right_arithmetic3A_296 : vector<16xi32> to vector<16xf32>
        %and3A_297 = arith.constant 8388607 : i32
        %and3A_298 = vector.broadcast %and3A_297 : i32 to vector<16xi32>
        %and3A_299 = arith.andi %bitcast_convert_type3A, %and3A_298 : vector<16xi32>
        %or3A = arith.constant 1065353216 : i32
        %or3A_300 = vector.broadcast %or3A : i32 to vector<16xi32>
        %or3A_301 = arith.ori %and3A_299, %or3A_300 : vector<16xi32>
        %bitcast_convert_type3A_302 = tpu.bitcast %or3A_301 : vector<16xi32> -> vector<16xf32>
        %sub3A_303 = arith.constant 1.000000e+00 : f32
        %sub3A_304 = vector.broadcast %sub3A_303 : f32 to vector<16xf32>
        %sub3A_305 = arith.subf %bitcast_convert_type3A_302, %sub3A_304 : vector<16xf32>
        %add3A_306 = arith.constant 1.000000e+00 : f32
        %add3A_307 = vector.broadcast %add3A_306 : f32 to vector<16xf32>
        %add3A_308 = arith.addf %bitcast_convert_type3A_302, %add3A_307 : vector<16xf32>
        %div3A_309 = arith.divf %sub3A_305, %add3A_308 : vector<16xf32>
        %mul3A_310 = arith.mulf %div3A_309, %div3A_309 : vector<16xf32>
        %mul3A_311 = arith.constant 2.000000e-01 : f32
        %mul3A_312 = vector.broadcast %mul3A_311 : f32 to vector<16xf32>
        %mul3A_313 = arith.mulf %mul3A_310, %mul3A_312 : vector<16xf32>
        %add3A_314 = arith.constant 0.333333343 : f32
        %add3A_315 = vector.broadcast %add3A_314 : f32 to vector<16xf32>
        %add3A_316 = arith.addf %add3A_315, %mul3A_313 : vector<16xf32>
        %mul3A_317 = arith.mulf %mul3A_310, %add3A_316 : vector<16xf32>
        %add3A_318 = arith.constant 1.000000e+00 : f32
        %add3A_319 = vector.broadcast %add3A_318 : f32 to vector<16xf32>
        %add3A_320 = arith.addf %add3A_319, %mul3A_317 : vector<16xf32>
        %mul3A_321 = arith.constant 0.693147182 : f32
        %mul3A_322 = vector.broadcast %mul3A_321 : f32 to vector<16xf32>
        %mul3A_323 = arith.mulf %convert_element_type3A, %mul3A_322 : vector<16xf32>
        %add3A_324 = arith.addf %div3A_309, %div3A_309 : vector<16xf32>
        %mul3A_325 = arith.mulf %add3A_324, %add3A_320 : vector<16xf32>
        %add3A_326 = arith.addf %mul3A_323, %mul3A_325 : vector<16xf32>
        %sub3A_327 = arith.constant 1.000000e+00 : f32
        %sub3A_328 = vector.broadcast %sub3A_327 : f32 to vector<16xf32>
        %sub3A_329 = arith.subf %sub3A_328, %get3A_278 : vector<16xf32>
        %bitcast_convert_type3A_330 = tpu.bitcast %sub3A_329 : vector<16xf32> -> vector<16xi32>
        %shift_right_arithmetic3A_331 = arith.constant 23 : i32
        %shift_right_arithmetic3A_332 = vector.broadcast %shift_right_arithmetic3A_331 : i32 to vector<16xi32>
        %shift_right_arithmetic3A_333 = arith.shrsi %bitcast_convert_type3A_330, %shift_right_arithmetic3A_332 : vector<16xi32>
        %convert_element_type3A_334 = arith.sitofp %shift_right_arithmetic3A_333 : vector<16xi32> to vector<16xf32>
        %and3A_335 = arith.constant 8388607 : i32
        %and3A_336 = vector.broadcast %and3A_335 : i32 to vector<16xi32>
        %and3A_337 = arith.andi %bitcast_convert_type3A_330, %and3A_336 : vector<16xi32>
        %or3A_338 = arith.constant 1065353216 : i32
        %or3A_339 = vector.broadcast %or3A_338 : i32 to vector<16xi32>
        %or3A_340 = arith.ori %and3A_337, %or3A_339 : vector<16xi32>
        %bitcast_convert_type3A_341 = tpu.bitcast %or3A_340 : vector<16xi32> -> vector<16xf32>
        %sub3A_342 = arith.constant 1.000000e+00 : f32
        %sub3A_343 = vector.broadcast %sub3A_342 : f32 to vector<16xf32>
        %sub3A_344 = arith.subf %bitcast_convert_type3A_341, %sub3A_343 : vector<16xf32>
        %add3A_345 = arith.constant 1.000000e+00 : f32
        %add3A_346 = vector.broadcast %add3A_345 : f32 to vector<16xf32>
        %add3A_347 = arith.addf %bitcast_convert_type3A_341, %add3A_346 : vector<16xf32>
        %div3A_348 = arith.divf %sub3A_344, %add3A_347 : vector<16xf32>
        %mul3A_349 = arith.mulf %div3A_348, %div3A_348 : vector<16xf32>
        %mul3A_350 = arith.constant 2.000000e-01 : f32
        %mul3A_351 = vector.broadcast %mul3A_350 : f32 to vector<16xf32>
        %mul3A_352 = arith.mulf %mul3A_349, %mul3A_351 : vector<16xf32>
        %add3A_353 = arith.constant 0.333333343 : f32
        %add3A_354 = vector.broadcast %add3A_353 : f32 to vector<16xf32>
        %add3A_355 = arith.addf %add3A_354, %mul3A_352 : vector<16xf32>
        %mul3A_356 = arith.mulf %mul3A_349, %add3A_355 : vector<16xf32>
        %add3A_357 = arith.constant 1.000000e+00 : f32
        %add3A_358 = vector.broadcast %add3A_357 : f32 to vector<16xf32>
        %add3A_359 = arith.addf %add3A_358, %mul3A_356 : vector<16xf32>
        %mul3A_360 = arith.constant 0.693147182 : f32
        %mul3A_361 = vector.broadcast %mul3A_360 : f32 to vector<16xf32>
        %mul3A_362 = arith.mulf %convert_element_type3A_334, %mul3A_361 : vector<16xf32>
        %add3A_363 = arith.addf %div3A_348, %div3A_348 : vector<16xf32>
        %mul3A_364 = arith.mulf %add3A_363, %add3A_359 : vector<16xf32>
        %add3A_365 = arith.addf %mul3A_362, %mul3A_364 : vector<16xf32>
        %sub3A_366 = arith.subf %add3A_326, %add3A_365 : vector<16xf32>
        %mul3A_367 = arith.mulf %get3A_282, %sub3A_366 : vector<16xf32>
        %add3A_368 = arith.addf %add3A_365, %mul3A_367 : vector<16xf32>
        %add3A_369 = arith.addf %scan3A_266, %mul3A_294 : vector<16xf32>
        %add3A_370 = arith.addf %scan3A_267, %get3A_286 : vector<16xf32>
        %mul3A_371 = arith.mulf %add3A_368, %mul3A_294 : vector<16xf32>
        %add3A_372 = arith.addf %scan3A_268, %mul3A_371 : vector<16xf32>
        %mul3A_373 = arith.mulf %add3A_368, %get3A_286 : vector<16xf32>
        %add3A_374 = arith.addf %scan3A_269, %mul3A_373 : vector<16xf32>
        %mul3A_375 = arith.constant 4 : i32
        %mul3A_376 = arith.muli %scan3A_265, %mul3A_375 : i32
        %add3A_377 = arith.constant 1 : i32
        %add3A_378 = arith.addi %mul3A_376, %add3A_377 : i32
        %mul3A_379 = arith.constant 16 : i32
        %mul3A_380 = arith.muli %add3A_378, %mul3A_379 : i32
        %get3A_381 = arith.index_cast %scan3A_254 : i32 to index
        %get3A_382 = arith.index_cast %mul3A_380 : i32 to index
        %get3A_383 = tpu.vector_load %arg6[%get3A_381, %get3A_382] {strides = array<i32>} : memref<32x512xf32, #tpu.memory_space<vmem>>, vector<1x16xf32>,
        %get3A_384 = vector.shape_cast %get3A_383 : vector<1x16xf32> to vector<16xf32>
        %get3A_385 = arith.index_cast %scan3A_254 : i32 to index
        %get3A_386 = arith.index_cast %mul3A_380 : i32 to index
        %get3A_387 = tpu.vector_load %arg7[%get3A_385, %get3A_386] {strides = array<i32>} : memref<32x512xf32, #tpu.memory_space<vmem>>, vector<1x16xf32>,
        %get3A_388 = vector.shape_cast %get3A_387 : vector<1x16xf32> to vector<16xf32>
        %get3A_389 = arith.index_cast %scan3A_254 : i32 to index
        %get3A_390 = arith.index_cast %mul3A_380 : i32 to index
        %get3A_391 = tpu.vector_load %arg8[%get3A_389, %get3A_390] {strides = array<i32>} : memref<32x512xf32, #tpu.memory_space<vmem>>, vector<1x16xf32>,
        %get3A_392 = vector.shape_cast %get3A_391 : vector<1x16xf32> to vector<16xf32>
        %gt3A_393 = arith.constant 5.000000e-01 : f32
        %gt3A_394 = vector.broadcast %gt3A_393 : f32 to vector<16xf32>
        %gt3A_395 = arith.cmpf ogt, %get3A_388, %gt3A_394 : vector<16xf32>
        %jit3A_396 = arith.constant 1.000000e+00 : f32
        %jit3A_397 = arith.constant 0.000000e+00 : f32
        %broadcast_in_dim3A_398 = vector.broadcast %jit3A_396 : f32 to vector<16xf32>
        %broadcast_in_dim3A_399 = vector.broadcast %jit3A_397 : f32 to vector<16xf32>
        %select_n3A_400 = arith.select %gt3A_395, %broadcast_in_dim3A_398, %broadcast_in_dim3A_399 : vector<16xi1>, vector<16xf32>
        %mul3A_401 = arith.mulf %select_n3A_400, %get3A_392 : vector<16xf32>
        %bitcast_convert_type3A_402 = tpu.bitcast %get3A_384 : vector<16xf32> -> vector<16xi32>
        %shift_right_arithmetic3A_403 = arith.constant 23 : i32
        %shift_right_arithmetic3A_404 = vector.broadcast %shift_right_arithmetic3A_403 : i32 to vector<16xi32>
        %shift_right_arithmetic3A_405 = arith.shrsi %bitcast_convert_type3A_402, %shift_right_arithmetic3A_404 : vector<16xi32>
        %convert_element_type3A_406 = arith.sitofp %shift_right_arithmetic3A_405 : vector<16xi32> to vector<16xf32>
        %and3A_407 = arith.constant 8388607 : i32
        %and3A_408 = vector.broadcast %and3A_407 : i32 to vector<16xi32>
        %and3A_409 = arith.andi %bitcast_convert_type3A_402, %and3A_408 : vector<16xi32>
        %or3A_410 = arith.constant 1065353216 : i32
        %or3A_411 = vector.broadcast %or3A_410 : i32 to vector<16xi32>
        %or3A_412 = arith.ori %and3A_409, %or3A_411 : vector<16xi32>
        %bitcast_convert_type3A_413 = tpu.bitcast %or3A_412 : vector<16xi32> -> vector<16xf32>
        %sub3A_414 = arith.constant 1.000000e+00 : f32
        %sub3A_415 = vector.broadcast %sub3A_414 : f32 to vector<16xf32>
        %sub3A_416 = arith.subf %bitcast_convert_type3A_413, %sub3A_415 : vector<16xf32>
        %add3A_417 = arith.constant 1.000000e+00 : f32
        %add3A_418 = vector.broadcast %add3A_417 : f32 to vector<16xf32>
        %add3A_419 = arith.addf %bitcast_convert_type3A_413, %add3A_418 : vector<16xf32>
        %div3A_420 = arith.divf %sub3A_416, %add3A_419 : vector<16xf32>
        %mul3A_421 = arith.mulf %div3A_420, %div3A_420 : vector<16xf32>
        %mul3A_422 = arith.constant 2.000000e-01 : f32
        %mul3A_423 = vector.broadcast %mul3A_422 : f32 to vector<16xf32>
        %mul3A_424 = arith.mulf %mul3A_421, %mul3A_423 : vector<16xf32>
        %add3A_425 = arith.constant 0.333333343 : f32
        %add3A_426 = vector.broadcast %add3A_425 : f32 to vector<16xf32>
        %add3A_427 = arith.addf %add3A_426, %mul3A_424 : vector<16xf32>
        %mul3A_428 = arith.mulf %mul3A_421, %add3A_427 : vector<16xf32>
        %add3A_429 = arith.constant 1.000000e+00 : f32
        %add3A_430 = vector.broadcast %add3A_429 : f32 to vector<16xf32>
        %add3A_431 = arith.addf %add3A_430, %mul3A_428 : vector<16xf32>
        %mul3A_432 = arith.constant 0.693147182 : f32
        %mul3A_433 = vector.broadcast %mul3A_432 : f32 to vector<16xf32>
        %mul3A_434 = arith.mulf %convert_element_type3A_406, %mul3A_433 : vector<16xf32>
        %add3A_435 = arith.addf %div3A_420, %div3A_420 : vector<16xf32>
        %mul3A_436 = arith.mulf %add3A_435, %add3A_431 : vector<16xf32>
        %add3A_437 = arith.addf %mul3A_434, %mul3A_436 : vector<16xf32>
        %sub3A_438 = arith.constant 1.000000e+00 : f32
        %sub3A_439 = vector.broadcast %sub3A_438 : f32 to vector<16xf32>
        %sub3A_440 = arith.subf %sub3A_439, %get3A_384 : vector<16xf32>
        %bitcast_convert_type3A_441 = tpu.bitcast %sub3A_440 : vector<16xf32> -> vector<16xi32>
        %shift_right_arithmetic3A_442 = arith.constant 23 : i32
        %shift_right_arithmetic3A_443 = vector.broadcast %shift_right_arithmetic3A_442 : i32 to vector<16xi32>
        %shift_right_arithmetic3A_444 = arith.shrsi %bitcast_convert_type3A_441, %shift_right_arithmetic3A_443 : vector<16xi32>
        %convert_element_type3A_445 = arith.sitofp %shift_right_arithmetic3A_444 : vector<16xi32> to vector<16xf32>
        %and3A_446 = arith.constant 8388607 : i32
        %and3A_447 = vector.broadcast %and3A_446 : i32 to vector<16xi32>
        %and3A_448 = arith.andi %bitcast_convert_type3A_441, %and3A_447 : vector<16xi32>
        %or3A_449 = arith.constant 1065353216 : i32
        %or3A_450 = vector.broadcast %or3A_449 : i32 to vector<16xi32>
        %or3A_451 = arith.ori %and3A_448, %or3A_450 : vector<16xi32>
        %bitcast_convert_type3A_452 = tpu.bitcast %or3A_451 : vector<16xi32> -> vector<16xf32>
        %sub3A_453 = arith.constant 1.000000e+00 : f32
        %sub3A_454 = vector.broadcast %sub3A_453 : f32 to vector<16xf32>
        %sub3A_455 = arith.subf %bitcast_convert_type3A_452, %sub3A_454 : vector<16xf32>
        %add3A_456 = arith.constant 1.000000e+00 : f32
        %add3A_457 = vector.broadcast %add3A_456 : f32 to vector<16xf32>
        %add3A_458 = arith.addf %bitcast_convert_type3A_452, %add3A_457 : vector<16xf32>
        %div3A_459 = arith.divf %sub3A_455, %add3A_458 : vector<16xf32>
        %mul3A_460 = arith.mulf %div3A_459, %div3A_459 : vector<16xf32>
        %mul3A_461 = arith.constant 2.000000e-01 : f32
        %mul3A_462 = vector.broadcast %mul3A_461 : f32 to vector<16xf32>
        %mul3A_463 = arith.mulf %mul3A_460, %mul3A_462 : vector<16xf32>
        %add3A_464 = arith.constant 0.333333343 : f32
        %add3A_465 = vector.broadcast %add3A_464 : f32 to vector<16xf32>
        %add3A_466 = arith.addf %add3A_465, %mul3A_463 : vector<16xf32>
        %mul3A_467 = arith.mulf %mul3A_460, %add3A_466 : vector<16xf32>
        %add3A_468 = arith.constant 1.000000e+00 : f32
        %add3A_469 = vector.broadcast %add3A_468 : f32 to vector<16xf32>
        %add3A_470 = arith.addf %add3A_469, %mul3A_467 : vector<16xf32>
        %mul3A_471 = arith.constant 0.693147182 : f32
        %mul3A_472 = vector.broadcast %mul3A_471 : f32 to vector<16xf32>
        %mul3A_473 = arith.mulf %convert_element_type3A_445, %mul3A_472 : vector<16xf32>
        %add3A_474 = arith.addf %div3A_459, %div3A_459 : vector<16xf32>
        %mul3A_475 = arith.mulf %add3A_474, %add3A_470 : vector<16xf32>
        %add3A_476 = arith.addf %mul3A_473, %mul3A_475 : vector<16xf32>
        %sub3A_477 = arith.subf %add3A_437, %add3A_476 : vector<16xf32>
        %mul3A_478 = arith.mulf %get3A_388, %sub3A_477 : vector<16xf32>
        %add3A_479 = arith.addf %add3A_476, %mul3A_478 : vector<16xf32>
        %add3A_480 = arith.addf %add3A_369, %mul3A_401 : vector<16xf32>
        %add3A_481 = arith.addf %add3A_370, %get3A_392 : vector<16xf32>
        %mul3A_482 = arith.mulf %add3A_479, %mul3A_401 : vector<16xf32>
        %add3A_483 = arith.addf %add3A_372, %mul3A_482 : vector<16xf32>
        %mul3A_484 = arith.mulf %add3A_479, %get3A_392 : vector<16xf32>
        %add3A_485 = arith.addf %add3A_374, %mul3A_484 : vector<16xf32>
        %mul3A_486 = arith.constant 4 : i32
        %mul3A_487 = arith.muli %scan3A_265, %mul3A_486 : i32
        %add3A_488 = arith.constant 2 : i32
        %add3A_489 = arith.addi %mul3A_487, %add3A_488 : i32
        %mul3A_490 = arith.constant 16 : i32
        %mul3A_491 = arith.muli %add3A_489, %mul3A_490 : i32
        %get3A_492 = arith.index_cast %scan3A_254 : i32 to index
        %get3A_493 = arith.index_cast %mul3A_491 : i32 to index
        %get3A_494 = tpu.vector_load %arg6[%get3A_492, %get3A_493] {strides = array<i32>} : memref<32x512xf32, #tpu.memory_space<vmem>>, vector<1x16xf32>,
        %get3A_495 = vector.shape_cast %get3A_494 : vector<1x16xf32> to vector<16xf32>
        %get3A_496 = arith.index_cast %scan3A_254 : i32 to index
        %get3A_497 = arith.index_cast %mul3A_491 : i32 to index
        %get3A_498 = tpu.vector_load %arg7[%get3A_496, %get3A_497] {strides = array<i32>} : memref<32x512xf32, #tpu.memory_space<vmem>>, vector<1x16xf32>,
        %get3A_499 = vector.shape_cast %get3A_498 : vector<1x16xf32> to vector<16xf32>
        %get3A_500 = arith.index_cast %scan3A_254 : i32 to index
        %get3A_501 = arith.index_cast %mul3A_491 : i32 to index
        %get3A_502 = tpu.vector_load %arg8[%get3A_500, %get3A_501] {strides = array<i32>} : memref<32x512xf32, #tpu.memory_space<vmem>>, vector<1x16xf32>,
        %get3A_503 = vector.shape_cast %get3A_502 : vector<1x16xf32> to vector<16xf32>
        %gt3A_504 = arith.constant 5.000000e-01 : f32
        %gt3A_505 = vector.broadcast %gt3A_504 : f32 to vector<16xf32>
        %gt3A_506 = arith.cmpf ogt, %get3A_499, %gt3A_505 : vector<16xf32>
        %jit3A_507 = arith.constant 1.000000e+00 : f32
        %jit3A_508 = arith.constant 0.000000e+00 : f32
        %broadcast_in_dim3A_509 = vector.broadcast %jit3A_507 : f32 to vector<16xf32>
        %broadcast_in_dim3A_510 = vector.broadcast %jit3A_508 : f32 to vector<16xf32>
        %select_n3A_511 = arith.select %gt3A_506, %broadcast_in_dim3A_509, %broadcast_in_dim3A_510 : vector<16xi1>, vector<16xf32>
        %mul3A_512 = arith.mulf %select_n3A_511, %get3A_503 : vector<16xf32>
        %bitcast_convert_type3A_513 = tpu.bitcast %get3A_495 : vector<16xf32> -> vector<16xi32>
        %shift_right_arithmetic3A_514 = arith.constant 23 : i32
        %shift_right_arithmetic3A_515 = vector.broadcast %shift_right_arithmetic3A_514 : i32 to vector<16xi32>
        %shift_right_arithmetic3A_516 = arith.shrsi %bitcast_convert_type3A_513, %shift_right_arithmetic3A_515 : vector<16xi32>
        %convert_element_type3A_517 = arith.sitofp %shift_right_arithmetic3A_516 : vector<16xi32> to vector<16xf32>
        %and3A_518 = arith.constant 8388607 : i32
        %and3A_519 = vector.broadcast %and3A_518 : i32 to vector<16xi32>
        %and3A_520 = arith.andi %bitcast_convert_type3A_513, %and3A_519 : vector<16xi32>
        %or3A_521 = arith.constant 1065353216 : i32
        %or3A_522 = vector.broadcast %or3A_521 : i32 to vector<16xi32>
        %or3A_523 = arith.ori %and3A_520, %or3A_522 : vector<16xi32>
        %bitcast_convert_type3A_524 = tpu.bitcast %or3A_523 : vector<16xi32> -> vector<16xf32>
        %sub3A_525 = arith.constant 1.000000e+00 : f32
        %sub3A_526 = vector.broadcast %sub3A_525 : f32 to vector<16xf32>
        %sub3A_527 = arith.subf %bitcast_convert_type3A_524, %sub3A_526 : vector<16xf32>
        %add3A_528 = arith.constant 1.000000e+00 : f32
        %add3A_529 = vector.broadcast %add3A_528 : f32 to vector<16xf32>
        %add3A_530 = arith.addf %bitcast_convert_type3A_524, %add3A_529 : vector<16xf32>
        %div3A_531 = arith.divf %sub3A_527, %add3A_530 : vector<16xf32>
        %mul3A_532 = arith.mulf %div3A_531, %div3A_531 : vector<16xf32>
        %mul3A_533 = arith.constant 2.000000e-01 : f32
        %mul3A_534 = vector.broadcast %mul3A_533 : f32 to vector<16xf32>
        %mul3A_535 = arith.mulf %mul3A_532, %mul3A_534 : vector<16xf32>
        %add3A_536 = arith.constant 0.333333343 : f32
        %add3A_537 = vector.broadcast %add3A_536 : f32 to vector<16xf32>
        %add3A_538 = arith.addf %add3A_537, %mul3A_535 : vector<16xf32>
        %mul3A_539 = arith.mulf %mul3A_532, %add3A_538 : vector<16xf32>
        %add3A_540 = arith.constant 1.000000e+00 : f32
        %add3A_541 = vector.broadcast %add3A_540 : f32 to vector<16xf32>
        %add3A_542 = arith.addf %add3A_541, %mul3A_539 : vector<16xf32>
        %mul3A_543 = arith.constant 0.693147182 : f32
        %mul3A_544 = vector.broadcast %mul3A_543 : f32 to vector<16xf32>
        %mul3A_545 = arith.mulf %convert_element_type3A_517, %mul3A_544 : vector<16xf32>
        %add3A_546 = arith.addf %div3A_531, %div3A_531 : vector<16xf32>
        %mul3A_547 = arith.mulf %add3A_546, %add3A_542 : vector<16xf32>
        %add3A_548 = arith.addf %mul3A_545, %mul3A_547 : vector<16xf32>
        %sub3A_549 = arith.constant 1.000000e+00 : f32
        %sub3A_550 = vector.broadcast %sub3A_549 : f32 to vector<16xf32>
        %sub3A_551 = arith.subf %sub3A_550, %get3A_495 : vector<16xf32>
        %bitcast_convert_type3A_552 = tpu.bitcast %sub3A_551 : vector<16xf32> -> vector<16xi32>
        %shift_right_arithmetic3A_553 = arith.constant 23 : i32
        %shift_right_arithmetic3A_554 = vector.broadcast %shift_right_arithmetic3A_553 : i32 to vector<16xi32>
        %shift_right_arithmetic3A_555 = arith.shrsi %bitcast_convert_type3A_552, %shift_right_arithmetic3A_554 : vector<16xi32>
        %convert_element_type3A_556 = arith.sitofp %shift_right_arithmetic3A_555 : vector<16xi32> to vector<16xf32>
        %and3A_557 = arith.constant 8388607 : i32
        %and3A_558 = vector.broadcast %and3A_557 : i32 to vector<16xi32>
        %and3A_559 = arith.andi %bitcast_convert_type3A_552, %and3A_558 : vector<16xi32>
        %or3A_560 = arith.constant 1065353216 : i32
        %or3A_561 = vector.broadcast %or3A_560 : i32 to vector<16xi32>
        %or3A_562 = arith.ori %and3A_559, %or3A_561 : vector<16xi32>
        %bitcast_convert_type3A_563 = tpu.bitcast %or3A_562 : vector<16xi32> -> vector<16xf32>
        %sub3A_564 = arith.constant 1.000000e+00 : f32
        %sub3A_565 = vector.broadcast %sub3A_564 : f32 to vector<16xf32>
        %sub3A_566 = arith.subf %bitcast_convert_type3A_563, %sub3A_565 : vector<16xf32>
        %add3A_567 = arith.constant 1.000000e+00 : f32
        %add3A_568 = vector.broadcast %add3A_567 : f32 to vector<16xf32>
        %add3A_569 = arith.addf %bitcast_convert_type3A_563, %add3A_568 : vector<16xf32>
        %div3A_570 = arith.divf %sub3A_566, %add3A_569 : vector<16xf32>
        %mul3A_571 = arith.mulf %div3A_570, %div3A_570 : vector<16xf32>
        %mul3A_572 = arith.constant 2.000000e-01 : f32
        %mul3A_573 = vector.broadcast %mul3A_572 : f32 to vector<16xf32>
        %mul3A_574 = arith.mulf %mul3A_571, %mul3A_573 : vector<16xf32>
        %add3A_575 = arith.constant 0.333333343 : f32
        %add3A_576 = vector.broadcast %add3A_575 : f32 to vector<16xf32>
        %add3A_577 = arith.addf %add3A_576, %mul3A_574 : vector<16xf32>
        %mul3A_578 = arith.mulf %mul3A_571, %add3A_577 : vector<16xf32>
        %add3A_579 = arith.constant 1.000000e+00 : f32
        %add3A_580 = vector.broadcast %add3A_579 : f32 to vector<16xf32>
        %add3A_581 = arith.addf %add3A_580, %mul3A_578 : vector<16xf32>
        %mul3A_582 = arith.constant 0.693147182 : f32
        %mul3A_583 = vector.broadcast %mul3A_582 : f32 to vector<16xf32>
        %mul3A_584 = arith.mulf %convert_element_type3A_556, %mul3A_583 : vector<16xf32>
        %add3A_585 = arith.addf %div3A_570, %div3A_570 : vector<16xf32>
        %mul3A_586 = arith.mulf %add3A_585, %add3A_581 : vector<16xf32>
        %add3A_587 = arith.addf %mul3A_584, %mul3A_586 : vector<16xf32>
        %sub3A_588 = arith.subf %add3A_548, %add3A_587 : vector<16xf32>
        %mul3A_589 = arith.mulf %get3A_499, %sub3A_588 : vector<16xf32>
        %add3A_590 = arith.addf %add3A_587, %mul3A_589 : vector<16xf32>
        %add3A_591 = arith.addf %add3A_480, %mul3A_512 : vector<16xf32>
        %add3A_592 = arith.addf %add3A_481, %get3A_503 : vector<16xf32>
        %mul3A_593 = arith.mulf %add3A_590, %mul3A_512 : vector<16xf32>
        %add3A_594 = arith.addf %add3A_483, %mul3A_593 : vector<16xf32>
        %mul3A_595 = arith.mulf %add3A_590, %get3A_503 : vector<16xf32>
        %add3A_596 = arith.addf %add3A_485, %mul3A_595 : vector<16xf32>
        %mul3A_597 = arith.constant 4 : i32
        %mul3A_598 = arith.muli %scan3A_265, %mul3A_597 : i32
        %add3A_599 = arith.constant 3 : i32
        %add3A_600 = arith.addi %mul3A_598, %add3A_599 : i32
        %mul3A_601 = arith.constant 16 : i32
        %mul3A_602 = arith.muli %add3A_600, %mul3A_601 : i32
        %get3A_603 = arith.index_cast %scan3A_254 : i32 to index
        %get3A_604 = arith.index_cast %mul3A_602 : i32 to index
        %get3A_605 = tpu.vector_load %arg6[%get3A_603, %get3A_604] {strides = array<i32>} : memref<32x512xf32, #tpu.memory_space<vmem>>, vector<1x16xf32>,
        %get3A_606 = vector.shape_cast %get3A_605 : vector<1x16xf32> to vector<16xf32>
        %get3A_607 = arith.index_cast %scan3A_254 : i32 to index
        %get3A_608 = arith.index_cast %mul3A_602 : i32 to index
        %get3A_609 = tpu.vector_load %arg7[%get3A_607, %get3A_608] {strides = array<i32>} : memref<32x512xf32, #tpu.memory_space<vmem>>, vector<1x16xf32>,
        %get3A_610 = vector.shape_cast %get3A_609 : vector<1x16xf32> to vector<16xf32>
        %get3A_611 = arith.index_cast %scan3A_254 : i32 to index
        %get3A_612 = arith.index_cast %mul3A_602 : i32 to index
        %get3A_613 = tpu.vector_load %arg8[%get3A_611, %get3A_612] {strides = array<i32>} : memref<32x512xf32, #tpu.memory_space<vmem>>, vector<1x16xf32>,
        %get3A_614 = vector.shape_cast %get3A_613 : vector<1x16xf32> to vector<16xf32>
        %gt3A_615 = arith.constant 5.000000e-01 : f32
        %gt3A_616 = vector.broadcast %gt3A_615 : f32 to vector<16xf32>
        %gt3A_617 = arith.cmpf ogt, %get3A_610, %gt3A_616 : vector<16xf32>
        %jit3A_618 = arith.constant 1.000000e+00 : f32
        %jit3A_619 = arith.constant 0.000000e+00 : f32
        %broadcast_in_dim3A_620 = vector.broadcast %jit3A_618 : f32 to vector<16xf32>
        %broadcast_in_dim3A_621 = vector.broadcast %jit3A_619 : f32 to vector<16xf32>
        %select_n3A_622 = arith.select %gt3A_617, %broadcast_in_dim3A_620, %broadcast_in_dim3A_621 : vector<16xi1>, vector<16xf32>
        %mul3A_623 = arith.mulf %select_n3A_622, %get3A_614 : vector<16xf32>
        %bitcast_convert_type3A_624 = tpu.bitcast %get3A_606 : vector<16xf32> -> vector<16xi32>
        %shift_right_arithmetic3A_625 = arith.constant 23 : i32
        %shift_right_arithmetic3A_626 = vector.broadcast %shift_right_arithmetic3A_625 : i32 to vector<16xi32>
        %shift_right_arithmetic3A_627 = arith.shrsi %bitcast_convert_type3A_624, %shift_right_arithmetic3A_626 : vector<16xi32>
        %convert_element_type3A_628 = arith.sitofp %shift_right_arithmetic3A_627 : vector<16xi32> to vector<16xf32>
        %and3A_629 = arith.constant 8388607 : i32
        %and3A_630 = vector.broadcast %and3A_629 : i32 to vector<16xi32>
        %and3A_631 = arith.andi %bitcast_convert_type3A_624, %and3A_630 : vector<16xi32>
        %or3A_632 = arith.constant 1065353216 : i32
        %or3A_633 = vector.broadcast %or3A_632 : i32 to vector<16xi32>
        %or3A_634 = arith.ori %and3A_631, %or3A_633 : vector<16xi32>
        %bitcast_convert_type3A_635 = tpu.bitcast %or3A_634 : vector<16xi32> -> vector<16xf32>
        %sub3A_636 = arith.constant 1.000000e+00 : f32
        %sub3A_637 = vector.broadcast %sub3A_636 : f32 to vector<16xf32>
        %sub3A_638 = arith.subf %bitcast_convert_type3A_635, %sub3A_637 : vector<16xf32>
        %add3A_639 = arith.constant 1.000000e+00 : f32
        %add3A_640 = vector.broadcast %add3A_639 : f32 to vector<16xf32>
        %add3A_641 = arith.addf %bitcast_convert_type3A_635, %add3A_640 : vector<16xf32>
        %div3A_642 = arith.divf %sub3A_638, %add3A_641 : vector<16xf32>
        %mul3A_643 = arith.mulf %div3A_642, %div3A_642 : vector<16xf32>
        %mul3A_644 = arith.constant 2.000000e-01 : f32
        %mul3A_645 = vector.broadcast %mul3A_644 : f32 to vector<16xf32>
        %mul3A_646 = arith.mulf %mul3A_643, %mul3A_645 : vector<16xf32>
        %add3A_647 = arith.constant 0.333333343 : f32
        %add3A_648 = vector.broadcast %add3A_647 : f32 to vector<16xf32>
        %add3A_649 = arith.addf %add3A_648, %mul3A_646 : vector<16xf32>
        %mul3A_650 = arith.mulf %mul3A_643, %add3A_649 : vector<16xf32>
        %add3A_651 = arith.constant 1.000000e+00 : f32
        %add3A_652 = vector.broadcast %add3A_651 : f32 to vector<16xf32>
        %add3A_653 = arith.addf %add3A_652, %mul3A_650 : vector<16xf32>
        %mul3A_654 = arith.constant 0.693147182 : f32
        %mul3A_655 = vector.broadcast %mul3A_654 : f32 to vector<16xf32>
        %mul3A_656 = arith.mulf %convert_element_type3A_628, %mul3A_655 : vector<16xf32>
        %add3A_657 = arith.addf %div3A_642, %div3A_642 : vector<16xf32>
        %mul3A_658 = arith.mulf %add3A_657, %add3A_653 : vector<16xf32>
        %add3A_659 = arith.addf %mul3A_656, %mul3A_658 : vector<16xf32>
        %sub3A_660 = arith.constant 1.000000e+00 : f32
        %sub3A_661 = vector.broadcast %sub3A_660 : f32 to vector<16xf32>
        %sub3A_662 = arith.subf %sub3A_661, %get3A_606 : vector<16xf32>
        %bitcast_convert_type3A_663 = tpu.bitcast %sub3A_662 : vector<16xf32> -> vector<16xi32>
        %shift_right_arithmetic3A_664 = arith.constant 23 : i32
        %shift_right_arithmetic3A_665 = vector.broadcast %shift_right_arithmetic3A_664 : i32 to vector<16xi32>
        %shift_right_arithmetic3A_666 = arith.shrsi %bitcast_convert_type3A_663, %shift_right_arithmetic3A_665 : vector<16xi32>
        %convert_element_type3A_667 = arith.sitofp %shift_right_arithmetic3A_666 : vector<16xi32> to vector<16xf32>
        %and3A_668 = arith.constant 8388607 : i32
        %and3A_669 = vector.broadcast %and3A_668 : i32 to vector<16xi32>
        %and3A_670 = arith.andi %bitcast_convert_type3A_663, %and3A_669 : vector<16xi32>
        %or3A_671 = arith.constant 1065353216 : i32
        %or3A_672 = vector.broadcast %or3A_671 : i32 to vector<16xi32>
        %or3A_673 = arith.ori %and3A_670, %or3A_672 : vector<16xi32>
        %bitcast_convert_type3A_674 = tpu.bitcast %or3A_673 : vector<16xi32> -> vector<16xf32>
        %sub3A_675 = arith.constant 1.000000e+00 : f32
        %sub3A_676 = vector.broadcast %sub3A_675 : f32 to vector<16xf32>
        %sub3A_677 = arith.subf %bitcast_convert_type3A_674, %sub3A_676 : vector<16xf32>
        %add3A_678 = arith.constant 1.000000e+00 : f32
        %add3A_679 = vector.broadcast %add3A_678 : f32 to vector<16xf32>
        %add3A_680 = arith.addf %bitcast_convert_type3A_674, %add3A_679 : vector<16xf32>
        %div3A_681 = arith.divf %sub3A_677, %add3A_680 : vector<16xf32>
        %mul3A_682 = arith.mulf %div3A_681, %div3A_681 : vector<16xf32>
        %mul3A_683 = arith.constant 2.000000e-01 : f32
        %mul3A_684 = vector.broadcast %mul3A_683 : f32 to vector<16xf32>
        %mul3A_685 = arith.mulf %mul3A_682, %mul3A_684 : vector<16xf32>
        %add3A_686 = arith.constant 0.333333343 : f32
        %add3A_687 = vector.broadcast %add3A_686 : f32 to vector<16xf32>
        %add3A_688 = arith.addf %add3A_687, %mul3A_685 : vector<16xf32>
        %mul3A_689 = arith.mulf %mul3A_682, %add3A_688 : vector<16xf32>
        %add3A_690 = arith.constant 1.000000e+00 : f32
        %add3A_691 = vector.broadcast %add3A_690 : f32 to vector<16xf32>
        %add3A_692 = arith.addf %add3A_691, %mul3A_689 : vector<16xf32>
        %mul3A_693 = arith.constant 0.693147182 : f32
        %mul3A_694 = vector.broadcast %mul3A_693 : f32 to vector<16xf32>
        %mul3A_695 = arith.mulf %convert_element_type3A_667, %mul3A_694 : vector<16xf32>
        %add3A_696 = arith.addf %div3A_681, %div3A_681 : vector<16xf32>
        %mul3A_697 = arith.mulf %add3A_696, %add3A_692 : vector<16xf32>
        %add3A_698 = arith.addf %mul3A_695, %mul3A_697 : vector<16xf32>
        %sub3A_699 = arith.subf %add3A_659, %add3A_698 : vector<16xf32>
        %mul3A_700 = arith.mulf %get3A_610, %sub3A_699 : vector<16xf32>
        %add3A_701 = arith.addf %add3A_698, %mul3A_700 : vector<16xf32>
        %add3A_702 = arith.addf %add3A_591, %mul3A_623 : vector<16xf32>
        %add3A_703 = arith.addf %add3A_592, %get3A_614 : vector<16xf32>
        %mul3A_704 = arith.mulf %add3A_701, %mul3A_623 : vector<16xf32>
        %add3A_705 = arith.addf %add3A_594, %mul3A_704 : vector<16xf32>
        %mul3A_706 = arith.mulf %add3A_701, %get3A_614 : vector<16xf32>
        %add3A_707 = arith.addf %add3A_596, %mul3A_706 : vector<16xf32>
        scf.yield %add3A_702, %add3A_703, %add3A_705, %add3A_707 : vector<16xf32>, vector<16xf32>, vector<16xf32>, vector<16xf32>
      }
      %scan3A_264 = arith.constant 8 : i32
      scf.yield %scan3A_263#0, %scan3A_263#1, %scan3A_263#2, %scan3A_263#3 : vector<16xf32>, vector<16xf32>, vector<16xf32>, vector<16xf32>
    }
    %scan3A_103 = arith.constant 32 : i32
    %dma_wait3A_104 = arith.constant 0 : i32
    %dma_wait3A_105 = arith.constant 0 : i32
    %dma_wait3A_106 = tpu.memref_slice %arg2[%select_n3A, %dma_wait3A_104, %add3A_77, %dma_wait3A_105] : memref<8x1x512x512xf32, #tpu.memory_space<hbm>> -> memref<1x1x32x512xf32, #tpu.memory_space<hbm>>
    %dma_wait3A_107 = tpu.memref_squeeze %dma_wait3A_106 : memref<1x1x32x512xf32, #tpu.memory_space<hbm>> -> memref<32x512xf32, #tpu.memory_space<hbm>>
    %dma_wait3A_108 = arith.constant 0 : i32
    %dma_wait3A_109 = tpu.memref_slice %arg2[%select_n3A, %dma_wait3A_104, %add3A_77, %dma_wait3A_108] : memref<8x1x512x512xf32, #tpu.memory_space<hbm>> -> memref<1x1x32x512xf32, #tpu.memory_space<hbm>>
    %dma_wait3A_110 = tpu.memref_squeeze %dma_wait3A_109 : memref<1x1x32x512xf32, #tpu.memory_space<hbm>> -> memref<32x512xf32, #tpu.memory_space<hbm>>
    tpu.wait_dma2 semaphore(%arg14 : memref<!tpu.dma_semaphore, #tpu.memory_space<semaphore_mem>>) src(%dma_wait3A_110 : memref<32x512xf32, #tpu.memory_space<hbm>>) dst(%arg9 : memref<32x512xf32, #tpu.memory_space<vmem>>)
    %dma_wait3A_111 = arith.constant 0 : i32
    %dma_wait3A_112 = arith.constant 0 : i32
    %dma_wait3A_113 = tpu.memref_slice %arg3[%select_n3A, %dma_wait3A_111, %add3A_77, %dma_wait3A_112] : memref<8x1x512x512xf32, #tpu.memory_space<hbm>> -> memref<1x1x32x512xf32, #tpu.memory_space<hbm>>
    %dma_wait3A_114 = tpu.memref_squeeze %dma_wait3A_113 : memref<1x1x32x512xf32, #tpu.memory_space<hbm>> -> memref<32x512xf32, #tpu.memory_space<hbm>>
    %dma_wait3A_115 = arith.constant 0 : i32
    %dma_wait3A_116 = tpu.memref_slice %arg3[%select_n3A, %dma_wait3A_111, %add3A_77, %dma_wait3A_115] : memref<8x1x512x512xf32, #tpu.memory_space<hbm>> -> memref<1x1x32x512xf32, #tpu.memory_space<hbm>>
    %dma_wait3A_117 = tpu.memref_squeeze %dma_wait3A_116 : memref<1x1x32x512xf32, #tpu.memory_space<hbm>> -> memref<32x512xf32, #tpu.memory_space<hbm>>
    tpu.wait_dma2 semaphore(%arg14 : memref<!tpu.dma_semaphore, #tpu.memory_space<semaphore_mem>>) src(%dma_wait3A_117 : memref<32x512xf32, #tpu.memory_space<hbm>>) dst(%arg10 : memref<32x512xf32, #tpu.memory_space<vmem>>)
    %dma_wait3A_118 = arith.constant 0 : i32
    %dma_wait3A_119 = arith.constant 0 : i32
    %dma_wait3A_120 = tpu.memref_slice %arg4[%select_n3A, %dma_wait3A_118, %add3A_77, %dma_wait3A_119] : memref<8x1x512x512xf32, #tpu.memory_space<hbm>> -> memref<1x1x32x512xf32, #tpu.memory_space<hbm>>
    %dma_wait3A_121 = tpu.memref_squeeze %dma_wait3A_120 : memref<1x1x32x512xf32, #tpu.memory_space<hbm>> -> memref<32x512xf32, #tpu.memory_space<hbm>>
    %dma_wait3A_122 = arith.constant 0 : i32
    %dma_wait3A_123 = tpu.memref_slice %arg4[%select_n3A, %dma_wait3A_118, %add3A_77, %dma_wait3A_122] : memref<8x1x512x512xf32, #tpu.memory_space<hbm>> -> memref<1x1x32x512xf32, #tpu.memory_space<hbm>>
    %dma_wait3A_124 = tpu.memref_squeeze %dma_wait3A_123 : memref<1x1x32x512xf32, #tpu.memory_space<hbm>> -> memref<32x512xf32, #tpu.memory_space<hbm>>
    tpu.wait_dma2 semaphore(%arg14 : memref<!tpu.dma_semaphore, #tpu.memory_space<semaphore_mem>>) src(%dma_wait3A_124 : memref<32x512xf32, #tpu.memory_space<hbm>>) dst(%arg11 : memref<32x512xf32, #tpu.memory_space<vmem>>)
    %add3A_125 = arith.constant 64 : i32
    %add3A_126 = arith.addi %mul3A_32, %add3A_125 : i32
    %dma_start3A_127 = arith.constant 0 : i32
    %dma_start3A_128 = arith.constant 0 : i32
    %dma_start3A_129 = tpu.memref_slice %arg2[%select_n3A, %dma_start3A_127, %add3A_126, %dma_start3A_128] : memref<8x1x512x512xf32, #tpu.memory_space<hbm>> -> memref<1x1x32x512xf32, #tpu.memory_space<hbm>>
    %dma_start3A_130 = tpu.memref_squeeze %dma_start3A_129 : memref<1x1x32x512xf32, #tpu.memory_space<hbm>> -> memref<32x512xf32, #tpu.memory_space<hbm>>
    %dma_start3A_131 = arith.constant 0 : i32
    %dma_start3A_132 = tpu.memref_slice %arg2[%select_n3A, %dma_start3A_127, %add3A_126, %dma_start3A_131] : memref<8x1x512x512xf32, #tpu.memory_space<hbm>> -> memref<1x1x32x512xf32, #tpu.memory_space<hbm>>
    %dma_start3A_133 = tpu.memref_squeeze %dma_start3A_132 : memref<1x1x32x512xf32, #tpu.memory_space<hbm>> -> memref<32x512xf32, #tpu.memory_space<hbm>>
    tpu.enqueue_dma source(%dma_start3A_133 : memref<32x512xf32, #tpu.memory_space<hbm>>) target(%arg6 : memref<32x512xf32, #tpu.memory_space<vmem>>) target_semaphore(%arg13 : memref<!tpu.dma_semaphore, #tpu.memory_space<semaphore_mem>>)
    %dma_start3A_134 = arith.constant 0 : i32
    %dma_start3A_135 = arith.constant 0 : i32
    %dma_start3A_136 = tpu.memref_slice %arg3[%select_n3A, %dma_start3A_134, %add3A_126, %dma_start3A_135] : memref<8x1x512x512xf32, #tpu.memory_space<hbm>> -> memref<1x1x32x512xf32, #tpu.memory_space<hbm>>
    %dma_start3A_137 = tpu.memref_squeeze %dma_start3A_136 : memref<1x1x32x512xf32, #tpu.memory_space<hbm>> -> memref<32x512xf32, #tpu.memory_space<hbm>>
    %dma_start3A_138 = arith.constant 0 : i32
    %dma_start3A_139 = tpu.memref_slice %arg3[%select_n3A, %dma_start3A_134, %add3A_126, %dma_start3A_138] : memref<8x1x512x512xf32, #tpu.memory_space<hbm>> -> memref<1x1x32x512xf32, #tpu.memory_space<hbm>>
    %dma_start3A_140 = tpu.memref_squeeze %dma_start3A_139 : memref<1x1x32x512xf32, #tpu.memory_space<hbm>> -> memref<32x512xf32, #tpu.memory_space<hbm>>
    tpu.enqueue_dma source(%dma_start3A_140 : memref<32x512xf32, #tpu.memory_space<hbm>>) target(%arg7 : memref<32x512xf32, #tpu.memory_space<vmem>>) target_semaphore(%arg13 : memref<!tpu.dma_semaphore, #tpu.memory_space<semaphore_mem>>)
    %dma_start3A_141 = arith.constant 0 : i32
    %dma_start3A_142 = arith.constant 0 : i32
    %dma_start3A_143 = tpu.memref_slice %arg4[%select_n3A, %dma_start3A_141, %add3A_126, %dma_start3A_142] : memref<8x1x512x512xf32, #tpu.memory_space<hbm>> -> memref<1x1x32x512xf32, #tpu.memory_space<hbm>>
    %dma_start3A_144 = tpu.memref_squeeze %dma_start3A_143 : memref<1x1x32x512xf32, #tpu.memory_space<hbm>> -> memref<32x512xf32, #tpu.memory_space<hbm>>
    %dma_start3A_145 = arith.constant 0 : i32
    %dma_start3A_146 = tpu.memref_slice %arg4[%select_n3A, %dma_start3A_141, %add3A_126, %dma_start3A_145] : memref<8x1x512x512xf32, #tpu.memory_space<hbm>> -> memref<1x1x32x512xf32, #tpu.memory_space<hbm>>
    %dma_start3A_147 = tpu.memref_squeeze %dma_start3A_146 : memref<1x1x32x512xf32, #tpu.memory_space<hbm>> -> memref<32x512xf32, #tpu.memory_space<hbm>>
    tpu.enqueue_dma source(%dma_start3A_147 : memref<32x512xf32, #tpu.memory_space<hbm>>) target(%arg8 : memref<32x512xf32, #tpu.memory_space<vmem>>) target_semaphore(%arg13 : memref<!tpu.dma_semaphore, #tpu.memory_space<semaphore_mem>>)
    %scan3A_148 = arith.constant 0 : i32
    %scan3A_149 = arith.constant 32 : i32
    %scan3A_150 = arith.addi %scan3A_148, %scan3A_149 : i32
    %scan3A_151 = arith.constant 1 : i32
    %scan3A_152:4 = scf.for %scan3A_254 = %scan3A_148 to %scan3A_150 step %scan3A_151 iter_args(%scan3A_255 = %scan3A_102#0, %scan3A_256 = %scan3A_102#1, %scan3A_257 = %scan3A_102#2, %scan3A_258 = %scan3A_102#3) -> (vector<16xf32>, vector<16xf32>, vector<16xf32>, vector<16xf32>)  : i32 {
      %scan3A_259 = arith.constant 0 : i32
      %scan3A_260 = arith.constant 8 : i32
      %scan3A_261 = arith.addi %scan3A_259, %scan3A_260 : i32
      %scan3A_262 = arith.constant 1 : i32
      %scan3A_263:4 = scf.for %scan3A_265 = %scan3A_259 to %scan3A_261 step %scan3A_262 iter_args(%scan3A_266 = %scan3A_255, %scan3A_267 = %scan3A_256, %scan3A_268 = %scan3A_257, %scan3A_269 = %scan3A_258) -> (vector<16xf32>, vector<16xf32>, vector<16xf32>, vector<16xf32>)  : i32 {
        %mul3A_270 = arith.constant 4 : i32
        %mul3A_271 = arith.muli %scan3A_265, %mul3A_270 : i32
        %add3A_272 = arith.constant 0 : i32
        %add3A_273 = arith.addi %mul3A_271, %add3A_272 : i32
        %mul3A_274 = arith.constant 16 : i32
        %mul3A_275 = arith.muli %add3A_273, %mul3A_274 : i32
        %get3A = arith.index_cast %scan3A_254 : i32 to index
        %get3A_276 = arith.index_cast %mul3A_275 : i32 to index
        %get3A_277 = tpu.vector_load %arg9[%get3A, %get3A_276] {strides = array<i32>} : memref<32x512xf32, #tpu.memory_space<vmem>>, vector<1x16xf32>,
        %get3A_278 = vector.shape_cast %get3A_277 : vector<1x16xf32> to vector<16xf32>
        %get3A_279 = arith.index_cast %scan3A_254 : i32 to index
        %get3A_280 = arith.index_cast %mul3A_275 : i32 to index
        %get3A_281 = tpu.vector_load %arg10[%get3A_279, %get3A_280] {strides = array<i32>} : memref<32x512xf32, #tpu.memory_space<vmem>>, vector<1x16xf32>,
        %get3A_282 = vector.shape_cast %get3A_281 : vector<1x16xf32> to vector<16xf32>
        %get3A_283 = arith.index_cast %scan3A_254 : i32 to index
        %get3A_284 = arith.index_cast %mul3A_275 : i32 to index
        %get3A_285 = tpu.vector_load %arg11[%get3A_283, %get3A_284] {strides = array<i32>} : memref<32x512xf32, #tpu.memory_space<vmem>>, vector<1x16xf32>,
        %get3A_286 = vector.shape_cast %get3A_285 : vector<1x16xf32> to vector<16xf32>
        %gt3A = arith.constant 5.000000e-01 : f32
        %gt3A_287 = vector.broadcast %gt3A : f32 to vector<16xf32>
        %gt3A_288 = arith.cmpf ogt, %get3A_282, %gt3A_287 : vector<16xf32>
        %jit3A_289 = arith.constant 1.000000e+00 : f32
        %jit3A_290 = arith.constant 0.000000e+00 : f32
        %broadcast_in_dim3A_291 = vector.broadcast %jit3A_289 : f32 to vector<16xf32>
        %broadcast_in_dim3A_292 = vector.broadcast %jit3A_290 : f32 to vector<16xf32>
        %select_n3A_293 = arith.select %gt3A_288, %broadcast_in_dim3A_291, %broadcast_in_dim3A_292 : vector<16xi1>, vector<16xf32>
        %mul3A_294 = arith.mulf %select_n3A_293, %get3A_286 : vector<16xf32>
        %bitcast_convert_type3A = tpu.bitcast %get3A_278 : vector<16xf32> -> vector<16xi32>
        %shift_right_arithmetic3A = arith.constant 23 : i32
        %shift_right_arithmetic3A_295 = vector.broadcast %shift_right_arithmetic3A : i32 to vector<16xi32>
        %shift_right_arithmetic3A_296 = arith.shrsi %bitcast_convert_type3A, %shift_right_arithmetic3A_295 : vector<16xi32>
        %convert_element_type3A = arith.sitofp %shift_right_arithmetic3A_296 : vector<16xi32> to vector<16xf32>
        %and3A_297 = arith.constant 8388607 : i32
        %and3A_298 = vector.broadcast %and3A_297 : i32 to vector<16xi32>
        %and3A_299 = arith.andi %bitcast_convert_type3A, %and3A_298 : vector<16xi32>
        %or3A = arith.constant 1065353216 : i32
        %or3A_300 = vector.broadcast %or3A : i32 to vector<16xi32>
        %or3A_301 = arith.ori %and3A_299, %or3A_300 : vector<16xi32>
        %bitcast_convert_type3A_302 = tpu.bitcast %or3A_301 : vector<16xi32> -> vector<16xf32>
        %sub3A_303 = arith.constant 1.000000e+00 : f32
        %sub3A_304 = vector.broadcast %sub3A_303 : f32 to vector<16xf32>
        %sub3A_305 = arith.subf %bitcast_convert_type3A_302, %sub3A_304 : vector<16xf32>
        %add3A_306 = arith.constant 1.000000e+00 : f32
        %add3A_307 = vector.broadcast %add3A_306 : f32 to vector<16xf32>
        %add3A_308 = arith.addf %bitcast_convert_type3A_302, %add3A_307 : vector<16xf32>
        %div3A_309 = arith.divf %sub3A_305, %add3A_308 : vector<16xf32>
        %mul3A_310 = arith.mulf %div3A_309, %div3A_309 : vector<16xf32>
        %mul3A_311 = arith.constant 2.000000e-01 : f32
        %mul3A_312 = vector.broadcast %mul3A_311 : f32 to vector<16xf32>
        %mul3A_313 = arith.mulf %mul3A_310, %mul3A_312 : vector<16xf32>
        %add3A_314 = arith.constant 0.333333343 : f32
        %add3A_315 = vector.broadcast %add3A_314 : f32 to vector<16xf32>
        %add3A_316 = arith.addf %add3A_315, %mul3A_313 : vector<16xf32>
        %mul3A_317 = arith.mulf %mul3A_310, %add3A_316 : vector<16xf32>
        %add3A_318 = arith.constant 1.000000e+00 : f32
        %add3A_319 = vector.broadcast %add3A_318 : f32 to vector<16xf32>
        %add3A_320 = arith.addf %add3A_319, %mul3A_317 : vector<16xf32>
        %mul3A_321 = arith.constant 0.693147182 : f32
        %mul3A_322 = vector.broadcast %mul3A_321 : f32 to vector<16xf32>
        %mul3A_323 = arith.mulf %convert_element_type3A, %mul3A_322 : vector<16xf32>
        %add3A_324 = arith.addf %div3A_309, %div3A_309 : vector<16xf32>
        %mul3A_325 = arith.mulf %add3A_324, %add3A_320 : vector<16xf32>
        %add3A_326 = arith.addf %mul3A_323, %mul3A_325 : vector<16xf32>
        %sub3A_327 = arith.constant 1.000000e+00 : f32
        %sub3A_328 = vector.broadcast %sub3A_327 : f32 to vector<16xf32>
        %sub3A_329 = arith.subf %sub3A_328, %get3A_278 : vector<16xf32>
        %bitcast_convert_type3A_330 = tpu.bitcast %sub3A_329 : vector<16xf32> -> vector<16xi32>
        %shift_right_arithmetic3A_331 = arith.constant 23 : i32
        %shift_right_arithmetic3A_332 = vector.broadcast %shift_right_arithmetic3A_331 : i32 to vector<16xi32>
        %shift_right_arithmetic3A_333 = arith.shrsi %bitcast_convert_type3A_330, %shift_right_arithmetic3A_332 : vector<16xi32>
        %convert_element_type3A_334 = arith.sitofp %shift_right_arithmetic3A_333 : vector<16xi32> to vector<16xf32>
        %and3A_335 = arith.constant 8388607 : i32
        %and3A_336 = vector.broadcast %and3A_335 : i32 to vector<16xi32>
        %and3A_337 = arith.andi %bitcast_convert_type3A_330, %and3A_336 : vector<16xi32>
        %or3A_338 = arith.constant 1065353216 : i32
        %or3A_339 = vector.broadcast %or3A_338 : i32 to vector<16xi32>
        %or3A_340 = arith.ori %and3A_337, %or3A_339 : vector<16xi32>
        %bitcast_convert_type3A_341 = tpu.bitcast %or3A_340 : vector<16xi32> -> vector<16xf32>
        %sub3A_342 = arith.constant 1.000000e+00 : f32
        %sub3A_343 = vector.broadcast %sub3A_342 : f32 to vector<16xf32>
        %sub3A_344 = arith.subf %bitcast_convert_type3A_341, %sub3A_343 : vector<16xf32>
        %add3A_345 = arith.constant 1.000000e+00 : f32
        %add3A_346 = vector.broadcast %add3A_345 : f32 to vector<16xf32>
        %add3A_347 = arith.addf %bitcast_convert_type3A_341, %add3A_346 : vector<16xf32>
        %div3A_348 = arith.divf %sub3A_344, %add3A_347 : vector<16xf32>
        %mul3A_349 = arith.mulf %div3A_348, %div3A_348 : vector<16xf32>
        %mul3A_350 = arith.constant 2.000000e-01 : f32
        %mul3A_351 = vector.broadcast %mul3A_350 : f32 to vector<16xf32>
        %mul3A_352 = arith.mulf %mul3A_349, %mul3A_351 : vector<16xf32>
        %add3A_353 = arith.constant 0.333333343 : f32
        %add3A_354 = vector.broadcast %add3A_353 : f32 to vector<16xf32>
        %add3A_355 = arith.addf %add3A_354, %mul3A_352 : vector<16xf32>
        %mul3A_356 = arith.mulf %mul3A_349, %add3A_355 : vector<16xf32>
        %add3A_357 = arith.constant 1.000000e+00 : f32
        %add3A_358 = vector.broadcast %add3A_357 : f32 to vector<16xf32>
        %add3A_359 = arith.addf %add3A_358, %mul3A_356 : vector<16xf32>
        %mul3A_360 = arith.constant 0.693147182 : f32
        %mul3A_361 = vector.broadcast %mul3A_360 : f32 to vector<16xf32>
        %mul3A_362 = arith.mulf %convert_element_type3A_334, %mul3A_361 : vector<16xf32>
        %add3A_363 = arith.addf %div3A_348, %div3A_348 : vector<16xf32>
        %mul3A_364 = arith.mulf %add3A_363, %add3A_359 : vector<16xf32>
        %add3A_365 = arith.addf %mul3A_362, %mul3A_364 : vector<16xf32>
        %sub3A_366 = arith.subf %add3A_326, %add3A_365 : vector<16xf32>
        %mul3A_367 = arith.mulf %get3A_282, %sub3A_366 : vector<16xf32>
        %add3A_368 = arith.addf %add3A_365, %mul3A_367 : vector<16xf32>
        %add3A_369 = arith.addf %scan3A_266, %mul3A_294 : vector<16xf32>
        %add3A_370 = arith.addf %scan3A_267, %get3A_286 : vector<16xf32>
        %mul3A_371 = arith.mulf %add3A_368, %mul3A_294 : vector<16xf32>
        %add3A_372 = arith.addf %scan3A_268, %mul3A_371 : vector<16xf32>
        %mul3A_373 = arith.mulf %add3A_368, %get3A_286 : vector<16xf32>
        %add3A_374 = arith.addf %scan3A_269, %mul3A_373 : vector<16xf32>
        %mul3A_375 = arith.constant 4 : i32
        %mul3A_376 = arith.muli %scan3A_265, %mul3A_375 : i32
        %add3A_377 = arith.constant 1 : i32
        %add3A_378 = arith.addi %mul3A_376, %add3A_377 : i32
        %mul3A_379 = arith.constant 16 : i32
        %mul3A_380 = arith.muli %add3A_378, %mul3A_379 : i32
        %get3A_381 = arith.index_cast %scan3A_254 : i32 to index
        %get3A_382 = arith.index_cast %mul3A_380 : i32 to index
        %get3A_383 = tpu.vector_load %arg9[%get3A_381, %get3A_382] {strides = array<i32>} : memref<32x512xf32, #tpu.memory_space<vmem>>, vector<1x16xf32>,
        %get3A_384 = vector.shape_cast %get3A_383 : vector<1x16xf32> to vector<16xf32>
        %get3A_385 = arith.index_cast %scan3A_254 : i32 to index
        %get3A_386 = arith.index_cast %mul3A_380 : i32 to index
        %get3A_387 = tpu.vector_load %arg10[%get3A_385, %get3A_386] {strides = array<i32>} : memref<32x512xf32, #tpu.memory_space<vmem>>, vector<1x16xf32>,
        %get3A_388 = vector.shape_cast %get3A_387 : vector<1x16xf32> to vector<16xf32>
        %get3A_389 = arith.index_cast %scan3A_254 : i32 to index
        %get3A_390 = arith.index_cast %mul3A_380 : i32 to index
        %get3A_391 = tpu.vector_load %arg11[%get3A_389, %get3A_390] {strides = array<i32>} : memref<32x512xf32, #tpu.memory_space<vmem>>, vector<1x16xf32>,
        %get3A_392 = vector.shape_cast %get3A_391 : vector<1x16xf32> to vector<16xf32>
        %gt3A_393 = arith.constant 5.000000e-01 : f32
        %gt3A_394 = vector.broadcast %gt3A_393 : f32 to vector<16xf32>
        %gt3A_395 = arith.cmpf ogt, %get3A_388, %gt3A_394 : vector<16xf32>
        %jit3A_396 = arith.constant 1.000000e+00 : f32
        %jit3A_397 = arith.constant 0.000000e+00 : f32
        %broadcast_in_dim3A_398 = vector.broadcast %jit3A_396 : f32 to vector<16xf32>
        %broadcast_in_dim3A_399 = vector.broadcast %jit3A_397 : f32 to vector<16xf32>
        %select_n3A_400 = arith.select %gt3A_395, %broadcast_in_dim3A_398, %broadcast_in_dim3A_399 : vector<16xi1>, vector<16xf32>
        %mul3A_401 = arith.mulf %select_n3A_400, %get3A_392 : vector<16xf32>
        %bitcast_convert_type3A_402 = tpu.bitcast %get3A_384 : vector<16xf32> -> vector<16xi32>
        %shift_right_arithmetic3A_403 = arith.constant 23 : i32
        %shift_right_arithmetic3A_404 = vector.broadcast %shift_right_arithmetic3A_403 : i32 to vector<16xi32>
        %shift_right_arithmetic3A_405 = arith.shrsi %bitcast_convert_type3A_402, %shift_right_arithmetic3A_404 : vector<16xi32>
        %convert_element_type3A_406 = arith.sitofp %shift_right_arithmetic3A_405 : vector<16xi32> to vector<16xf32>
        %and3A_407 = arith.constant 8388607 : i32
        %and3A_408 = vector.broadcast %and3A_407 : i32 to vector<16xi32>
        %and3A_409 = arith.andi %bitcast_convert_type3A_402, %and3A_408 : vector<16xi32>
        %or3A_410 = arith.constant 1065353216 : i32
        %or3A_411 = vector.broadcast %or3A_410 : i32 to vector<16xi32>
        %or3A_412 = arith.ori %and3A_409, %or3A_411 : vector<16xi32>
        %bitcast_convert_type3A_413 = tpu.bitcast %or3A_412 : vector<16xi32> -> vector<16xf32>
        %sub3A_414 = arith.constant 1.000000e+00 : f32
        %sub3A_415 = vector.broadcast %sub3A_414 : f32 to vector<16xf32>
        %sub3A_416 = arith.subf %bitcast_convert_type3A_413, %sub3A_415 : vector<16xf32>
        %add3A_417 = arith.constant 1.000000e+00 : f32
        %add3A_418 = vector.broadcast %add3A_417 : f32 to vector<16xf32>
        %add3A_419 = arith.addf %bitcast_convert_type3A_413, %add3A_418 : vector<16xf32>
        %div3A_420 = arith.divf %sub3A_416, %add3A_419 : vector<16xf32>
        %mul3A_421 = arith.mulf %div3A_420, %div3A_420 : vector<16xf32>
        %mul3A_422 = arith.constant 2.000000e-01 : f32
        %mul3A_423 = vector.broadcast %mul3A_422 : f32 to vector<16xf32>
        %mul3A_424 = arith.mulf %mul3A_421, %mul3A_423 : vector<16xf32>
        %add3A_425 = arith.constant 0.333333343 : f32
        %add3A_426 = vector.broadcast %add3A_425 : f32 to vector<16xf32>
        %add3A_427 = arith.addf %add3A_426, %mul3A_424 : vector<16xf32>
        %mul3A_428 = arith.mulf %mul3A_421, %add3A_427 : vector<16xf32>
        %add3A_429 = arith.constant 1.000000e+00 : f32
        %add3A_430 = vector.broadcast %add3A_429 : f32 to vector<16xf32>
        %add3A_431 = arith.addf %add3A_430, %mul3A_428 : vector<16xf32>
        %mul3A_432 = arith.constant 0.693147182 : f32
        %mul3A_433 = vector.broadcast %mul3A_432 : f32 to vector<16xf32>
        %mul3A_434 = arith.mulf %convert_element_type3A_406, %mul3A_433 : vector<16xf32>
        %add3A_435 = arith.addf %div3A_420, %div3A_420 : vector<16xf32>
        %mul3A_436 = arith.mulf %add3A_435, %add3A_431 : vector<16xf32>
        %add3A_437 = arith.addf %mul3A_434, %mul3A_436 : vector<16xf32>
        %sub3A_438 = arith.constant 1.000000e+00 : f32
        %sub3A_439 = vector.broadcast %sub3A_438 : f32 to vector<16xf32>
        %sub3A_440 = arith.subf %sub3A_439, %get3A_384 : vector<16xf32>
        %bitcast_convert_type3A_441 = tpu.bitcast %sub3A_440 : vector<16xf32> -> vector<16xi32>
        %shift_right_arithmetic3A_442 = arith.constant 23 : i32
        %shift_right_arithmetic3A_443 = vector.broadcast %shift_right_arithmetic3A_442 : i32 to vector<16xi32>
        %shift_right_arithmetic3A_444 = arith.shrsi %bitcast_convert_type3A_441, %shift_right_arithmetic3A_443 : vector<16xi32>
        %convert_element_type3A_445 = arith.sitofp %shift_right_arithmetic3A_444 : vector<16xi32> to vector<16xf32>
        %and3A_446 = arith.constant 8388607 : i32
        %and3A_447 = vector.broadcast %and3A_446 : i32 to vector<16xi32>
        %and3A_448 = arith.andi %bitcast_convert_type3A_441, %and3A_447 : vector<16xi32>
        %or3A_449 = arith.constant 1065353216 : i32
        %or3A_450 = vector.broadcast %or3A_449 : i32 to vector<16xi32>
        %or3A_451 = arith.ori %and3A_448, %or3A_450 : vector<16xi32>
        %bitcast_convert_type3A_452 = tpu.bitcast %or3A_451 : vector<16xi32> -> vector<16xf32>
        %sub3A_453 = arith.constant 1.000000e+00 : f32
        %sub3A_454 = vector.broadcast %sub3A_453 : f32 to vector<16xf32>
        %sub3A_455 = arith.subf %bitcast_convert_type3A_452, %sub3A_454 : vector<16xf32>
        %add3A_456 = arith.constant 1.000000e+00 : f32
        %add3A_457 = vector.broadcast %add3A_456 : f32 to vector<16xf32>
        %add3A_458 = arith.addf %bitcast_convert_type3A_452, %add3A_457 : vector<16xf32>
        %div3A_459 = arith.divf %sub3A_455, %add3A_458 : vector<16xf32>
        %mul3A_460 = arith.mulf %div3A_459, %div3A_459 : vector<16xf32>
        %mul3A_461 = arith.constant 2.000000e-01 : f32
        %mul3A_462 = vector.broadcast %mul3A_461 : f32 to vector<16xf32>
        %mul3A_463 = arith.mulf %mul3A_460, %mul3A_462 : vector<16xf32>
        %add3A_464 = arith.constant 0.333333343 : f32
        %add3A_465 = vector.broadcast %add3A_464 : f32 to vector<16xf32>
        %add3A_466 = arith.addf %add3A_465, %mul3A_463 : vector<16xf32>
        %mul3A_467 = arith.mulf %mul3A_460, %add3A_466 : vector<16xf32>
        %add3A_468 = arith.constant 1.000000e+00 : f32
        %add3A_469 = vector.broadcast %add3A_468 : f32 to vector<16xf32>
        %add3A_470 = arith.addf %add3A_469, %mul3A_467 : vector<16xf32>
        %mul3A_471 = arith.constant 0.693147182 : f32
        %mul3A_472 = vector.broadcast %mul3A_471 : f32 to vector<16xf32>
        %mul3A_473 = arith.mulf %convert_element_type3A_445, %mul3A_472 : vector<16xf32>
        %add3A_474 = arith.addf %div3A_459, %div3A_459 : vector<16xf32>
        %mul3A_475 = arith.mulf %add3A_474, %add3A_470 : vector<16xf32>
        %add3A_476 = arith.addf %mul3A_473, %mul3A_475 : vector<16xf32>
        %sub3A_477 = arith.subf %add3A_437, %add3A_476 : vector<16xf32>
        %mul3A_478 = arith.mulf %get3A_388, %sub3A_477 : vector<16xf32>
        %add3A_479 = arith.addf %add3A_476, %mul3A_478 : vector<16xf32>
        %add3A_480 = arith.addf %add3A_369, %mul3A_401 : vector<16xf32>
        %add3A_481 = arith.addf %add3A_370, %get3A_392 : vector<16xf32>
        %mul3A_482 = arith.mulf %add3A_479, %mul3A_401 : vector<16xf32>
        %add3A_483 = arith.addf %add3A_372, %mul3A_482 : vector<16xf32>
        %mul3A_484 = arith.mulf %add3A_479, %get3A_392 : vector<16xf32>
        %add3A_485 = arith.addf %add3A_374, %mul3A_484 : vector<16xf32>
        %mul3A_486 = arith.constant 4 : i32
        %mul3A_487 = arith.muli %scan3A_265, %mul3A_486 : i32
        %add3A_488 = arith.constant 2 : i32
        %add3A_489 = arith.addi %mul3A_487, %add3A_488 : i32
        %mul3A_490 = arith.constant 16 : i32
        %mul3A_491 = arith.muli %add3A_489, %mul3A_490 : i32
        %get3A_492 = arith.index_cast %scan3A_254 : i32 to index
        %get3A_493 = arith.index_cast %mul3A_491 : i32 to index
        %get3A_494 = tpu.vector_load %arg9[%get3A_492, %get3A_493] {strides = array<i32>} : memref<32x512xf32, #tpu.memory_space<vmem>>, vector<1x16xf32>,
        %get3A_495 = vector.shape_cast %get3A_494 : vector<1x16xf32> to vector<16xf32>
        %get3A_496 = arith.index_cast %scan3A_254 : i32 to index
        %get3A_497 = arith.index_cast %mul3A_491 : i32 to index
        %get3A_498 = tpu.vector_load %arg10[%get3A_496, %get3A_497] {strides = array<i32>} : memref<32x512xf32, #tpu.memory_space<vmem>>, vector<1x16xf32>,
        %get3A_499 = vector.shape_cast %get3A_498 : vector<1x16xf32> to vector<16xf32>
        %get3A_500 = arith.index_cast %scan3A_254 : i32 to index
        %get3A_501 = arith.index_cast %mul3A_491 : i32 to index
        %get3A_502 = tpu.vector_load %arg11[%get3A_500, %get3A_501] {strides = array<i32>} : memref<32x512xf32, #tpu.memory_space<vmem>>, vector<1x16xf32>,
        %get3A_503 = vector.shape_cast %get3A_502 : vector<1x16xf32> to vector<16xf32>
        %gt3A_504 = arith.constant 5.000000e-01 : f32
        %gt3A_505 = vector.broadcast %gt3A_504 : f32 to vector<16xf32>
        %gt3A_506 = arith.cmpf ogt, %get3A_499, %gt3A_505 : vector<16xf32>
        %jit3A_507 = arith.constant 1.000000e+00 : f32
        %jit3A_508 = arith.constant 0.000000e+00 : f32
        %broadcast_in_dim3A_509 = vector.broadcast %jit3A_507 : f32 to vector<16xf32>
        %broadcast_in_dim3A_510 = vector.broadcast %jit3A_508 : f32 to vector<16xf32>
        %select_n3A_511 = arith.select %gt3A_506, %broadcast_in_dim3A_509, %broadcast_in_dim3A_510 : vector<16xi1>, vector<16xf32>
        %mul3A_512 = arith.mulf %select_n3A_511, %get3A_503 : vector<16xf32>
        %bitcast_convert_type3A_513 = tpu.bitcast %get3A_495 : vector<16xf32> -> vector<16xi32>
        %shift_right_arithmetic3A_514 = arith.constant 23 : i32
        %shift_right_arithmetic3A_515 = vector.broadcast %shift_right_arithmetic3A_514 : i32 to vector<16xi32>
        %shift_right_arithmetic3A_516 = arith.shrsi %bitcast_convert_type3A_513, %shift_right_arithmetic3A_515 : vector<16xi32>
        %convert_element_type3A_517 = arith.sitofp %shift_right_arithmetic3A_516 : vector<16xi32> to vector<16xf32>
        %and3A_518 = arith.constant 8388607 : i32
        %and3A_519 = vector.broadcast %and3A_518 : i32 to vector<16xi32>
        %and3A_520 = arith.andi %bitcast_convert_type3A_513, %and3A_519 : vector<16xi32>
        %or3A_521 = arith.constant 1065353216 : i32
        %or3A_522 = vector.broadcast %or3A_521 : i32 to vector<16xi32>
        %or3A_523 = arith.ori %and3A_520, %or3A_522 : vector<16xi32>
        %bitcast_convert_type3A_524 = tpu.bitcast %or3A_523 : vector<16xi32> -> vector<16xf32>
        %sub3A_525 = arith.constant 1.000000e+00 : f32
        %sub3A_526 = vector.broadcast %sub3A_525 : f32 to vector<16xf32>
        %sub3A_527 = arith.subf %bitcast_convert_type3A_524, %sub3A_526 : vector<16xf32>
        %add3A_528 = arith.constant 1.000000e+00 : f32
        %add3A_529 = vector.broadcast %add3A_528 : f32 to vector<16xf32>
        %add3A_530 = arith.addf %bitcast_convert_type3A_524, %add3A_529 : vector<16xf32>
        %div3A_531 = arith.divf %sub3A_527, %add3A_530 : vector<16xf32>
        %mul3A_532 = arith.mulf %div3A_531, %div3A_531 : vector<16xf32>
        %mul3A_533 = arith.constant 2.000000e-01 : f32
        %mul3A_534 = vector.broadcast %mul3A_533 : f32 to vector<16xf32>
        %mul3A_535 = arith.mulf %mul3A_532, %mul3A_534 : vector<16xf32>
        %add3A_536 = arith.constant 0.333333343 : f32
        %add3A_537 = vector.broadcast %add3A_536 : f32 to vector<16xf32>
        %add3A_538 = arith.addf %add3A_537, %mul3A_535 : vector<16xf32>
        %mul3A_539 = arith.mulf %mul3A_532, %add3A_538 : vector<16xf32>
        %add3A_540 = arith.constant 1.000000e+00 : f32
        %add3A_541 = vector.broadcast %add3A_540 : f32 to vector<16xf32>
        %add3A_542 = arith.addf %add3A_541, %mul3A_539 : vector<16xf32>
        %mul3A_543 = arith.constant 0.693147182 : f32
        %mul3A_544 = vector.broadcast %mul3A_543 : f32 to vector<16xf32>
        %mul3A_545 = arith.mulf %convert_element_type3A_517, %mul3A_544 : vector<16xf32>
        %add3A_546 = arith.addf %div3A_531, %div3A_531 : vector<16xf32>
        %mul3A_547 = arith.mulf %add3A_546, %add3A_542 : vector<16xf32>
        %add3A_548 = arith.addf %mul3A_545, %mul3A_547 : vector<16xf32>
        %sub3A_549 = arith.constant 1.000000e+00 : f32
        %sub3A_550 = vector.broadcast %sub3A_549 : f32 to vector<16xf32>
        %sub3A_551 = arith.subf %sub3A_550, %get3A_495 : vector<16xf32>
        %bitcast_convert_type3A_552 = tpu.bitcast %sub3A_551 : vector<16xf32> -> vector<16xi32>
        %shift_right_arithmetic3A_553 = arith.constant 23 : i32
        %shift_right_arithmetic3A_554 = vector.broadcast %shift_right_arithmetic3A_553 : i32 to vector<16xi32>
        %shift_right_arithmetic3A_555 = arith.shrsi %bitcast_convert_type3A_552, %shift_right_arithmetic3A_554 : vector<16xi32>
        %convert_element_type3A_556 = arith.sitofp %shift_right_arithmetic3A_555 : vector<16xi32> to vector<16xf32>
        %and3A_557 = arith.constant 8388607 : i32
        %and3A_558 = vector.broadcast %and3A_557 : i32 to vector<16xi32>
        %and3A_559 = arith.andi %bitcast_convert_type3A_552, %and3A_558 : vector<16xi32>
        %or3A_560 = arith.constant 1065353216 : i32
        %or3A_561 = vector.broadcast %or3A_560 : i32 to vector<16xi32>
        %or3A_562 = arith.ori %and3A_559, %or3A_561 : vector<16xi32>
        %bitcast_convert_type3A_563 = tpu.bitcast %or3A_562 : vector<16xi32> -> vector<16xf32>
        %sub3A_564 = arith.constant 1.000000e+00 : f32
        %sub3A_565 = vector.broadcast %sub3A_564 : f32 to vector<16xf32>
        %sub3A_566 = arith.subf %bitcast_convert_type3A_563, %sub3A_565 : vector<16xf32>
        %add3A_567 = arith.constant 1.000000e+00 : f32
        %add3A_568 = vector.broadcast %add3A_567 : f32 to vector<16xf32>
        %add3A_569 = arith.addf %bitcast_convert_type3A_563, %add3A_568 : vector<16xf32>
        %div3A_570 = arith.divf %sub3A_566, %add3A_569 : vector<16xf32>
        %mul3A_571 = arith.mulf %div3A_570, %div3A_570 : vector<16xf32>
        %mul3A_572 = arith.constant 2.000000e-01 : f32
        %mul3A_573 = vector.broadcast %mul3A_572 : f32 to vector<16xf32>
        %mul3A_574 = arith.mulf %mul3A_571, %mul3A_573 : vector<16xf32>
        %add3A_575 = arith.constant 0.333333343 : f32
        %add3A_576 = vector.broadcast %add3A_575 : f32 to vector<16xf32>
        %add3A_577 = arith.addf %add3A_576, %mul3A_574 : vector<16xf32>
        %mul3A_578 = arith.mulf %mul3A_571, %add3A_577 : vector<16xf32>
        %add3A_579 = arith.constant 1.000000e+00 : f32
        %add3A_580 = vector.broadcast %add3A_579 : f32 to vector<16xf32>
        %add3A_581 = arith.addf %add3A_580, %mul3A_578 : vector<16xf32>
        %mul3A_582 = arith.constant 0.693147182 : f32
        %mul3A_583 = vector.broadcast %mul3A_582 : f32 to vector<16xf32>
        %mul3A_584 = arith.mulf %convert_element_type3A_556, %mul3A_583 : vector<16xf32>
        %add3A_585 = arith.addf %div3A_570, %div3A_570 : vector<16xf32>
        %mul3A_586 = arith.mulf %add3A_585, %add3A_581 : vector<16xf32>
        %add3A_587 = arith.addf %mul3A_584, %mul3A_586 : vector<16xf32>
        %sub3A_588 = arith.subf %add3A_548, %add3A_587 : vector<16xf32>
        %mul3A_589 = arith.mulf %get3A_499, %sub3A_588 : vector<16xf32>
        %add3A_590 = arith.addf %add3A_587, %mul3A_589 : vector<16xf32>
        %add3A_591 = arith.addf %add3A_480, %mul3A_512 : vector<16xf32>
        %add3A_592 = arith.addf %add3A_481, %get3A_503 : vector<16xf32>
        %mul3A_593 = arith.mulf %add3A_590, %mul3A_512 : vector<16xf32>
        %add3A_594 = arith.addf %add3A_483, %mul3A_593 : vector<16xf32>
        %mul3A_595 = arith.mulf %add3A_590, %get3A_503 : vector<16xf32>
        %add3A_596 = arith.addf %add3A_485, %mul3A_595 : vector<16xf32>
        %mul3A_597 = arith.constant 4 : i32
        %mul3A_598 = arith.muli %scan3A_265, %mul3A_597 : i32
        %add3A_599 = arith.constant 3 : i32
        %add3A_600 = arith.addi %mul3A_598, %add3A_599 : i32
        %mul3A_601 = arith.constant 16 : i32
        %mul3A_602 = arith.muli %add3A_600, %mul3A_601 : i32
        %get3A_603 = arith.index_cast %scan3A_254 : i32 to index
        %get3A_604 = arith.index_cast %mul3A_602 : i32 to index
        %get3A_605 = tpu.vector_load %arg9[%get3A_603, %get3A_604] {strides = array<i32>} : memref<32x512xf32, #tpu.memory_space<vmem>>, vector<1x16xf32>,
        %get3A_606 = vector.shape_cast %get3A_605 : vector<1x16xf32> to vector<16xf32>
        %get3A_607 = arith.index_cast %scan3A_254 : i32 to index
        %get3A_608 = arith.index_cast %mul3A_602 : i32 to index
        %get3A_609 = tpu.vector_load %arg10[%get3A_607, %get3A_608] {strides = array<i32>} : memref<32x512xf32, #tpu.memory_space<vmem>>, vector<1x16xf32>,
        %get3A_610 = vector.shape_cast %get3A_609 : vector<1x16xf32> to vector<16xf32>
        %get3A_611 = arith.index_cast %scan3A_254 : i32 to index
        %get3A_612 = arith.index_cast %mul3A_602 : i32 to index
        %get3A_613 = tpu.vector_load %arg11[%get3A_611, %get3A_612] {strides = array<i32>} : memref<32x512xf32, #tpu.memory_space<vmem>>, vector<1x16xf32>,
        %get3A_614 = vector.shape_cast %get3A_613 : vector<1x16xf32> to vector<16xf32>
        %gt3A_615 = arith.constant 5.000000e-01 : f32
        %gt3A_616 = vector.broadcast %gt3A_615 : f32 to vector<16xf32>
        %gt3A_617 = arith.cmpf ogt, %get3A_610, %gt3A_616 : vector<16xf32>
        %jit3A_618 = arith.constant 1.000000e+00 : f32
        %jit3A_619 = arith.constant 0.000000e+00 : f32
        %broadcast_in_dim3A_620 = vector.broadcast %jit3A_618 : f32 to vector<16xf32>
        %broadcast_in_dim3A_621 = vector.broadcast %jit3A_619 : f32 to vector<16xf32>
        %select_n3A_622 = arith.select %gt3A_617, %broadcast_in_dim3A_620, %broadcast_in_dim3A_621 : vector<16xi1>, vector<16xf32>
        %mul3A_623 = arith.mulf %select_n3A_622, %get3A_614 : vector<16xf32>
        %bitcast_convert_type3A_624 = tpu.bitcast %get3A_606 : vector<16xf32> -> vector<16xi32>
        %shift_right_arithmetic3A_625 = arith.constant 23 : i32
        %shift_right_arithmetic3A_626 = vector.broadcast %shift_right_arithmetic3A_625 : i32 to vector<16xi32>
        %shift_right_arithmetic3A_627 = arith.shrsi %bitcast_convert_type3A_624, %shift_right_arithmetic3A_626 : vector<16xi32>
        %convert_element_type3A_628 = arith.sitofp %shift_right_arithmetic3A_627 : vector<16xi32> to vector<16xf32>
        %and3A_629 = arith.constant 8388607 : i32
        %and3A_630 = vector.broadcast %and3A_629 : i32 to vector<16xi32>
        %and3A_631 = arith.andi %bitcast_convert_type3A_624, %and3A_630 : vector<16xi32>
        %or3A_632 = arith.constant 1065353216 : i32
        %or3A_633 = vector.broadcast %or3A_632 : i32 to vector<16xi32>
        %or3A_634 = arith.ori %and3A_631, %or3A_633 : vector<16xi32>
        %bitcast_convert_type3A_635 = tpu.bitcast %or3A_634 : vector<16xi32> -> vector<16xf32>
        %sub3A_636 = arith.constant 1.000000e+00 : f32
        %sub3A_637 = vector.broadcast %sub3A_636 : f32 to vector<16xf32>
        %sub3A_638 = arith.subf %bitcast_convert_type3A_635, %sub3A_637 : vector<16xf32>
        %add3A_639 = arith.constant 1.000000e+00 : f32
        %add3A_640 = vector.broadcast %add3A_639 : f32 to vector<16xf32>
        %add3A_641 = arith.addf %bitcast_convert_type3A_635, %add3A_640 : vector<16xf32>
        %div3A_642 = arith.divf %sub3A_638, %add3A_641 : vector<16xf32>
        %mul3A_643 = arith.mulf %div3A_642, %div3A_642 : vector<16xf32>
        %mul3A_644 = arith.constant 2.000000e-01 : f32
        %mul3A_645 = vector.broadcast %mul3A_644 : f32 to vector<16xf32>
        %mul3A_646 = arith.mulf %mul3A_643, %mul3A_645 : vector<16xf32>
        %add3A_647 = arith.constant 0.333333343 : f32
        %add3A_648 = vector.broadcast %add3A_647 : f32 to vector<16xf32>
        %add3A_649 = arith.addf %add3A_648, %mul3A_646 : vector<16xf32>
        %mul3A_650 = arith.mulf %mul3A_643, %add3A_649 : vector<16xf32>
        %add3A_651 = arith.constant 1.000000e+00 : f32
        %add3A_652 = vector.broadcast %add3A_651 : f32 to vector<16xf32>
        %add3A_653 = arith.addf %add3A_652, %mul3A_650 : vector<16xf32>
        %mul3A_654 = arith.constant 0.693147182 : f32
        %mul3A_655 = vector.broadcast %mul3A_654 : f32 to vector<16xf32>
        %mul3A_656 = arith.mulf %convert_element_type3A_628, %mul3A_655 : vector<16xf32>
        %add3A_657 = arith.addf %div3A_642, %div3A_642 : vector<16xf32>
        %mul3A_658 = arith.mulf %add3A_657, %add3A_653 : vector<16xf32>
        %add3A_659 = arith.addf %mul3A_656, %mul3A_658 : vector<16xf32>
        %sub3A_660 = arith.constant 1.000000e+00 : f32
        %sub3A_661 = vector.broadcast %sub3A_660 : f32 to vector<16xf32>
        %sub3A_662 = arith.subf %sub3A_661, %get3A_606 : vector<16xf32>
        %bitcast_convert_type3A_663 = tpu.bitcast %sub3A_662 : vector<16xf32> -> vector<16xi32>
        %shift_right_arithmetic3A_664 = arith.constant 23 : i32
        %shift_right_arithmetic3A_665 = vector.broadcast %shift_right_arithmetic3A_664 : i32 to vector<16xi32>
        %shift_right_arithmetic3A_666 = arith.shrsi %bitcast_convert_type3A_663, %shift_right_arithmetic3A_665 : vector<16xi32>
        %convert_element_type3A_667 = arith.sitofp %shift_right_arithmetic3A_666 : vector<16xi32> to vector<16xf32>
        %and3A_668 = arith.constant 8388607 : i32
        %and3A_669 = vector.broadcast %and3A_668 : i32 to vector<16xi32>
        %and3A_670 = arith.andi %bitcast_convert_type3A_663, %and3A_669 : vector<16xi32>
        %or3A_671 = arith.constant 1065353216 : i32
        %or3A_672 = vector.broadcast %or3A_671 : i32 to vector<16xi32>
        %or3A_673 = arith.ori %and3A_670, %or3A_672 : vector<16xi32>
        %bitcast_convert_type3A_674 = tpu.bitcast %or3A_673 : vector<16xi32> -> vector<16xf32>
        %sub3A_675 = arith.constant 1.000000e+00 : f32
        %sub3A_676 = vector.broadcast %sub3A_675 : f32 to vector<16xf32>
        %sub3A_677 = arith.subf %bitcast_convert_type3A_674, %sub3A_676 : vector<16xf32>
        %add3A_678 = arith.constant 1.000000e+00 : f32
        %add3A_679 = vector.broadcast %add3A_678 : f32 to vector<16xf32>
        %add3A_680 = arith.addf %bitcast_convert_type3A_674, %add3A_679 : vector<16xf32>
        %div3A_681 = arith.divf %sub3A_677, %add3A_680 : vector<16xf32>
        %mul3A_682 = arith.mulf %div3A_681, %div3A_681 : vector<16xf32>
        %mul3A_683 = arith.constant 2.000000e-01 : f32
        %mul3A_684 = vector.broadcast %mul3A_683 : f32 to vector<16xf32>
        %mul3A_685 = arith.mulf %mul3A_682, %mul3A_684 : vector<16xf32>
        %add3A_686 = arith.constant 0.333333343 : f32
        %add3A_687 = vector.broadcast %add3A_686 : f32 to vector<16xf32>
        %add3A_688 = arith.addf %add3A_687, %mul3A_685 : vector<16xf32>
        %mul3A_689 = arith.mulf %mul3A_682, %add3A_688 : vector<16xf32>
        %add3A_690 = arith.constant 1.000000e+00 : f32
        %add3A_691 = vector.broadcast %add3A_690 : f32 to vector<16xf32>
        %add3A_692 = arith.addf %add3A_691, %mul3A_689 : vector<16xf32>
        %mul3A_693 = arith.constant 0.693147182 : f32
        %mul3A_694 = vector.broadcast %mul3A_693 : f32 to vector<16xf32>
        %mul3A_695 = arith.mulf %convert_element_type3A_667, %mul3A_694 : vector<16xf32>
        %add3A_696 = arith.addf %div3A_681, %div3A_681 : vector<16xf32>
        %mul3A_697 = arith.mulf %add3A_696, %add3A_692 : vector<16xf32>
        %add3A_698 = arith.addf %mul3A_695, %mul3A_697 : vector<16xf32>
        %sub3A_699 = arith.subf %add3A_659, %add3A_698 : vector<16xf32>
        %mul3A_700 = arith.mulf %get3A_610, %sub3A_699 : vector<16xf32>
        %add3A_701 = arith.addf %add3A_698, %mul3A_700 : vector<16xf32>
        %add3A_702 = arith.addf %add3A_591, %mul3A_623 : vector<16xf32>
        %add3A_703 = arith.addf %add3A_592, %get3A_614 : vector<16xf32>
        %mul3A_704 = arith.mulf %add3A_701, %mul3A_623 : vector<16xf32>
        %add3A_705 = arith.addf %add3A_594, %mul3A_704 : vector<16xf32>
        %mul3A_706 = arith.mulf %add3A_701, %get3A_614 : vector<16xf32>
        %add3A_707 = arith.addf %add3A_596, %mul3A_706 : vector<16xf32>
        scf.yield %add3A_702, %add3A_703, %add3A_705, %add3A_707 : vector<16xf32>, vector<16xf32>, vector<16xf32>, vector<16xf32>
      }
      %scan3A_264 = arith.constant 8 : i32
      scf.yield %scan3A_263#0, %scan3A_263#1, %scan3A_263#2, %scan3A_263#3 : vector<16xf32>, vector<16xf32>, vector<16xf32>, vector<16xf32>
    }
    %scan3A_153 = arith.constant 32 : i32
    %dma_wait3A_154 = arith.constant 0 : i32
    %dma_wait3A_155 = arith.constant 0 : i32
    %dma_wait3A_156 = tpu.memref_slice %arg2[%select_n3A, %dma_wait3A_154, %add3A_126, %dma_wait3A_155] : memref<8x1x512x512xf32, #tpu.memory_space<hbm>> -> memref<1x1x32x512xf32, #tpu.memory_space<hbm>>
    %dma_wait3A_157 = tpu.memref_squeeze %dma_wait3A_156 : memref<1x1x32x512xf32, #tpu.memory_space<hbm>> -> memref<32x512xf32, #tpu.memory_space<hbm>>
    %dma_wait3A_158 = arith.constant 0 : i32
    %dma_wait3A_159 = tpu.memref_slice %arg2[%select_n3A, %dma_wait3A_154, %add3A_126, %dma_wait3A_158] : memref<8x1x512x512xf32, #tpu.memory_space<hbm>> -> memref<1x1x32x512xf32, #tpu.memory_space<hbm>>
    %dma_wait3A_160 = tpu.memref_squeeze %dma_wait3A_159 : memref<1x1x32x512xf32, #tpu.memory_space<hbm>> -> memref<32x512xf32, #tpu.memory_space<hbm>>
    tpu.wait_dma2 semaphore(%arg13 : memref<!tpu.dma_semaphore, #tpu.memory_space<semaphore_mem>>) src(%dma_wait3A_160 : memref<32x512xf32, #tpu.memory_space<hbm>>) dst(%arg6 : memref<32x512xf32, #tpu.memory_space<vmem>>)
    %dma_wait3A_161 = arith.constant 0 : i32
    %dma_wait3A_162 = arith.constant 0 : i32
    %dma_wait3A_163 = tpu.memref_slice %arg3[%select_n3A, %dma_wait3A_161, %add3A_126, %dma_wait3A_162] : memref<8x1x512x512xf32, #tpu.memory_space<hbm>> -> memref<1x1x32x512xf32, #tpu.memory_space<hbm>>
    %dma_wait3A_164 = tpu.memref_squeeze %dma_wait3A_163 : memref<1x1x32x512xf32, #tpu.memory_space<hbm>> -> memref<32x512xf32, #tpu.memory_space<hbm>>
    %dma_wait3A_165 = arith.constant 0 : i32
    %dma_wait3A_166 = tpu.memref_slice %arg3[%select_n3A, %dma_wait3A_161, %add3A_126, %dma_wait3A_165] : memref<8x1x512x512xf32, #tpu.memory_space<hbm>> -> memref<1x1x32x512xf32, #tpu.memory_space<hbm>>
    %dma_wait3A_167 = tpu.memref_squeeze %dma_wait3A_166 : memref<1x1x32x512xf32, #tpu.memory_space<hbm>> -> memref<32x512xf32, #tpu.memory_space<hbm>>
    tpu.wait_dma2 semaphore(%arg13 : memref<!tpu.dma_semaphore, #tpu.memory_space<semaphore_mem>>) src(%dma_wait3A_167 : memref<32x512xf32, #tpu.memory_space<hbm>>) dst(%arg7 : memref<32x512xf32, #tpu.memory_space<vmem>>)
    %dma_wait3A_168 = arith.constant 0 : i32
    %dma_wait3A_169 = arith.constant 0 : i32
    %dma_wait3A_170 = tpu.memref_slice %arg4[%select_n3A, %dma_wait3A_168, %add3A_126, %dma_wait3A_169] : memref<8x1x512x512xf32, #tpu.memory_space<hbm>> -> memref<1x1x32x512xf32, #tpu.memory_space<hbm>>
    %dma_wait3A_171 = tpu.memref_squeeze %dma_wait3A_170 : memref<1x1x32x512xf32, #tpu.memory_space<hbm>> -> memref<32x512xf32, #tpu.memory_space<hbm>>
    %dma_wait3A_172 = arith.constant 0 : i32
    %dma_wait3A_173 = tpu.memref_slice %arg4[%select_n3A, %dma_wait3A_168, %add3A_126, %dma_wait3A_172] : memref<8x1x512x512xf32, #tpu.memory_space<hbm>> -> memref<1x1x32x512xf32, #tpu.memory_space<hbm>>
    %dma_wait3A_174 = tpu.memref_squeeze %dma_wait3A_173 : memref<1x1x32x512xf32, #tpu.memory_space<hbm>> -> memref<32x512xf32, #tpu.memory_space<hbm>>
    tpu.wait_dma2 semaphore(%arg13 : memref<!tpu.dma_semaphore, #tpu.memory_space<semaphore_mem>>) src(%dma_wait3A_174 : memref<32x512xf32, #tpu.memory_space<hbm>>) dst(%arg8 : memref<32x512xf32, #tpu.memory_space<vmem>>)
    %add3A_175 = arith.constant 96 : i32
    %add3A_176 = arith.addi %mul3A_32, %add3A_175 : i32
    %dma_start3A_177 = arith.constant 0 : i32
    %dma_start3A_178 = arith.constant 0 : i32
    %dma_start3A_179 = tpu.memref_slice %arg2[%select_n3A, %dma_start3A_177, %add3A_176, %dma_start3A_178] : memref<8x1x512x512xf32, #tpu.memory_space<hbm>> -> memref<1x1x32x512xf32, #tpu.memory_space<hbm>>
    %dma_start3A_180 = tpu.memref_squeeze %dma_start3A_179 : memref<1x1x32x512xf32, #tpu.memory_space<hbm>> -> memref<32x512xf32, #tpu.memory_space<hbm>>
    %dma_start3A_181 = arith.constant 0 : i32
    %dma_start3A_182 = tpu.memref_slice %arg2[%select_n3A, %dma_start3A_177, %add3A_176, %dma_start3A_181] : memref<8x1x512x512xf32, #tpu.memory_space<hbm>> -> memref<1x1x32x512xf32, #tpu.memory_space<hbm>>
    %dma_start3A_183 = tpu.memref_squeeze %dma_start3A_182 : memref<1x1x32x512xf32, #tpu.memory_space<hbm>> -> memref<32x512xf32, #tpu.memory_space<hbm>>
    tpu.enqueue_dma source(%dma_start3A_183 : memref<32x512xf32, #tpu.memory_space<hbm>>) target(%arg9 : memref<32x512xf32, #tpu.memory_space<vmem>>) target_semaphore(%arg14 : memref<!tpu.dma_semaphore, #tpu.memory_space<semaphore_mem>>)
    %dma_start3A_184 = arith.constant 0 : i32
    %dma_start3A_185 = arith.constant 0 : i32
    %dma_start3A_186 = tpu.memref_slice %arg3[%select_n3A, %dma_start3A_184, %add3A_176, %dma_start3A_185] : memref<8x1x512x512xf32, #tpu.memory_space<hbm>> -> memref<1x1x32x512xf32, #tpu.memory_space<hbm>>
    %dma_start3A_187 = tpu.memref_squeeze %dma_start3A_186 : memref<1x1x32x512xf32, #tpu.memory_space<hbm>> -> memref<32x512xf32, #tpu.memory_space<hbm>>
    %dma_start3A_188 = arith.constant 0 : i32
    %dma_start3A_189 = tpu.memref_slice %arg3[%select_n3A, %dma_start3A_184, %add3A_176, %dma_start3A_188] : memref<8x1x512x512xf32, #tpu.memory_space<hbm>> -> memref<1x1x32x512xf32, #tpu.memory_space<hbm>>
    %dma_start3A_190 = tpu.memref_squeeze %dma_start3A_189 : memref<1x1x32x512xf32, #tpu.memory_space<hbm>> -> memref<32x512xf32, #tpu.memory_space<hbm>>
    tpu.enqueue_dma source(%dma_start3A_190 : memref<32x512xf32, #tpu.memory_space<hbm>>) target(%arg10 : memref<32x512xf32, #tpu.memory_space<vmem>>) target_semaphore(%arg14 : memref<!tpu.dma_semaphore, #tpu.memory_space<semaphore_mem>>)
    %dma_start3A_191 = arith.constant 0 : i32
    %dma_start3A_192 = arith.constant 0 : i32
    %dma_start3A_193 = tpu.memref_slice %arg4[%select_n3A, %dma_start3A_191, %add3A_176, %dma_start3A_192] : memref<8x1x512x512xf32, #tpu.memory_space<hbm>> -> memref<1x1x32x512xf32, #tpu.memory_space<hbm>>
    %dma_start3A_194 = tpu.memref_squeeze %dma_start3A_193 : memref<1x1x32x512xf32, #tpu.memory_space<hbm>> -> memref<32x512xf32, #tpu.memory_space<hbm>>
    %dma_start3A_195 = arith.constant 0 : i32
    %dma_start3A_196 = tpu.memref_slice %arg4[%select_n3A, %dma_start3A_191, %add3A_176, %dma_start3A_195] : memref<8x1x512x512xf32, #tpu.memory_space<hbm>> -> memref<1x1x32x512xf32, #tpu.memory_space<hbm>>
    %dma_start3A_197 = tpu.memref_squeeze %dma_start3A_196 : memref<1x1x32x512xf32, #tpu.memory_space<hbm>> -> memref<32x512xf32, #tpu.memory_space<hbm>>
    tpu.enqueue_dma source(%dma_start3A_197 : memref<32x512xf32, #tpu.memory_space<hbm>>) target(%arg11 : memref<32x512xf32, #tpu.memory_space<vmem>>) target_semaphore(%arg14 : memref<!tpu.dma_semaphore, #tpu.memory_space<semaphore_mem>>)
    %scan3A_198 = arith.constant 0 : i32
    %scan3A_199 = arith.constant 32 : i32
    %scan3A_200 = arith.addi %scan3A_198, %scan3A_199 : i32
    %scan3A_201 = arith.constant 1 : i32
    %scan3A_202:4 = scf.for %scan3A_254 = %scan3A_198 to %scan3A_200 step %scan3A_201 iter_args(%scan3A_255 = %scan3A_152#0, %scan3A_256 = %scan3A_152#1, %scan3A_257 = %scan3A_152#2, %scan3A_258 = %scan3A_152#3) -> (vector<16xf32>, vector<16xf32>, vector<16xf32>, vector<16xf32>)  : i32 {
      %scan3A_259 = arith.constant 0 : i32
      %scan3A_260 = arith.constant 8 : i32
      %scan3A_261 = arith.addi %scan3A_259, %scan3A_260 : i32
      %scan3A_262 = arith.constant 1 : i32
      %scan3A_263:4 = scf.for %scan3A_265 = %scan3A_259 to %scan3A_261 step %scan3A_262 iter_args(%scan3A_266 = %scan3A_255, %scan3A_267 = %scan3A_256, %scan3A_268 = %scan3A_257, %scan3A_269 = %scan3A_258) -> (vector<16xf32>, vector<16xf32>, vector<16xf32>, vector<16xf32>)  : i32 {
        %mul3A_270 = arith.constant 4 : i32
        %mul3A_271 = arith.muli %scan3A_265, %mul3A_270 : i32
        %add3A_272 = arith.constant 0 : i32
        %add3A_273 = arith.addi %mul3A_271, %add3A_272 : i32
        %mul3A_274 = arith.constant 16 : i32
        %mul3A_275 = arith.muli %add3A_273, %mul3A_274 : i32
        %get3A = arith.index_cast %scan3A_254 : i32 to index
        %get3A_276 = arith.index_cast %mul3A_275 : i32 to index
        %get3A_277 = tpu.vector_load %arg6[%get3A, %get3A_276] {strides = array<i32>} : memref<32x512xf32, #tpu.memory_space<vmem>>, vector<1x16xf32>,
        %get3A_278 = vector.shape_cast %get3A_277 : vector<1x16xf32> to vector<16xf32>
        %get3A_279 = arith.index_cast %scan3A_254 : i32 to index
        %get3A_280 = arith.index_cast %mul3A_275 : i32 to index
        %get3A_281 = tpu.vector_load %arg7[%get3A_279, %get3A_280] {strides = array<i32>} : memref<32x512xf32, #tpu.memory_space<vmem>>, vector<1x16xf32>,
        %get3A_282 = vector.shape_cast %get3A_281 : vector<1x16xf32> to vector<16xf32>
        %get3A_283 = arith.index_cast %scan3A_254 : i32 to index
        %get3A_284 = arith.index_cast %mul3A_275 : i32 to index
        %get3A_285 = tpu.vector_load %arg8[%get3A_283, %get3A_284] {strides = array<i32>} : memref<32x512xf32, #tpu.memory_space<vmem>>, vector<1x16xf32>,
        %get3A_286 = vector.shape_cast %get3A_285 : vector<1x16xf32> to vector<16xf32>
        %gt3A = arith.constant 5.000000e-01 : f32
        %gt3A_287 = vector.broadcast %gt3A : f32 to vector<16xf32>
        %gt3A_288 = arith.cmpf ogt, %get3A_282, %gt3A_287 : vector<16xf32>
        %jit3A_289 = arith.constant 1.000000e+00 : f32
        %jit3A_290 = arith.constant 0.000000e+00 : f32
        %broadcast_in_dim3A_291 = vector.broadcast %jit3A_289 : f32 to vector<16xf32>
        %broadcast_in_dim3A_292 = vector.broadcast %jit3A_290 : f32 to vector<16xf32>
        %select_n3A_293 = arith.select %gt3A_288, %broadcast_in_dim3A_291, %broadcast_in_dim3A_292 : vector<16xi1>, vector<16xf32>
        %mul3A_294 = arith.mulf %select_n3A_293, %get3A_286 : vector<16xf32>
        %bitcast_convert_type3A = tpu.bitcast %get3A_278 : vector<16xf32> -> vector<16xi32>
        %shift_right_arithmetic3A = arith.constant 23 : i32
        %shift_right_arithmetic3A_295 = vector.broadcast %shift_right_arithmetic3A : i32 to vector<16xi32>
        %shift_right_arithmetic3A_296 = arith.shrsi %bitcast_convert_type3A, %shift_right_arithmetic3A_295 : vector<16xi32>
        %convert_element_type3A = arith.sitofp %shift_right_arithmetic3A_296 : vector<16xi32> to vector<16xf32>
        %and3A_297 = arith.constant 8388607 : i32
        %and3A_298 = vector.broadcast %and3A_297 : i32 to vector<16xi32>
        %and3A_299 = arith.andi %bitcast_convert_type3A, %and3A_298 : vector<16xi32>
        %or3A = arith.constant 1065353216 : i32
        %or3A_300 = vector.broadcast %or3A : i32 to vector<16xi32>
        %or3A_301 = arith.ori %and3A_299, %or3A_300 : vector<16xi32>
        %bitcast_convert_type3A_302 = tpu.bitcast %or3A_301 : vector<16xi32> -> vector<16xf32>
        %sub3A_303 = arith.constant 1.000000e+00 : f32
        %sub3A_304 = vector.broadcast %sub3A_303 : f32 to vector<16xf32>
        %sub3A_305 = arith.subf %bitcast_convert_type3A_302, %sub3A_304 : vector<16xf32>
        %add3A_306 = arith.constant 1.000000e+00 : f32
        %add3A_307 = vector.broadcast %add3A_306 : f32 to vector<16xf32>
        %add3A_308 = arith.addf %bitcast_convert_type3A_302, %add3A_307 : vector<16xf32>
        %div3A_309 = arith.divf %sub3A_305, %add3A_308 : vector<16xf32>
        %mul3A_310 = arith.mulf %div3A_309, %div3A_309 : vector<16xf32>
        %mul3A_311 = arith.constant 2.000000e-01 : f32
        %mul3A_312 = vector.broadcast %mul3A_311 : f32 to vector<16xf32>
        %mul3A_313 = arith.mulf %mul3A_310, %mul3A_312 : vector<16xf32>
        %add3A_314 = arith.constant 0.333333343 : f32
        %add3A_315 = vector.broadcast %add3A_314 : f32 to vector<16xf32>
        %add3A_316 = arith.addf %add3A_315, %mul3A_313 : vector<16xf32>
        %mul3A_317 = arith.mulf %mul3A_310, %add3A_316 : vector<16xf32>
        %add3A_318 = arith.constant 1.000000e+00 : f32
        %add3A_319 = vector.broadcast %add3A_318 : f32 to vector<16xf32>
        %add3A_320 = arith.addf %add3A_319, %mul3A_317 : vector<16xf32>
        %mul3A_321 = arith.constant 0.693147182 : f32
        %mul3A_322 = vector.broadcast %mul3A_321 : f32 to vector<16xf32>
        %mul3A_323 = arith.mulf %convert_element_type3A, %mul3A_322 : vector<16xf32>
        %add3A_324 = arith.addf %div3A_309, %div3A_309 : vector<16xf32>
        %mul3A_325 = arith.mulf %add3A_324, %add3A_320 : vector<16xf32>
        %add3A_326 = arith.addf %mul3A_323, %mul3A_325 : vector<16xf32>
        %sub3A_327 = arith.constant 1.000000e+00 : f32
        %sub3A_328 = vector.broadcast %sub3A_327 : f32 to vector<16xf32>
        %sub3A_329 = arith.subf %sub3A_328, %get3A_278 : vector<16xf32>
        %bitcast_convert_type3A_330 = tpu.bitcast %sub3A_329 : vector<16xf32> -> vector<16xi32>
        %shift_right_arithmetic3A_331 = arith.constant 23 : i32
        %shift_right_arithmetic3A_332 = vector.broadcast %shift_right_arithmetic3A_331 : i32 to vector<16xi32>
        %shift_right_arithmetic3A_333 = arith.shrsi %bitcast_convert_type3A_330, %shift_right_arithmetic3A_332 : vector<16xi32>
        %convert_element_type3A_334 = arith.sitofp %shift_right_arithmetic3A_333 : vector<16xi32> to vector<16xf32>
        %and3A_335 = arith.constant 8388607 : i32
        %and3A_336 = vector.broadcast %and3A_335 : i32 to vector<16xi32>
        %and3A_337 = arith.andi %bitcast_convert_type3A_330, %and3A_336 : vector<16xi32>
        %or3A_338 = arith.constant 1065353216 : i32
        %or3A_339 = vector.broadcast %or3A_338 : i32 to vector<16xi32>
        %or3A_340 = arith.ori %and3A_337, %or3A_339 : vector<16xi32>
        %bitcast_convert_type3A_341 = tpu.bitcast %or3A_340 : vector<16xi32> -> vector<16xf32>
        %sub3A_342 = arith.constant 1.000000e+00 : f32
        %sub3A_343 = vector.broadcast %sub3A_342 : f32 to vector<16xf32>
        %sub3A_344 = arith.subf %bitcast_convert_type3A_341, %sub3A_343 : vector<16xf32>
        %add3A_345 = arith.constant 1.000000e+00 : f32
        %add3A_346 = vector.broadcast %add3A_345 : f32 to vector<16xf32>
        %add3A_347 = arith.addf %bitcast_convert_type3A_341, %add3A_346 : vector<16xf32>
        %div3A_348 = arith.divf %sub3A_344, %add3A_347 : vector<16xf32>
        %mul3A_349 = arith.mulf %div3A_348, %div3A_348 : vector<16xf32>
        %mul3A_350 = arith.constant 2.000000e-01 : f32
        %mul3A_351 = vector.broadcast %mul3A_350 : f32 to vector<16xf32>
        %mul3A_352 = arith.mulf %mul3A_349, %mul3A_351 : vector<16xf32>
        %add3A_353 = arith.constant 0.333333343 : f32
        %add3A_354 = vector.broadcast %add3A_353 : f32 to vector<16xf32>
        %add3A_355 = arith.addf %add3A_354, %mul3A_352 : vector<16xf32>
        %mul3A_356 = arith.mulf %mul3A_349, %add3A_355 : vector<16xf32>
        %add3A_357 = arith.constant 1.000000e+00 : f32
        %add3A_358 = vector.broadcast %add3A_357 : f32 to vector<16xf32>
        %add3A_359 = arith.addf %add3A_358, %mul3A_356 : vector<16xf32>
        %mul3A_360 = arith.constant 0.693147182 : f32
        %mul3A_361 = vector.broadcast %mul3A_360 : f32 to vector<16xf32>
        %mul3A_362 = arith.mulf %convert_element_type3A_334, %mul3A_361 : vector<16xf32>
        %add3A_363 = arith.addf %div3A_348, %div3A_348 : vector<16xf32>
        %mul3A_364 = arith.mulf %add3A_363, %add3A_359 : vector<16xf32>
        %add3A_365 = arith.addf %mul3A_362, %mul3A_364 : vector<16xf32>
        %sub3A_366 = arith.subf %add3A_326, %add3A_365 : vector<16xf32>
        %mul3A_367 = arith.mulf %get3A_282, %sub3A_366 : vector<16xf32>
        %add3A_368 = arith.addf %add3A_365, %mul3A_367 : vector<16xf32>
        %add3A_369 = arith.addf %scan3A_266, %mul3A_294 : vector<16xf32>
        %add3A_370 = arith.addf %scan3A_267, %get3A_286 : vector<16xf32>
        %mul3A_371 = arith.mulf %add3A_368, %mul3A_294 : vector<16xf32>
        %add3A_372 = arith.addf %scan3A_268, %mul3A_371 : vector<16xf32>
        %mul3A_373 = arith.mulf %add3A_368, %get3A_286 : vector<16xf32>
        %add3A_374 = arith.addf %scan3A_269, %mul3A_373 : vector<16xf32>
        %mul3A_375 = arith.constant 4 : i32
        %mul3A_376 = arith.muli %scan3A_265, %mul3A_375 : i32
        %add3A_377 = arith.constant 1 : i32
        %add3A_378 = arith.addi %mul3A_376, %add3A_377 : i32
        %mul3A_379 = arith.constant 16 : i32
        %mul3A_380 = arith.muli %add3A_378, %mul3A_379 : i32
        %get3A_381 = arith.index_cast %scan3A_254 : i32 to index
        %get3A_382 = arith.index_cast %mul3A_380 : i32 to index
        %get3A_383 = tpu.vector_load %arg6[%get3A_381, %get3A_382] {strides = array<i32>} : memref<32x512xf32, #tpu.memory_space<vmem>>, vector<1x16xf32>,
        %get3A_384 = vector.shape_cast %get3A_383 : vector<1x16xf32> to vector<16xf32>
        %get3A_385 = arith.index_cast %scan3A_254 : i32 to index
        %get3A_386 = arith.index_cast %mul3A_380 : i32 to index
        %get3A_387 = tpu.vector_load %arg7[%get3A_385, %get3A_386] {strides = array<i32>} : memref<32x512xf32, #tpu.memory_space<vmem>>, vector<1x16xf32>,
        %get3A_388 = vector.shape_cast %get3A_387 : vector<1x16xf32> to vector<16xf32>
        %get3A_389 = arith.index_cast %scan3A_254 : i32 to index
        %get3A_390 = arith.index_cast %mul3A_380 : i32 to index
        %get3A_391 = tpu.vector_load %arg8[%get3A_389, %get3A_390] {strides = array<i32>} : memref<32x512xf32, #tpu.memory_space<vmem>>, vector<1x16xf32>,
        %get3A_392 = vector.shape_cast %get3A_391 : vector<1x16xf32> to vector<16xf32>
        %gt3A_393 = arith.constant 5.000000e-01 : f32
        %gt3A_394 = vector.broadcast %gt3A_393 : f32 to vector<16xf32>
        %gt3A_395 = arith.cmpf ogt, %get3A_388, %gt3A_394 : vector<16xf32>
        %jit3A_396 = arith.constant 1.000000e+00 : f32
        %jit3A_397 = arith.constant 0.000000e+00 : f32
        %broadcast_in_dim3A_398 = vector.broadcast %jit3A_396 : f32 to vector<16xf32>
        %broadcast_in_dim3A_399 = vector.broadcast %jit3A_397 : f32 to vector<16xf32>
        %select_n3A_400 = arith.select %gt3A_395, %broadcast_in_dim3A_398, %broadcast_in_dim3A_399 : vector<16xi1>, vector<16xf32>
        %mul3A_401 = arith.mulf %select_n3A_400, %get3A_392 : vector<16xf32>
        %bitcast_convert_type3A_402 = tpu.bitcast %get3A_384 : vector<16xf32> -> vector<16xi32>
        %shift_right_arithmetic3A_403 = arith.constant 23 : i32
        %shift_right_arithmetic3A_404 = vector.broadcast %shift_right_arithmetic3A_403 : i32 to vector<16xi32>
        %shift_right_arithmetic3A_405 = arith.shrsi %bitcast_convert_type3A_402, %shift_right_arithmetic3A_404 : vector<16xi32>
        %convert_element_type3A_406 = arith.sitofp %shift_right_arithmetic3A_405 : vector<16xi32> to vector<16xf32>
        %and3A_407 = arith.constant 8388607 : i32
        %and3A_408 = vector.broadcast %and3A_407 : i32 to vector<16xi32>
        %and3A_409 = arith.andi %bitcast_convert_type3A_402, %and3A_408 : vector<16xi32>
        %or3A_410 = arith.constant 1065353216 : i32
        %or3A_411 = vector.broadcast %or3A_410 : i32 to vector<16xi32>
        %or3A_412 = arith.ori %and3A_409, %or3A_411 : vector<16xi32>
        %bitcast_convert_type3A_413 = tpu.bitcast %or3A_412 : vector<16xi32> -> vector<16xf32>
        %sub3A_414 = arith.constant 1.000000e+00 : f32
        %sub3A_415 = vector.broadcast %sub3A_414 : f32 to vector<16xf32>
        %sub3A_416 = arith.subf %bitcast_convert_type3A_413, %sub3A_415 : vector<16xf32>
        %add3A_417 = arith.constant 1.000000e+00 : f32
        %add3A_418 = vector.broadcast %add3A_417 : f32 to vector<16xf32>
        %add3A_419 = arith.addf %bitcast_convert_type3A_413, %add3A_418 : vector<16xf32>
        %div3A_420 = arith.divf %sub3A_416, %add3A_419 : vector<16xf32>
        %mul3A_421 = arith.mulf %div3A_420, %div3A_420 : vector<16xf32>
        %mul3A_422 = arith.constant 2.000000e-01 : f32
        %mul3A_423 = vector.broadcast %mul3A_422 : f32 to vector<16xf32>
        %mul3A_424 = arith.mulf %mul3A_421, %mul3A_423 : vector<16xf32>
        %add3A_425 = arith.constant 0.333333343 : f32
        %add3A_426 = vector.broadcast %add3A_425 : f32 to vector<16xf32>
        %add3A_427 = arith.addf %add3A_426, %mul3A_424 : vector<16xf32>
        %mul3A_428 = arith.mulf %mul3A_421, %add3A_427 : vector<16xf32>
        %add3A_429 = arith.constant 1.000000e+00 : f32
        %add3A_430 = vector.broadcast %add3A_429 : f32 to vector<16xf32>
        %add3A_431 = arith.addf %add3A_430, %mul3A_428 : vector<16xf32>
        %mul3A_432 = arith.constant 0.693147182 : f32
        %mul3A_433 = vector.broadcast %mul3A_432 : f32 to vector<16xf32>
        %mul3A_434 = arith.mulf %convert_element_type3A_406, %mul3A_433 : vector<16xf32>
        %add3A_435 = arith.addf %div3A_420, %div3A_420 : vector<16xf32>
        %mul3A_436 = arith.mulf %add3A_435, %add3A_431 : vector<16xf32>
        %add3A_437 = arith.addf %mul3A_434, %mul3A_436 : vector<16xf32>
        %sub3A_438 = arith.constant 1.000000e+00 : f32
        %sub3A_439 = vector.broadcast %sub3A_438 : f32 to vector<16xf32>
        %sub3A_440 = arith.subf %sub3A_439, %get3A_384 : vector<16xf32>
        %bitcast_convert_type3A_441 = tpu.bitcast %sub3A_440 : vector<16xf32> -> vector<16xi32>
        %shift_right_arithmetic3A_442 = arith.constant 23 : i32
        %shift_right_arithmetic3A_443 = vector.broadcast %shift_right_arithmetic3A_442 : i32 to vector<16xi32>
        %shift_right_arithmetic3A_444 = arith.shrsi %bitcast_convert_type3A_441, %shift_right_arithmetic3A_443 : vector<16xi32>
        %convert_element_type3A_445 = arith.sitofp %shift_right_arithmetic3A_444 : vector<16xi32> to vector<16xf32>
        %and3A_446 = arith.constant 8388607 : i32
        %and3A_447 = vector.broadcast %and3A_446 : i32 to vector<16xi32>
        %and3A_448 = arith.andi %bitcast_convert_type3A_441, %and3A_447 : vector<16xi32>
        %or3A_449 = arith.constant 1065353216 : i32
        %or3A_450 = vector.broadcast %or3A_449 : i32 to vector<16xi32>
        %or3A_451 = arith.ori %and3A_448, %or3A_450 : vector<16xi32>
        %bitcast_convert_type3A_452 = tpu.bitcast %or3A_451 : vector<16xi32> -> vector<16xf32>
        %sub3A_453 = arith.constant 1.000000e+00 : f32
        %sub3A_454 = vector.broadcast %sub3A_453 : f32 to vector<16xf32>
        %sub3A_455 = arith.subf %bitcast_convert_type3A_452, %sub3A_454 : vector<16xf32>
        %add3A_456 = arith.constant 1.000000e+00 : f32
        %add3A_457 = vector.broadcast %add3A_456 : f32 to vector<16xf32>
        %add3A_458 = arith.addf %bitcast_convert_type3A_452, %add3A_457 : vector<16xf32>
        %div3A_459 = arith.divf %sub3A_455, %add3A_458 : vector<16xf32>
        %mul3A_460 = arith.mulf %div3A_459, %div3A_459 : vector<16xf32>
        %mul3A_461 = arith.constant 2.000000e-01 : f32
        %mul3A_462 = vector.broadcast %mul3A_461 : f32 to vector<16xf32>
        %mul3A_463 = arith.mulf %mul3A_460, %mul3A_462 : vector<16xf32>
        %add3A_464 = arith.constant 0.333333343 : f32
        %add3A_465 = vector.broadcast %add3A_464 : f32 to vector<16xf32>
        %add3A_466 = arith.addf %add3A_465, %mul3A_463 : vector<16xf32>
        %mul3A_467 = arith.mulf %mul3A_460, %add3A_466 : vector<16xf32>
        %add3A_468 = arith.constant 1.000000e+00 : f32
        %add3A_469 = vector.broadcast %add3A_468 : f32 to vector<16xf32>
        %add3A_470 = arith.addf %add3A_469, %mul3A_467 : vector<16xf32>
        %mul3A_471 = arith.constant 0.693147182 : f32
        %mul3A_472 = vector.broadcast %mul3A_471 : f32 to vector<16xf32>
        %mul3A_473 = arith.mulf %convert_element_type3A_445, %mul3A_472 : vector<16xf32>
        %add3A_474 = arith.addf %div3A_459, %div3A_459 : vector<16xf32>
        %mul3A_475 = arith.mulf %add3A_474, %add3A_470 : vector<16xf32>
        %add3A_476 = arith.addf %mul3A_473, %mul3A_475 : vector<16xf32>
        %sub3A_477 = arith.subf %add3A_437, %add3A_476 : vector<16xf32>
        %mul3A_478 = arith.mulf %get3A_388, %sub3A_477 : vector<16xf32>
        %add3A_479 = arith.addf %add3A_476, %mul3A_478 : vector<16xf32>
        %add3A_480 = arith.addf %add3A_369, %mul3A_401 : vector<16xf32>
        %add3A_481 = arith.addf %add3A_370, %get3A_392 : vector<16xf32>
        %mul3A_482 = arith.mulf %add3A_479, %mul3A_401 : vector<16xf32>
        %add3A_483 = arith.addf %add3A_372, %mul3A_482 : vector<16xf32>
        %mul3A_484 = arith.mulf %add3A_479, %get3A_392 : vector<16xf32>
        %add3A_485 = arith.addf %add3A_374, %mul3A_484 : vector<16xf32>
        %mul3A_486 = arith.constant 4 : i32
        %mul3A_487 = arith.muli %scan3A_265, %mul3A_486 : i32
        %add3A_488 = arith.constant 2 : i32
        %add3A_489 = arith.addi %mul3A_487, %add3A_488 : i32
        %mul3A_490 = arith.constant 16 : i32
        %mul3A_491 = arith.muli %add3A_489, %mul3A_490 : i32
        %get3A_492 = arith.index_cast %scan3A_254 : i32 to index
        %get3A_493 = arith.index_cast %mul3A_491 : i32 to index
        %get3A_494 = tpu.vector_load %arg6[%get3A_492, %get3A_493] {strides = array<i32>} : memref<32x512xf32, #tpu.memory_space<vmem>>, vector<1x16xf32>,
        %get3A_495 = vector.shape_cast %get3A_494 : vector<1x16xf32> to vector<16xf32>
        %get3A_496 = arith.index_cast %scan3A_254 : i32 to index
        %get3A_497 = arith.index_cast %mul3A_491 : i32 to index
        %get3A_498 = tpu.vector_load %arg7[%get3A_496, %get3A_497] {strides = array<i32>} : memref<32x512xf32, #tpu.memory_space<vmem>>, vector<1x16xf32>,
        %get3A_499 = vector.shape_cast %get3A_498 : vector<1x16xf32> to vector<16xf32>
        %get3A_500 = arith.index_cast %scan3A_254 : i32 to index
        %get3A_501 = arith.index_cast %mul3A_491 : i32 to index
        %get3A_502 = tpu.vector_load %arg8[%get3A_500, %get3A_501] {strides = array<i32>} : memref<32x512xf32, #tpu.memory_space<vmem>>, vector<1x16xf32>,
        %get3A_503 = vector.shape_cast %get3A_502 : vector<1x16xf32> to vector<16xf32>
        %gt3A_504 = arith.constant 5.000000e-01 : f32
        %gt3A_505 = vector.broadcast %gt3A_504 : f32 to vector<16xf32>
        %gt3A_506 = arith.cmpf ogt, %get3A_499, %gt3A_505 : vector<16xf32>
        %jit3A_507 = arith.constant 1.000000e+00 : f32
        %jit3A_508 = arith.constant 0.000000e+00 : f32
        %broadcast_in_dim3A_509 = vector.broadcast %jit3A_507 : f32 to vector<16xf32>
        %broadcast_in_dim3A_510 = vector.broadcast %jit3A_508 : f32 to vector<16xf32>
        %select_n3A_511 = arith.select %gt3A_506, %broadcast_in_dim3A_509, %broadcast_in_dim3A_510 : vector<16xi1>, vector<16xf32>
        %mul3A_512 = arith.mulf %select_n3A_511, %get3A_503 : vector<16xf32>
        %bitcast_convert_type3A_513 = tpu.bitcast %get3A_495 : vector<16xf32> -> vector<16xi32>
        %shift_right_arithmetic3A_514 = arith.constant 23 : i32
        %shift_right_arithmetic3A_515 = vector.broadcast %shift_right_arithmetic3A_514 : i32 to vector<16xi32>
        %shift_right_arithmetic3A_516 = arith.shrsi %bitcast_convert_type3A_513, %shift_right_arithmetic3A_515 : vector<16xi32>
        %convert_element_type3A_517 = arith.sitofp %shift_right_arithmetic3A_516 : vector<16xi32> to vector<16xf32>
        %and3A_518 = arith.constant 8388607 : i32
        %and3A_519 = vector.broadcast %and3A_518 : i32 to vector<16xi32>
        %and3A_520 = arith.andi %bitcast_convert_type3A_513, %and3A_519 : vector<16xi32>
        %or3A_521 = arith.constant 1065353216 : i32
        %or3A_522 = vector.broadcast %or3A_521 : i32 to vector<16xi32>
        %or3A_523 = arith.ori %and3A_520, %or3A_522 : vector<16xi32>
        %bitcast_convert_type3A_524 = tpu.bitcast %or3A_523 : vector<16xi32> -> vector<16xf32>
        %sub3A_525 = arith.constant 1.000000e+00 : f32
        %sub3A_526 = vector.broadcast %sub3A_525 : f32 to vector<16xf32>
        %sub3A_527 = arith.subf %bitcast_convert_type3A_524, %sub3A_526 : vector<16xf32>
        %add3A_528 = arith.constant 1.000000e+00 : f32
        %add3A_529 = vector.broadcast %add3A_528 : f32 to vector<16xf32>
        %add3A_530 = arith.addf %bitcast_convert_type3A_524, %add3A_529 : vector<16xf32>
        %div3A_531 = arith.divf %sub3A_527, %add3A_530 : vector<16xf32>
        %mul3A_532 = arith.mulf %div3A_531, %div3A_531 : vector<16xf32>
        %mul3A_533 = arith.constant 2.000000e-01 : f32
        %mul3A_534 = vector.broadcast %mul3A_533 : f32 to vector<16xf32>
        %mul3A_535 = arith.mulf %mul3A_532, %mul3A_534 : vector<16xf32>
        %add3A_536 = arith.constant 0.333333343 : f32
        %add3A_537 = vector.broadcast %add3A_536 : f32 to vector<16xf32>
        %add3A_538 = arith.addf %add3A_537, %mul3A_535 : vector<16xf32>
        %mul3A_539 = arith.mulf %mul3A_532, %add3A_538 : vector<16xf32>
        %add3A_540 = arith.constant 1.000000e+00 : f32
        %add3A_541 = vector.broadcast %add3A_540 : f32 to vector<16xf32>
        %add3A_542 = arith.addf %add3A_541, %mul3A_539 : vector<16xf32>
        %mul3A_543 = arith.constant 0.693147182 : f32
        %mul3A_544 = vector.broadcast %mul3A_543 : f32 to vector<16xf32>
        %mul3A_545 = arith.mulf %convert_element_type3A_517, %mul3A_544 : vector<16xf32>
        %add3A_546 = arith.addf %div3A_531, %div3A_531 : vector<16xf32>
        %mul3A_547 = arith.mulf %add3A_546, %add3A_542 : vector<16xf32>
        %add3A_548 = arith.addf %mul3A_545, %mul3A_547 : vector<16xf32>
        %sub3A_549 = arith.constant 1.000000e+00 : f32
        %sub3A_550 = vector.broadcast %sub3A_549 : f32 to vector<16xf32>
        %sub3A_551 = arith.subf %sub3A_550, %get3A_495 : vector<16xf32>
        %bitcast_convert_type3A_552 = tpu.bitcast %sub3A_551 : vector<16xf32> -> vector<16xi32>
        %shift_right_arithmetic3A_553 = arith.constant 23 : i32
        %shift_right_arithmetic3A_554 = vector.broadcast %shift_right_arithmetic3A_553 : i32 to vector<16xi32>
        %shift_right_arithmetic3A_555 = arith.shrsi %bitcast_convert_type3A_552, %shift_right_arithmetic3A_554 : vector<16xi32>
        %convert_element_type3A_556 = arith.sitofp %shift_right_arithmetic3A_555 : vector<16xi32> to vector<16xf32>
        %and3A_557 = arith.constant 8388607 : i32
        %and3A_558 = vector.broadcast %and3A_557 : i32 to vector<16xi32>
        %and3A_559 = arith.andi %bitcast_convert_type3A_552, %and3A_558 : vector<16xi32>
        %or3A_560 = arith.constant 1065353216 : i32
        %or3A_561 = vector.broadcast %or3A_560 : i32 to vector<16xi32>
        %or3A_562 = arith.ori %and3A_559, %or3A_561 : vector<16xi32>
        %bitcast_convert_type3A_563 = tpu.bitcast %or3A_562 : vector<16xi32> -> vector<16xf32>
        %sub3A_564 = arith.constant 1.000000e+00 : f32
        %sub3A_565 = vector.broadcast %sub3A_564 : f32 to vector<16xf32>
        %sub3A_566 = arith.subf %bitcast_convert_type3A_563, %sub3A_565 : vector<16xf32>
        %add3A_567 = arith.constant 1.000000e+00 : f32
        %add3A_568 = vector.broadcast %add3A_567 : f32 to vector<16xf32>
        %add3A_569 = arith.addf %bitcast_convert_type3A_563, %add3A_568 : vector<16xf32>
        %div3A_570 = arith.divf %sub3A_566, %add3A_569 : vector<16xf32>
        %mul3A_571 = arith.mulf %div3A_570, %div3A_570 : vector<16xf32>
        %mul3A_572 = arith.constant 2.000000e-01 : f32
        %mul3A_573 = vector.broadcast %mul3A_572 : f32 to vector<16xf32>
        %mul3A_574 = arith.mulf %mul3A_571, %mul3A_573 : vector<16xf32>
        %add3A_575 = arith.constant 0.333333343 : f32
        %add3A_576 = vector.broadcast %add3A_575 : f32 to vector<16xf32>
        %add3A_577 = arith.addf %add3A_576, %mul3A_574 : vector<16xf32>
        %mul3A_578 = arith.mulf %mul3A_571, %add3A_577 : vector<16xf32>
        %add3A_579 = arith.constant 1.000000e+00 : f32
        %add3A_580 = vector.broadcast %add3A_579 : f32 to vector<16xf32>
        %add3A_581 = arith.addf %add3A_580, %mul3A_578 : vector<16xf32>
        %mul3A_582 = arith.constant 0.693147182 : f32
        %mul3A_583 = vector.broadcast %mul3A_582 : f32 to vector<16xf32>
        %mul3A_584 = arith.mulf %convert_element_type3A_556, %mul3A_583 : vector<16xf32>
        %add3A_585 = arith.addf %div3A_570, %div3A_570 : vector<16xf32>
        %mul3A_586 = arith.mulf %add3A_585, %add3A_581 : vector<16xf32>
        %add3A_587 = arith.addf %mul3A_584, %mul3A_586 : vector<16xf32>
        %sub3A_588 = arith.subf %add3A_548, %add3A_587 : vector<16xf32>
        %mul3A_589 = arith.mulf %get3A_499, %sub3A_588 : vector<16xf32>
        %add3A_590 = arith.addf %add3A_587, %mul3A_589 : vector<16xf32>
        %add3A_591 = arith.addf %add3A_480, %mul3A_512 : vector<16xf32>
        %add3A_592 = arith.addf %add3A_481, %get3A_503 : vector<16xf32>
        %mul3A_593 = arith.mulf %add3A_590, %mul3A_512 : vector<16xf32>
        %add3A_594 = arith.addf %add3A_483, %mul3A_593 : vector<16xf32>
        %mul3A_595 = arith.mulf %add3A_590, %get3A_503 : vector<16xf32>
        %add3A_596 = arith.addf %add3A_485, %mul3A_595 : vector<16xf32>
        %mul3A_597 = arith.constant 4 : i32
        %mul3A_598 = arith.muli %scan3A_265, %mul3A_597 : i32
        %add3A_599 = arith.constant 3 : i32
        %add3A_600 = arith.addi %mul3A_598, %add3A_599 : i32
        %mul3A_601 = arith.constant 16 : i32
        %mul3A_602 = arith.muli %add3A_600, %mul3A_601 : i32
        %get3A_603 = arith.index_cast %scan3A_254 : i32 to index
        %get3A_604 = arith.index_cast %mul3A_602 : i32 to index
        %get3A_605 = tpu.vector_load %arg6[%get3A_603, %get3A_604] {strides = array<i32>} : memref<32x512xf32, #tpu.memory_space<vmem>>, vector<1x16xf32>,
        %get3A_606 = vector.shape_cast %get3A_605 : vector<1x16xf32> to vector<16xf32>
        %get3A_607 = arith.index_cast %scan3A_254 : i32 to index
        %get3A_608 = arith.index_cast %mul3A_602 : i32 to index
        %get3A_609 = tpu.vector_load %arg7[%get3A_607, %get3A_608] {strides = array<i32>} : memref<32x512xf32, #tpu.memory_space<vmem>>, vector<1x16xf32>,
        %get3A_610 = vector.shape_cast %get3A_609 : vector<1x16xf32> to vector<16xf32>
        %get3A_611 = arith.index_cast %scan3A_254 : i32 to index
        %get3A_612 = arith.index_cast %mul3A_602 : i32 to index
        %get3A_613 = tpu.vector_load %arg8[%get3A_611, %get3A_612] {strides = array<i32>} : memref<32x512xf32, #tpu.memory_space<vmem>>, vector<1x16xf32>,
        %get3A_614 = vector.shape_cast %get3A_613 : vector<1x16xf32> to vector<16xf32>
        %gt3A_615 = arith.constant 5.000000e-01 : f32
        %gt3A_616 = vector.broadcast %gt3A_615 : f32 to vector<16xf32>
        %gt3A_617 = arith.cmpf ogt, %get3A_610, %gt3A_616 : vector<16xf32>
        %jit3A_618 = arith.constant 1.000000e+00 : f32
        %jit3A_619 = arith.constant 0.000000e+00 : f32
        %broadcast_in_dim3A_620 = vector.broadcast %jit3A_618 : f32 to vector<16xf32>
        %broadcast_in_dim3A_621 = vector.broadcast %jit3A_619 : f32 to vector<16xf32>
        %select_n3A_622 = arith.select %gt3A_617, %broadcast_in_dim3A_620, %broadcast_in_dim3A_621 : vector<16xi1>, vector<16xf32>
        %mul3A_623 = arith.mulf %select_n3A_622, %get3A_614 : vector<16xf32>
        %bitcast_convert_type3A_624 = tpu.bitcast %get3A_606 : vector<16xf32> -> vector<16xi32>
        %shift_right_arithmetic3A_625 = arith.constant 23 : i32
        %shift_right_arithmetic3A_626 = vector.broadcast %shift_right_arithmetic3A_625 : i32 to vector<16xi32>
        %shift_right_arithmetic3A_627 = arith.shrsi %bitcast_convert_type3A_624, %shift_right_arithmetic3A_626 : vector<16xi32>
        %convert_element_type3A_628 = arith.sitofp %shift_right_arithmetic3A_627 : vector<16xi32> to vector<16xf32>
        %and3A_629 = arith.constant 8388607 : i32
        %and3A_630 = vector.broadcast %and3A_629 : i32 to vector<16xi32>
        %and3A_631 = arith.andi %bitcast_convert_type3A_624, %and3A_630 : vector<16xi32>
        %or3A_632 = arith.constant 1065353216 : i32
        %or3A_633 = vector.broadcast %or3A_632 : i32 to vector<16xi32>
        %or3A_634 = arith.ori %and3A_631, %or3A_633 : vector<16xi32>
        %bitcast_convert_type3A_635 = tpu.bitcast %or3A_634 : vector<16xi32> -> vector<16xf32>
        %sub3A_636 = arith.constant 1.000000e+00 : f32
        %sub3A_637 = vector.broadcast %sub3A_636 : f32 to vector<16xf32>
        %sub3A_638 = arith.subf %bitcast_convert_type3A_635, %sub3A_637 : vector<16xf32>
        %add3A_639 = arith.constant 1.000000e+00 : f32
        %add3A_640 = vector.broadcast %add3A_639 : f32 to vector<16xf32>
        %add3A_641 = arith.addf %bitcast_convert_type3A_635, %add3A_640 : vector<16xf32>
        %div3A_642 = arith.divf %sub3A_638, %add3A_641 : vector<16xf32>
        %mul3A_643 = arith.mulf %div3A_642, %div3A_642 : vector<16xf32>
        %mul3A_644 = arith.constant 2.000000e-01 : f32
        %mul3A_645 = vector.broadcast %mul3A_644 : f32 to vector<16xf32>
        %mul3A_646 = arith.mulf %mul3A_643, %mul3A_645 : vector<16xf32>
        %add3A_647 = arith.constant 0.333333343 : f32
        %add3A_648 = vector.broadcast %add3A_647 : f32 to vector<16xf32>
        %add3A_649 = arith.addf %add3A_648, %mul3A_646 : vector<16xf32>
        %mul3A_650 = arith.mulf %mul3A_643, %add3A_649 : vector<16xf32>
        %add3A_651 = arith.constant 1.000000e+00 : f32
        %add3A_652 = vector.broadcast %add3A_651 : f32 to vector<16xf32>
        %add3A_653 = arith.addf %add3A_652, %mul3A_650 : vector<16xf32>
        %mul3A_654 = arith.constant 0.693147182 : f32
        %mul3A_655 = vector.broadcast %mul3A_654 : f32 to vector<16xf32>
        %mul3A_656 = arith.mulf %convert_element_type3A_628, %mul3A_655 : vector<16xf32>
        %add3A_657 = arith.addf %div3A_642, %div3A_642 : vector<16xf32>
        %mul3A_658 = arith.mulf %add3A_657, %add3A_653 : vector<16xf32>
        %add3A_659 = arith.addf %mul3A_656, %mul3A_658 : vector<16xf32>
        %sub3A_660 = arith.constant 1.000000e+00 : f32
        %sub3A_661 = vector.broadcast %sub3A_660 : f32 to vector<16xf32>
        %sub3A_662 = arith.subf %sub3A_661, %get3A_606 : vector<16xf32>
        %bitcast_convert_type3A_663 = tpu.bitcast %sub3A_662 : vector<16xf32> -> vector<16xi32>
        %shift_right_arithmetic3A_664 = arith.constant 23 : i32
        %shift_right_arithmetic3A_665 = vector.broadcast %shift_right_arithmetic3A_664 : i32 to vector<16xi32>
        %shift_right_arithmetic3A_666 = arith.shrsi %bitcast_convert_type3A_663, %shift_right_arithmetic3A_665 : vector<16xi32>
        %convert_element_type3A_667 = arith.sitofp %shift_right_arithmetic3A_666 : vector<16xi32> to vector<16xf32>
        %and3A_668 = arith.constant 8388607 : i32
        %and3A_669 = vector.broadcast %and3A_668 : i32 to vector<16xi32>
        %and3A_670 = arith.andi %bitcast_convert_type3A_663, %and3A_669 : vector<16xi32>
        %or3A_671 = arith.constant 1065353216 : i32
        %or3A_672 = vector.broadcast %or3A_671 : i32 to vector<16xi32>
        %or3A_673 = arith.ori %and3A_670, %or3A_672 : vector<16xi32>
        %bitcast_convert_type3A_674 = tpu.bitcast %or3A_673 : vector<16xi32> -> vector<16xf32>
        %sub3A_675 = arith.constant 1.000000e+00 : f32
        %sub3A_676 = vector.broadcast %sub3A_675 : f32 to vector<16xf32>
        %sub3A_677 = arith.subf %bitcast_convert_type3A_674, %sub3A_676 : vector<16xf32>
        %add3A_678 = arith.constant 1.000000e+00 : f32
        %add3A_679 = vector.broadcast %add3A_678 : f32 to vector<16xf32>
        %add3A_680 = arith.addf %bitcast_convert_type3A_674, %add3A_679 : vector<16xf32>
        %div3A_681 = arith.divf %sub3A_677, %add3A_680 : vector<16xf32>
        %mul3A_682 = arith.mulf %div3A_681, %div3A_681 : vector<16xf32>
        %mul3A_683 = arith.constant 2.000000e-01 : f32
        %mul3A_684 = vector.broadcast %mul3A_683 : f32 to vector<16xf32>
        %mul3A_685 = arith.mulf %mul3A_682, %mul3A_684 : vector<16xf32>
        %add3A_686 = arith.constant 0.333333343 : f32
        %add3A_687 = vector.broadcast %add3A_686 : f32 to vector<16xf32>
        %add3A_688 = arith.addf %add3A_687, %mul3A_685 : vector<16xf32>
        %mul3A_689 = arith.mulf %mul3A_682, %add3A_688 : vector<16xf32>
        %add3A_690 = arith.constant 1.000000e+00 : f32
        %add3A_691 = vector.broadcast %add3A_690 : f32 to vector<16xf32>
        %add3A_692 = arith.addf %add3A_691, %mul3A_689 : vector<16xf32>
        %mul3A_693 = arith.constant 0.693147182 : f32
        %mul3A_694 = vector.broadcast %mul3A_693 : f32 to vector<16xf32>
        %mul3A_695 = arith.mulf %convert_element_type3A_667, %mul3A_694 : vector<16xf32>
        %add3A_696 = arith.addf %div3A_681, %div3A_681 : vector<16xf32>
        %mul3A_697 = arith.mulf %add3A_696, %add3A_692 : vector<16xf32>
        %add3A_698 = arith.addf %mul3A_695, %mul3A_697 : vector<16xf32>
        %sub3A_699 = arith.subf %add3A_659, %add3A_698 : vector<16xf32>
        %mul3A_700 = arith.mulf %get3A_610, %sub3A_699 : vector<16xf32>
        %add3A_701 = arith.addf %add3A_698, %mul3A_700 : vector<16xf32>
        %add3A_702 = arith.addf %add3A_591, %mul3A_623 : vector<16xf32>
        %add3A_703 = arith.addf %add3A_592, %get3A_614 : vector<16xf32>
        %mul3A_704 = arith.mulf %add3A_701, %mul3A_623 : vector<16xf32>
        %add3A_705 = arith.addf %add3A_594, %mul3A_704 : vector<16xf32>
        %mul3A_706 = arith.mulf %add3A_701, %get3A_614 : vector<16xf32>
        %add3A_707 = arith.addf %add3A_596, %mul3A_706 : vector<16xf32>
        scf.yield %add3A_702, %add3A_703, %add3A_705, %add3A_707 : vector<16xf32>, vector<16xf32>, vector<16xf32>, vector<16xf32>
      }
      %scan3A_264 = arith.constant 8 : i32
      scf.yield %scan3A_263#0, %scan3A_263#1, %scan3A_263#2, %scan3A_263#3 : vector<16xf32>, vector<16xf32>, vector<16xf32>, vector<16xf32>
    }
    %scan3A_203 = arith.constant 32 : i32
    %dma_wait3A_204 = arith.constant 0 : i32
    %dma_wait3A_205 = arith.constant 0 : i32
    %dma_wait3A_206 = tpu.memref_slice %arg2[%select_n3A, %dma_wait3A_204, %add3A_176, %dma_wait3A_205] : memref<8x1x512x512xf32, #tpu.memory_space<hbm>> -> memref<1x1x32x512xf32, #tpu.memory_space<hbm>>
    %dma_wait3A_207 = tpu.memref_squeeze %dma_wait3A_206 : memref<1x1x32x512xf32, #tpu.memory_space<hbm>> -> memref<32x512xf32, #tpu.memory_space<hbm>>
    %dma_wait3A_208 = arith.constant 0 : i32
    %dma_wait3A_209 = tpu.memref_slice %arg2[%select_n3A, %dma_wait3A_204, %add3A_176, %dma_wait3A_208] : memref<8x1x512x512xf32, #tpu.memory_space<hbm>> -> memref<1x1x32x512xf32, #tpu.memory_space<hbm>>
    %dma_wait3A_210 = tpu.memref_squeeze %dma_wait3A_209 : memref<1x1x32x512xf32, #tpu.memory_space<hbm>> -> memref<32x512xf32, #tpu.memory_space<hbm>>
    tpu.wait_dma2 semaphore(%arg14 : memref<!tpu.dma_semaphore, #tpu.memory_space<semaphore_mem>>) src(%dma_wait3A_210 : memref<32x512xf32, #tpu.memory_space<hbm>>) dst(%arg9 : memref<32x512xf32, #tpu.memory_space<vmem>>)
    %dma_wait3A_211 = arith.constant 0 : i32
    %dma_wait3A_212 = arith.constant 0 : i32
    %dma_wait3A_213 = tpu.memref_slice %arg3[%select_n3A, %dma_wait3A_211, %add3A_176, %dma_wait3A_212] : memref<8x1x512x512xf32, #tpu.memory_space<hbm>> -> memref<1x1x32x512xf32, #tpu.memory_space<hbm>>
    %dma_wait3A_214 = tpu.memref_squeeze %dma_wait3A_213 : memref<1x1x32x512xf32, #tpu.memory_space<hbm>> -> memref<32x512xf32, #tpu.memory_space<hbm>>
    %dma_wait3A_215 = arith.constant 0 : i32
    %dma_wait3A_216 = tpu.memref_slice %arg3[%select_n3A, %dma_wait3A_211, %add3A_176, %dma_wait3A_215] : memref<8x1x512x512xf32, #tpu.memory_space<hbm>> -> memref<1x1x32x512xf32, #tpu.memory_space<hbm>>
    %dma_wait3A_217 = tpu.memref_squeeze %dma_wait3A_216 : memref<1x1x32x512xf32, #tpu.memory_space<hbm>> -> memref<32x512xf32, #tpu.memory_space<hbm>>
    tpu.wait_dma2 semaphore(%arg14 : memref<!tpu.dma_semaphore, #tpu.memory_space<semaphore_mem>>) src(%dma_wait3A_217 : memref<32x512xf32, #tpu.memory_space<hbm>>) dst(%arg10 : memref<32x512xf32, #tpu.memory_space<vmem>>)
    %dma_wait3A_218 = arith.constant 0 : i32
    %dma_wait3A_219 = arith.constant 0 : i32
    %dma_wait3A_220 = tpu.memref_slice %arg4[%select_n3A, %dma_wait3A_218, %add3A_176, %dma_wait3A_219] : memref<8x1x512x512xf32, #tpu.memory_space<hbm>> -> memref<1x1x32x512xf32, #tpu.memory_space<hbm>>
    %dma_wait3A_221 = tpu.memref_squeeze %dma_wait3A_220 : memref<1x1x32x512xf32, #tpu.memory_space<hbm>> -> memref<32x512xf32, #tpu.memory_space<hbm>>
    %dma_wait3A_222 = arith.constant 0 : i32
    %dma_wait3A_223 = tpu.memref_slice %arg4[%select_n3A, %dma_wait3A_218, %add3A_176, %dma_wait3A_222] : memref<8x1x512x512xf32, #tpu.memory_space<hbm>> -> memref<1x1x32x512xf32, #tpu.memory_space<hbm>>
    %dma_wait3A_224 = tpu.memref_squeeze %dma_wait3A_223 : memref<1x1x32x512xf32, #tpu.memory_space<hbm>> -> memref<32x512xf32, #tpu.memory_space<hbm>>
    tpu.wait_dma2 semaphore(%arg14 : memref<!tpu.dma_semaphore, #tpu.memory_space<semaphore_mem>>) src(%dma_wait3A_224 : memref<32x512xf32, #tpu.memory_space<hbm>>) dst(%arg11 : memref<32x512xf32, #tpu.memory_space<vmem>>)
    %scan3A_225 = arith.constant 0 : i32
    %scan3A_226 = arith.constant 32 : i32
    %scan3A_227 = arith.addi %scan3A_225, %scan3A_226 : i32
    %scan3A_228 = arith.constant 1 : i32
    %scan3A_229:4 = scf.for %scan3A_254 = %scan3A_225 to %scan3A_227 step %scan3A_228 iter_args(%scan3A_255 = %scan3A_202#0, %scan3A_256 = %scan3A_202#1, %scan3A_257 = %scan3A_202#2, %scan3A_258 = %scan3A_202#3) -> (vector<16xf32>, vector<16xf32>, vector<16xf32>, vector<16xf32>)  : i32 {
      %scan3A_259 = arith.constant 0 : i32
      %scan3A_260 = arith.constant 8 : i32
      %scan3A_261 = arith.addi %scan3A_259, %scan3A_260 : i32
      %scan3A_262 = arith.constant 1 : i32
      %scan3A_263:4 = scf.for %scan3A_265 = %scan3A_259 to %scan3A_261 step %scan3A_262 iter_args(%scan3A_266 = %scan3A_255, %scan3A_267 = %scan3A_256, %scan3A_268 = %scan3A_257, %scan3A_269 = %scan3A_258) -> (vector<16xf32>, vector<16xf32>, vector<16xf32>, vector<16xf32>)  : i32 {
        %mul3A_270 = arith.constant 4 : i32
        %mul3A_271 = arith.muli %scan3A_265, %mul3A_270 : i32
        %add3A_272 = arith.constant 0 : i32
        %add3A_273 = arith.addi %mul3A_271, %add3A_272 : i32
        %mul3A_274 = arith.constant 16 : i32
        %mul3A_275 = arith.muli %add3A_273, %mul3A_274 : i32
        %get3A = arith.index_cast %scan3A_254 : i32 to index
        %get3A_276 = arith.index_cast %mul3A_275 : i32 to index
        %get3A_277 = tpu.vector_load %arg9[%get3A, %get3A_276] {strides = array<i32>} : memref<32x512xf32, #tpu.memory_space<vmem>>, vector<1x16xf32>,
        %get3A_278 = vector.shape_cast %get3A_277 : vector<1x16xf32> to vector<16xf32>
        %get3A_279 = arith.index_cast %scan3A_254 : i32 to index
        %get3A_280 = arith.index_cast %mul3A_275 : i32 to index
        %get3A_281 = tpu.vector_load %arg10[%get3A_279, %get3A_280] {strides = array<i32>} : memref<32x512xf32, #tpu.memory_space<vmem>>, vector<1x16xf32>,
        %get3A_282 = vector.shape_cast %get3A_281 : vector<1x16xf32> to vector<16xf32>
        %get3A_283 = arith.index_cast %scan3A_254 : i32 to index
        %get3A_284 = arith.index_cast %mul3A_275 : i32 to index
        %get3A_285 = tpu.vector_load %arg11[%get3A_283, %get3A_284] {strides = array<i32>} : memref<32x512xf32, #tpu.memory_space<vmem>>, vector<1x16xf32>,
        %get3A_286 = vector.shape_cast %get3A_285 : vector<1x16xf32> to vector<16xf32>
        %gt3A = arith.constant 5.000000e-01 : f32
        %gt3A_287 = vector.broadcast %gt3A : f32 to vector<16xf32>
        %gt3A_288 = arith.cmpf ogt, %get3A_282, %gt3A_287 : vector<16xf32>
        %jit3A_289 = arith.constant 1.000000e+00 : f32
        %jit3A_290 = arith.constant 0.000000e+00 : f32
        %broadcast_in_dim3A_291 = vector.broadcast %jit3A_289 : f32 to vector<16xf32>
        %broadcast_in_dim3A_292 = vector.broadcast %jit3A_290 : f32 to vector<16xf32>
        %select_n3A_293 = arith.select %gt3A_288, %broadcast_in_dim3A_291, %broadcast_in_dim3A_292 : vector<16xi1>, vector<16xf32>
        %mul3A_294 = arith.mulf %select_n3A_293, %get3A_286 : vector<16xf32>
        %bitcast_convert_type3A = tpu.bitcast %get3A_278 : vector<16xf32> -> vector<16xi32>
        %shift_right_arithmetic3A = arith.constant 23 : i32
        %shift_right_arithmetic3A_295 = vector.broadcast %shift_right_arithmetic3A : i32 to vector<16xi32>
        %shift_right_arithmetic3A_296 = arith.shrsi %bitcast_convert_type3A, %shift_right_arithmetic3A_295 : vector<16xi32>
        %convert_element_type3A = arith.sitofp %shift_right_arithmetic3A_296 : vector<16xi32> to vector<16xf32>
        %and3A_297 = arith.constant 8388607 : i32
        %and3A_298 = vector.broadcast %and3A_297 : i32 to vector<16xi32>
        %and3A_299 = arith.andi %bitcast_convert_type3A, %and3A_298 : vector<16xi32>
        %or3A = arith.constant 1065353216 : i32
        %or3A_300 = vector.broadcast %or3A : i32 to vector<16xi32>
        %or3A_301 = arith.ori %and3A_299, %or3A_300 : vector<16xi32>
        %bitcast_convert_type3A_302 = tpu.bitcast %or3A_301 : vector<16xi32> -> vector<16xf32>
        %sub3A_303 = arith.constant 1.000000e+00 : f32
        %sub3A_304 = vector.broadcast %sub3A_303 : f32 to vector<16xf32>
        %sub3A_305 = arith.subf %bitcast_convert_type3A_302, %sub3A_304 : vector<16xf32>
        %add3A_306 = arith.constant 1.000000e+00 : f32
        %add3A_307 = vector.broadcast %add3A_306 : f32 to vector<16xf32>
        %add3A_308 = arith.addf %bitcast_convert_type3A_302, %add3A_307 : vector<16xf32>
        %div3A_309 = arith.divf %sub3A_305, %add3A_308 : vector<16xf32>
        %mul3A_310 = arith.mulf %div3A_309, %div3A_309 : vector<16xf32>
        %mul3A_311 = arith.constant 2.000000e-01 : f32
        %mul3A_312 = vector.broadcast %mul3A_311 : f32 to vector<16xf32>
        %mul3A_313 = arith.mulf %mul3A_310, %mul3A_312 : vector<16xf32>
        %add3A_314 = arith.constant 0.333333343 : f32
        %add3A_315 = vector.broadcast %add3A_314 : f32 to vector<16xf32>
        %add3A_316 = arith.addf %add3A_315, %mul3A_313 : vector<16xf32>
        %mul3A_317 = arith.mulf %mul3A_310, %add3A_316 : vector<16xf32>
        %add3A_318 = arith.constant 1.000000e+00 : f32
        %add3A_319 = vector.broadcast %add3A_318 : f32 to vector<16xf32>
        %add3A_320 = arith.addf %add3A_319, %mul3A_317 : vector<16xf32>
        %mul3A_321 = arith.constant 0.693147182 : f32
        %mul3A_322 = vector.broadcast %mul3A_321 : f32 to vector<16xf32>
        %mul3A_323 = arith.mulf %convert_element_type3A, %mul3A_322 : vector<16xf32>
        %add3A_324 = arith.addf %div3A_309, %div3A_309 : vector<16xf32>
        %mul3A_325 = arith.mulf %add3A_324, %add3A_320 : vector<16xf32>
        %add3A_326 = arith.addf %mul3A_323, %mul3A_325 : vector<16xf32>
        %sub3A_327 = arith.constant 1.000000e+00 : f32
        %sub3A_328 = vector.broadcast %sub3A_327 : f32 to vector<16xf32>
        %sub3A_329 = arith.subf %sub3A_328, %get3A_278 : vector<16xf32>
        %bitcast_convert_type3A_330 = tpu.bitcast %sub3A_329 : vector<16xf32> -> vector<16xi32>
        %shift_right_arithmetic3A_331 = arith.constant 23 : i32
        %shift_right_arithmetic3A_332 = vector.broadcast %shift_right_arithmetic3A_331 : i32 to vector<16xi32>
        %shift_right_arithmetic3A_333 = arith.shrsi %bitcast_convert_type3A_330, %shift_right_arithmetic3A_332 : vector<16xi32>
        %convert_element_type3A_334 = arith.sitofp %shift_right_arithmetic3A_333 : vector<16xi32> to vector<16xf32>
        %and3A_335 = arith.constant 8388607 : i32
        %and3A_336 = vector.broadcast %and3A_335 : i32 to vector<16xi32>
        %and3A_337 = arith.andi %bitcast_convert_type3A_330, %and3A_336 : vector<16xi32>
        %or3A_338 = arith.constant 1065353216 : i32
        %or3A_339 = vector.broadcast %or3A_338 : i32 to vector<16xi32>
        %or3A_340 = arith.ori %and3A_337, %or3A_339 : vector<16xi32>
        %bitcast_convert_type3A_341 = tpu.bitcast %or3A_340 : vector<16xi32> -> vector<16xf32>
        %sub3A_342 = arith.constant 1.000000e+00 : f32
        %sub3A_343 = vector.broadcast %sub3A_342 : f32 to vector<16xf32>
        %sub3A_344 = arith.subf %bitcast_convert_type3A_341, %sub3A_343 : vector<16xf32>
        %add3A_345 = arith.constant 1.000000e+00 : f32
        %add3A_346 = vector.broadcast %add3A_345 : f32 to vector<16xf32>
        %add3A_347 = arith.addf %bitcast_convert_type3A_341, %add3A_346 : vector<16xf32>
        %div3A_348 = arith.divf %sub3A_344, %add3A_347 : vector<16xf32>
        %mul3A_349 = arith.mulf %div3A_348, %div3A_348 : vector<16xf32>
        %mul3A_350 = arith.constant 2.000000e-01 : f32
        %mul3A_351 = vector.broadcast %mul3A_350 : f32 to vector<16xf32>
        %mul3A_352 = arith.mulf %mul3A_349, %mul3A_351 : vector<16xf32>
        %add3A_353 = arith.constant 0.333333343 : f32
        %add3A_354 = vector.broadcast %add3A_353 : f32 to vector<16xf32>
        %add3A_355 = arith.addf %add3A_354, %mul3A_352 : vector<16xf32>
        %mul3A_356 = arith.mulf %mul3A_349, %add3A_355 : vector<16xf32>
        %add3A_357 = arith.constant 1.000000e+00 : f32
        %add3A_358 = vector.broadcast %add3A_357 : f32 to vector<16xf32>
        %add3A_359 = arith.addf %add3A_358, %mul3A_356 : vector<16xf32>
        %mul3A_360 = arith.constant 0.693147182 : f32
        %mul3A_361 = vector.broadcast %mul3A_360 : f32 to vector<16xf32>
        %mul3A_362 = arith.mulf %convert_element_type3A_334, %mul3A_361 : vector<16xf32>
        %add3A_363 = arith.addf %div3A_348, %div3A_348 : vector<16xf32>
        %mul3A_364 = arith.mulf %add3A_363, %add3A_359 : vector<16xf32>
        %add3A_365 = arith.addf %mul3A_362, %mul3A_364 : vector<16xf32>
        %sub3A_366 = arith.subf %add3A_326, %add3A_365 : vector<16xf32>
        %mul3A_367 = arith.mulf %get3A_282, %sub3A_366 : vector<16xf32>
        %add3A_368 = arith.addf %add3A_365, %mul3A_367 : vector<16xf32>
        %add3A_369 = arith.addf %scan3A_266, %mul3A_294 : vector<16xf32>
        %add3A_370 = arith.addf %scan3A_267, %get3A_286 : vector<16xf32>
        %mul3A_371 = arith.mulf %add3A_368, %mul3A_294 : vector<16xf32>
        %add3A_372 = arith.addf %scan3A_268, %mul3A_371 : vector<16xf32>
        %mul3A_373 = arith.mulf %add3A_368, %get3A_286 : vector<16xf32>
        %add3A_374 = arith.addf %scan3A_269, %mul3A_373 : vector<16xf32>
        %mul3A_375 = arith.constant 4 : i32
        %mul3A_376 = arith.muli %scan3A_265, %mul3A_375 : i32
        %add3A_377 = arith.constant 1 : i32
        %add3A_378 = arith.addi %mul3A_376, %add3A_377 : i32
        %mul3A_379 = arith.constant 16 : i32
        %mul3A_380 = arith.muli %add3A_378, %mul3A_379 : i32
        %get3A_381 = arith.index_cast %scan3A_254 : i32 to index
        %get3A_382 = arith.index_cast %mul3A_380 : i32 to index
        %get3A_383 = tpu.vector_load %arg9[%get3A_381, %get3A_382] {strides = array<i32>} : memref<32x512xf32, #tpu.memory_space<vmem>>, vector<1x16xf32>,
        %get3A_384 = vector.shape_cast %get3A_383 : vector<1x16xf32> to vector<16xf32>
        %get3A_385 = arith.index_cast %scan3A_254 : i32 to index
        %get3A_386 = arith.index_cast %mul3A_380 : i32 to index
        %get3A_387 = tpu.vector_load %arg10[%get3A_385, %get3A_386] {strides = array<i32>} : memref<32x512xf32, #tpu.memory_space<vmem>>, vector<1x16xf32>,
        %get3A_388 = vector.shape_cast %get3A_387 : vector<1x16xf32> to vector<16xf32>
        %get3A_389 = arith.index_cast %scan3A_254 : i32 to index
        %get3A_390 = arith.index_cast %mul3A_380 : i32 to index
        %get3A_391 = tpu.vector_load %arg11[%get3A_389, %get3A_390] {strides = array<i32>} : memref<32x512xf32, #tpu.memory_space<vmem>>, vector<1x16xf32>,
        %get3A_392 = vector.shape_cast %get3A_391 : vector<1x16xf32> to vector<16xf32>
        %gt3A_393 = arith.constant 5.000000e-01 : f32
        %gt3A_394 = vector.broadcast %gt3A_393 : f32 to vector<16xf32>
        %gt3A_395 = arith.cmpf ogt, %get3A_388, %gt3A_394 : vector<16xf32>
        %jit3A_396 = arith.constant 1.000000e+00 : f32
        %jit3A_397 = arith.constant 0.000000e+00 : f32
        %broadcast_in_dim3A_398 = vector.broadcast %jit3A_396 : f32 to vector<16xf32>
        %broadcast_in_dim3A_399 = vector.broadcast %jit3A_397 : f32 to vector<16xf32>
        %select_n3A_400 = arith.select %gt3A_395, %broadcast_in_dim3A_398, %broadcast_in_dim3A_399 : vector<16xi1>, vector<16xf32>
        %mul3A_401 = arith.mulf %select_n3A_400, %get3A_392 : vector<16xf32>
        %bitcast_convert_type3A_402 = tpu.bitcast %get3A_384 : vector<16xf32> -> vector<16xi32>
        %shift_right_arithmetic3A_403 = arith.constant 23 : i32
        %shift_right_arithmetic3A_404 = vector.broadcast %shift_right_arithmetic3A_403 : i32 to vector<16xi32>
        %shift_right_arithmetic3A_405 = arith.shrsi %bitcast_convert_type3A_402, %shift_right_arithmetic3A_404 : vector<16xi32>
        %convert_element_type3A_406 = arith.sitofp %shift_right_arithmetic3A_405 : vector<16xi32> to vector<16xf32>
        %and3A_407 = arith.constant 8388607 : i32
        %and3A_408 = vector.broadcast %and3A_407 : i32 to vector<16xi32>
        %and3A_409 = arith.andi %bitcast_convert_type3A_402, %and3A_408 : vector<16xi32>
        %or3A_410 = arith.constant 1065353216 : i32
        %or3A_411 = vector.broadcast %or3A_410 : i32 to vector<16xi32>
        %or3A_412 = arith.ori %and3A_409, %or3A_411 : vector<16xi32>
        %bitcast_convert_type3A_413 = tpu.bitcast %or3A_412 : vector<16xi32> -> vector<16xf32>
        %sub3A_414 = arith.constant 1.000000e+00 : f32
        %sub3A_415 = vector.broadcast %sub3A_414 : f32 to vector<16xf32>
        %sub3A_416 = arith.subf %bitcast_convert_type3A_413, %sub3A_415 : vector<16xf32>
        %add3A_417 = arith.constant 1.000000e+00 : f32
        %add3A_418 = vector.broadcast %add3A_417 : f32 to vector<16xf32>
        %add3A_419 = arith.addf %bitcast_convert_type3A_413, %add3A_418 : vector<16xf32>
        %div3A_420 = arith.divf %sub3A_416, %add3A_419 : vector<16xf32>
        %mul3A_421 = arith.mulf %div3A_420, %div3A_420 : vector<16xf32>
        %mul3A_422 = arith.constant 2.000000e-01 : f32
        %mul3A_423 = vector.broadcast %mul3A_422 : f32 to vector<16xf32>
        %mul3A_424 = arith.mulf %mul3A_421, %mul3A_423 : vector<16xf32>
        %add3A_425 = arith.constant 0.333333343 : f32
        %add3A_426 = vector.broadcast %add3A_425 : f32 to vector<16xf32>
        %add3A_427 = arith.addf %add3A_426, %mul3A_424 : vector<16xf32>
        %mul3A_428 = arith.mulf %mul3A_421, %add3A_427 : vector<16xf32>
        %add3A_429 = arith.constant 1.000000e+00 : f32
        %add3A_430 = vector.broadcast %add3A_429 : f32 to vector<16xf32>
        %add3A_431 = arith.addf %add3A_430, %mul3A_428 : vector<16xf32>
        %mul3A_432 = arith.constant 0.693147182 : f32
        %mul3A_433 = vector.broadcast %mul3A_432 : f32 to vector<16xf32>
        %mul3A_434 = arith.mulf %convert_element_type3A_406, %mul3A_433 : vector<16xf32>
        %add3A_435 = arith.addf %div3A_420, %div3A_420 : vector<16xf32>
        %mul3A_436 = arith.mulf %add3A_435, %add3A_431 : vector<16xf32>
        %add3A_437 = arith.addf %mul3A_434, %mul3A_436 : vector<16xf32>
        %sub3A_438 = arith.constant 1.000000e+00 : f32
        %sub3A_439 = vector.broadcast %sub3A_438 : f32 to vector<16xf32>
        %sub3A_440 = arith.subf %sub3A_439, %get3A_384 : vector<16xf32>
        %bitcast_convert_type3A_441 = tpu.bitcast %sub3A_440 : vector<16xf32> -> vector<16xi32>
        %shift_right_arithmetic3A_442 = arith.constant 23 : i32
        %shift_right_arithmetic3A_443 = vector.broadcast %shift_right_arithmetic3A_442 : i32 to vector<16xi32>
        %shift_right_arithmetic3A_444 = arith.shrsi %bitcast_convert_type3A_441, %shift_right_arithmetic3A_443 : vector<16xi32>
        %convert_element_type3A_445 = arith.sitofp %shift_right_arithmetic3A_444 : vector<16xi32> to vector<16xf32>
        %and3A_446 = arith.constant 8388607 : i32
        %and3A_447 = vector.broadcast %and3A_446 : i32 to vector<16xi32>
        %and3A_448 = arith.andi %bitcast_convert_type3A_441, %and3A_447 : vector<16xi32>
        %or3A_449 = arith.constant 1065353216 : i32
        %or3A_450 = vector.broadcast %or3A_449 : i32 to vector<16xi32>
        %or3A_451 = arith.ori %and3A_448, %or3A_450 : vector<16xi32>
        %bitcast_convert_type3A_452 = tpu.bitcast %or3A_451 : vector<16xi32> -> vector<16xf32>
        %sub3A_453 = arith.constant 1.000000e+00 : f32
        %sub3A_454 = vector.broadcast %sub3A_453 : f32 to vector<16xf32>
        %sub3A_455 = arith.subf %bitcast_convert_type3A_452, %sub3A_454 : vector<16xf32>
        %add3A_456 = arith.constant 1.000000e+00 : f32
        %add3A_457 = vector.broadcast %add3A_456 : f32 to vector<16xf32>
        %add3A_458 = arith.addf %bitcast_convert_type3A_452, %add3A_457 : vector<16xf32>
        %div3A_459 = arith.divf %sub3A_455, %add3A_458 : vector<16xf32>
        %mul3A_460 = arith.mulf %div3A_459, %div3A_459 : vector<16xf32>
        %mul3A_461 = arith.constant 2.000000e-01 : f32
        %mul3A_462 = vector.broadcast %mul3A_461 : f32 to vector<16xf32>
        %mul3A_463 = arith.mulf %mul3A_460, %mul3A_462 : vector<16xf32>
        %add3A_464 = arith.constant 0.333333343 : f32
        %add3A_465 = vector.broadcast %add3A_464 : f32 to vector<16xf32>
        %add3A_466 = arith.addf %add3A_465, %mul3A_463 : vector<16xf32>
        %mul3A_467 = arith.mulf %mul3A_460, %add3A_466 : vector<16xf32>
        %add3A_468 = arith.constant 1.000000e+00 : f32
        %add3A_469 = vector.broadcast %add3A_468 : f32 to vector<16xf32>
        %add3A_470 = arith.addf %add3A_469, %mul3A_467 : vector<16xf32>
        %mul3A_471 = arith.constant 0.693147182 : f32
        %mul3A_472 = vector.broadcast %mul3A_471 : f32 to vector<16xf32>
        %mul3A_473 = arith.mulf %convert_element_type3A_445, %mul3A_472 : vector<16xf32>
        %add3A_474 = arith.addf %div3A_459, %div3A_459 : vector<16xf32>
        %mul3A_475 = arith.mulf %add3A_474, %add3A_470 : vector<16xf32>
        %add3A_476 = arith.addf %mul3A_473, %mul3A_475 : vector<16xf32>
        %sub3A_477 = arith.subf %add3A_437, %add3A_476 : vector<16xf32>
        %mul3A_478 = arith.mulf %get3A_388, %sub3A_477 : vector<16xf32>
        %add3A_479 = arith.addf %add3A_476, %mul3A_478 : vector<16xf32>
        %add3A_480 = arith.addf %add3A_369, %mul3A_401 : vector<16xf32>
        %add3A_481 = arith.addf %add3A_370, %get3A_392 : vector<16xf32>
        %mul3A_482 = arith.mulf %add3A_479, %mul3A_401 : vector<16xf32>
        %add3A_483 = arith.addf %add3A_372, %mul3A_482 : vector<16xf32>
        %mul3A_484 = arith.mulf %add3A_479, %get3A_392 : vector<16xf32>
        %add3A_485 = arith.addf %add3A_374, %mul3A_484 : vector<16xf32>
        %mul3A_486 = arith.constant 4 : i32
        %mul3A_487 = arith.muli %scan3A_265, %mul3A_486 : i32
        %add3A_488 = arith.constant 2 : i32
        %add3A_489 = arith.addi %mul3A_487, %add3A_488 : i32
        %mul3A_490 = arith.constant 16 : i32
        %mul3A_491 = arith.muli %add3A_489, %mul3A_490 : i32
        %get3A_492 = arith.index_cast %scan3A_254 : i32 to index
        %get3A_493 = arith.index_cast %mul3A_491 : i32 to index
        %get3A_494 = tpu.vector_load %arg9[%get3A_492, %get3A_493] {strides = array<i32>} : memref<32x512xf32, #tpu.memory_space<vmem>>, vector<1x16xf32>,
        %get3A_495 = vector.shape_cast %get3A_494 : vector<1x16xf32> to vector<16xf32>
        %get3A_496 = arith.index_cast %scan3A_254 : i32 to index
        %get3A_497 = arith.index_cast %mul3A_491 : i32 to index
        %get3A_498 = tpu.vector_load %arg10[%get3A_496, %get3A_497] {strides = array<i32>} : memref<32x512xf32, #tpu.memory_space<vmem>>, vector<1x16xf32>,
        %get3A_499 = vector.shape_cast %get3A_498 : vector<1x16xf32> to vector<16xf32>
        %get3A_500 = arith.index_cast %scan3A_254 : i32 to index
        %get3A_501 = arith.index_cast %mul3A_491 : i32 to index
        %get3A_502 = tpu.vector_load %arg11[%get3A_500, %get3A_501] {strides = array<i32>} : memref<32x512xf32, #tpu.memory_space<vmem>>, vector<1x16xf32>,
        %get3A_503 = vector.shape_cast %get3A_502 : vector<1x16xf32> to vector<16xf32>
        %gt3A_504 = arith.constant 5.000000e-01 : f32
        %gt3A_505 = vector.broadcast %gt3A_504 : f32 to vector<16xf32>
        %gt3A_506 = arith.cmpf ogt, %get3A_499, %gt3A_505 : vector<16xf32>
        %jit3A_507 = arith.constant 1.000000e+00 : f32
        %jit3A_508 = arith.constant 0.000000e+00 : f32
        %broadcast_in_dim3A_509 = vector.broadcast %jit3A_507 : f32 to vector<16xf32>
        %broadcast_in_dim3A_510 = vector.broadcast %jit3A_508 : f32 to vector<16xf32>
        %select_n3A_511 = arith.select %gt3A_506, %broadcast_in_dim3A_509, %broadcast_in_dim3A_510 : vector<16xi1>, vector<16xf32>
        %mul3A_512 = arith.mulf %select_n3A_511, %get3A_503 : vector<16xf32>
        %bitcast_convert_type3A_513 = tpu.bitcast %get3A_495 : vector<16xf32> -> vector<16xi32>
        %shift_right_arithmetic3A_514 = arith.constant 23 : i32
        %shift_right_arithmetic3A_515 = vector.broadcast %shift_right_arithmetic3A_514 : i32 to vector<16xi32>
        %shift_right_arithmetic3A_516 = arith.shrsi %bitcast_convert_type3A_513, %shift_right_arithmetic3A_515 : vector<16xi32>
        %convert_element_type3A_517 = arith.sitofp %shift_right_arithmetic3A_516 : vector<16xi32> to vector<16xf32>
        %and3A_518 = arith.constant 8388607 : i32
        %and3A_519 = vector.broadcast %and3A_518 : i32 to vector<16xi32>
        %and3A_520 = arith.andi %bitcast_convert_type3A_513, %and3A_519 : vector<16xi32>
        %or3A_521 = arith.constant 1065353216 : i32
        %or3A_522 = vector.broadcast %or3A_521 : i32 to vector<16xi32>
        %or3A_523 = arith.ori %and3A_520, %or3A_522 : vector<16xi32>
        %bitcast_convert_type3A_524 = tpu.bitcast %or3A_523 : vector<16xi32> -> vector<16xf32>
        %sub3A_525 = arith.constant 1.000000e+00 : f32
        %sub3A_526 = vector.broadcast %sub3A_525 : f32 to vector<16xf32>
        %sub3A_527 = arith.subf %bitcast_convert_type3A_524, %sub3A_526 : vector<16xf32>
        %add3A_528 = arith.constant 1.000000e+00 : f32
        %add3A_529 = vector.broadcast %add3A_528 : f32 to vector<16xf32>
        %add3A_530 = arith.addf %bitcast_convert_type3A_524, %add3A_529 : vector<16xf32>
        %div3A_531 = arith.divf %sub3A_527, %add3A_530 : vector<16xf32>
        %mul3A_532 = arith.mulf %div3A_531, %div3A_531 : vector<16xf32>
        %mul3A_533 = arith.constant 2.000000e-01 : f32
        %mul3A_534 = vector.broadcast %mul3A_533 : f32 to vector<16xf32>
        %mul3A_535 = arith.mulf %mul3A_532, %mul3A_534 : vector<16xf32>
        %add3A_536 = arith.constant 0.333333343 : f32
        %add3A_537 = vector.broadcast %add3A_536 : f32 to vector<16xf32>
        %add3A_538 = arith.addf %add3A_537, %mul3A_535 : vector<16xf32>
        %mul3A_539 = arith.mulf %mul3A_532, %add3A_538 : vector<16xf32>
        %add3A_540 = arith.constant 1.000000e+00 : f32
        %add3A_541 = vector.broadcast %add3A_540 : f32 to vector<16xf32>
        %add3A_542 = arith.addf %add3A_541, %mul3A_539 : vector<16xf32>
        %mul3A_543 = arith.constant 0.693147182 : f32
        %mul3A_544 = vector.broadcast %mul3A_543 : f32 to vector<16xf32>
        %mul3A_545 = arith.mulf %convert_element_type3A_517, %mul3A_544 : vector<16xf32>
        %add3A_546 = arith.addf %div3A_531, %div3A_531 : vector<16xf32>
        %mul3A_547 = arith.mulf %add3A_546, %add3A_542 : vector<16xf32>
        %add3A_548 = arith.addf %mul3A_545, %mul3A_547 : vector<16xf32>
        %sub3A_549 = arith.constant 1.000000e+00 : f32
        %sub3A_550 = vector.broadcast %sub3A_549 : f32 to vector<16xf32>
        %sub3A_551 = arith.subf %sub3A_550, %get3A_495 : vector<16xf32>
        %bitcast_convert_type3A_552 = tpu.bitcast %sub3A_551 : vector<16xf32> -> vector<16xi32>
        %shift_right_arithmetic3A_553 = arith.constant 23 : i32
        %shift_right_arithmetic3A_554 = vector.broadcast %shift_right_arithmetic3A_553 : i32 to vector<16xi32>
        %shift_right_arithmetic3A_555 = arith.shrsi %bitcast_convert_type3A_552, %shift_right_arithmetic3A_554 : vector<16xi32>
        %convert_element_type3A_556 = arith.sitofp %shift_right_arithmetic3A_555 : vector<16xi32> to vector<16xf32>
        %and3A_557 = arith.constant 8388607 : i32
        %and3A_558 = vector.broadcast %and3A_557 : i32 to vector<16xi32>
        %and3A_559 = arith.andi %bitcast_convert_type3A_552, %and3A_558 : vector<16xi32>
        %or3A_560 = arith.constant 1065353216 : i32
        %or3A_561 = vector.broadcast %or3A_560 : i32 to vector<16xi32>
        %or3A_562 = arith.ori %and3A_559, %or3A_561 : vector<16xi32>
        %bitcast_convert_type3A_563 = tpu.bitcast %or3A_562 : vector<16xi32> -> vector<16xf32>
        %sub3A_564 = arith.constant 1.000000e+00 : f32
        %sub3A_565 = vector.broadcast %sub3A_564 : f32 to vector<16xf32>
        %sub3A_566 = arith.subf %bitcast_convert_type3A_563, %sub3A_565 : vector<16xf32>
        %add3A_567 = arith.constant 1.000000e+00 : f32
        %add3A_568 = vector.broadcast %add3A_567 : f32 to vector<16xf32>
        %add3A_569 = arith.addf %bitcast_convert_type3A_563, %add3A_568 : vector<16xf32>
        %div3A_570 = arith.divf %sub3A_566, %add3A_569 : vector<16xf32>
        %mul3A_571 = arith.mulf %div3A_570, %div3A_570 : vector<16xf32>
        %mul3A_572 = arith.constant 2.000000e-01 : f32
        %mul3A_573 = vector.broadcast %mul3A_572 : f32 to vector<16xf32>
        %mul3A_574 = arith.mulf %mul3A_571, %mul3A_573 : vector<16xf32>
        %add3A_575 = arith.constant 0.333333343 : f32
        %add3A_576 = vector.broadcast %add3A_575 : f32 to vector<16xf32>
        %add3A_577 = arith.addf %add3A_576, %mul3A_574 : vector<16xf32>
        %mul3A_578 = arith.mulf %mul3A_571, %add3A_577 : vector<16xf32>
        %add3A_579 = arith.constant 1.000000e+00 : f32
        %add3A_580 = vector.broadcast %add3A_579 : f32 to vector<16xf32>
        %add3A_581 = arith.addf %add3A_580, %mul3A_578 : vector<16xf32>
        %mul3A_582 = arith.constant 0.693147182 : f32
        %mul3A_583 = vector.broadcast %mul3A_582 : f32 to vector<16xf32>
        %mul3A_584 = arith.mulf %convert_element_type3A_556, %mul3A_583 : vector<16xf32>
        %add3A_585 = arith.addf %div3A_570, %div3A_570 : vector<16xf32>
        %mul3A_586 = arith.mulf %add3A_585, %add3A_581 : vector<16xf32>
        %add3A_587 = arith.addf %mul3A_584, %mul3A_586 : vector<16xf32>
        %sub3A_588 = arith.subf %add3A_548, %add3A_587 : vector<16xf32>
        %mul3A_589 = arith.mulf %get3A_499, %sub3A_588 : vector<16xf32>
        %add3A_590 = arith.addf %add3A_587, %mul3A_589 : vector<16xf32>
        %add3A_591 = arith.addf %add3A_480, %mul3A_512 : vector<16xf32>
        %add3A_592 = arith.addf %add3A_481, %get3A_503 : vector<16xf32>
        %mul3A_593 = arith.mulf %add3A_590, %mul3A_512 : vector<16xf32>
        %add3A_594 = arith.addf %add3A_483, %mul3A_593 : vector<16xf32>
        %mul3A_595 = arith.mulf %add3A_590, %get3A_503 : vector<16xf32>
        %add3A_596 = arith.addf %add3A_485, %mul3A_595 : vector<16xf32>
        %mul3A_597 = arith.constant 4 : i32
        %mul3A_598 = arith.muli %scan3A_265, %mul3A_597 : i32
        %add3A_599 = arith.constant 3 : i32
        %add3A_600 = arith.addi %mul3A_598, %add3A_599 : i32
        %mul3A_601 = arith.constant 16 : i32
        %mul3A_602 = arith.muli %add3A_600, %mul3A_601 : i32
        %get3A_603 = arith.index_cast %scan3A_254 : i32 to index
        %get3A_604 = arith.index_cast %mul3A_602 : i32 to index
        %get3A_605 = tpu.vector_load %arg9[%get3A_603, %get3A_604] {strides = array<i32>} : memref<32x512xf32, #tpu.memory_space<vmem>>, vector<1x16xf32>,
        %get3A_606 = vector.shape_cast %get3A_605 : vector<1x16xf32> to vector<16xf32>
        %get3A_607 = arith.index_cast %scan3A_254 : i32 to index
        %get3A_608 = arith.index_cast %mul3A_602 : i32 to index
        %get3A_609 = tpu.vector_load %arg10[%get3A_607, %get3A_608] {strides = array<i32>} : memref<32x512xf32, #tpu.memory_space<vmem>>, vector<1x16xf32>,
        %get3A_610 = vector.shape_cast %get3A_609 : vector<1x16xf32> to vector<16xf32>
        %get3A_611 = arith.index_cast %scan3A_254 : i32 to index
        %get3A_612 = arith.index_cast %mul3A_602 : i32 to index
        %get3A_613 = tpu.vector_load %arg11[%get3A_611, %get3A_612] {strides = array<i32>} : memref<32x512xf32, #tpu.memory_space<vmem>>, vector<1x16xf32>,
        %get3A_614 = vector.shape_cast %get3A_613 : vector<1x16xf32> to vector<16xf32>
        %gt3A_615 = arith.constant 5.000000e-01 : f32
        %gt3A_616 = vector.broadcast %gt3A_615 : f32 to vector<16xf32>
        %gt3A_617 = arith.cmpf ogt, %get3A_610, %gt3A_616 : vector<16xf32>
        %jit3A_618 = arith.constant 1.000000e+00 : f32
        %jit3A_619 = arith.constant 0.000000e+00 : f32
        %broadcast_in_dim3A_620 = vector.broadcast %jit3A_618 : f32 to vector<16xf32>
        %broadcast_in_dim3A_621 = vector.broadcast %jit3A_619 : f32 to vector<16xf32>
        %select_n3A_622 = arith.select %gt3A_617, %broadcast_in_dim3A_620, %broadcast_in_dim3A_621 : vector<16xi1>, vector<16xf32>
        %mul3A_623 = arith.mulf %select_n3A_622, %get3A_614 : vector<16xf32>
        %bitcast_convert_type3A_624 = tpu.bitcast %get3A_606 : vector<16xf32> -> vector<16xi32>
        %shift_right_arithmetic3A_625 = arith.constant 23 : i32
        %shift_right_arithmetic3A_626 = vector.broadcast %shift_right_arithmetic3A_625 : i32 to vector<16xi32>
        %shift_right_arithmetic3A_627 = arith.shrsi %bitcast_convert_type3A_624, %shift_right_arithmetic3A_626 : vector<16xi32>
        %convert_element_type3A_628 = arith.sitofp %shift_right_arithmetic3A_627 : vector<16xi32> to vector<16xf32>
        %and3A_629 = arith.constant 8388607 : i32
        %and3A_630 = vector.broadcast %and3A_629 : i32 to vector<16xi32>
        %and3A_631 = arith.andi %bitcast_convert_type3A_624, %and3A_630 : vector<16xi32>
        %or3A_632 = arith.constant 1065353216 : i32
        %or3A_633 = vector.broadcast %or3A_632 : i32 to vector<16xi32>
        %or3A_634 = arith.ori %and3A_631, %or3A_633 : vector<16xi32>
        %bitcast_convert_type3A_635 = tpu.bitcast %or3A_634 : vector<16xi32> -> vector<16xf32>
        %sub3A_636 = arith.constant 1.000000e+00 : f32
        %sub3A_637 = vector.broadcast %sub3A_636 : f32 to vector<16xf32>
        %sub3A_638 = arith.subf %bitcast_convert_type3A_635, %sub3A_637 : vector<16xf32>
        %add3A_639 = arith.constant 1.000000e+00 : f32
        %add3A_640 = vector.broadcast %add3A_639 : f32 to vector<16xf32>
        %add3A_641 = arith.addf %bitcast_convert_type3A_635, %add3A_640 : vector<16xf32>
        %div3A_642 = arith.divf %sub3A_638, %add3A_641 : vector<16xf32>
        %mul3A_643 = arith.mulf %div3A_642, %div3A_642 : vector<16xf32>
        %mul3A_644 = arith.constant 2.000000e-01 : f32
        %mul3A_645 = vector.broadcast %mul3A_644 : f32 to vector<16xf32>
        %mul3A_646 = arith.mulf %mul3A_643, %mul3A_645 : vector<16xf32>
        %add3A_647 = arith.constant 0.333333343 : f32
        %add3A_648 = vector.broadcast %add3A_647 : f32 to vector<16xf32>
        %add3A_649 = arith.addf %add3A_648, %mul3A_646 : vector<16xf32>
        %mul3A_650 = arith.mulf %mul3A_643, %add3A_649 : vector<16xf32>
        %add3A_651 = arith.constant 1.000000e+00 : f32
        %add3A_652 = vector.broadcast %add3A_651 : f32 to vector<16xf32>
        %add3A_653 = arith.addf %add3A_652, %mul3A_650 : vector<16xf32>
        %mul3A_654 = arith.constant 0.693147182 : f32
        %mul3A_655 = vector.broadcast %mul3A_654 : f32 to vector<16xf32>
        %mul3A_656 = arith.mulf %convert_element_type3A_628, %mul3A_655 : vector<16xf32>
        %add3A_657 = arith.addf %div3A_642, %div3A_642 : vector<16xf32>
        %mul3A_658 = arith.mulf %add3A_657, %add3A_653 : vector<16xf32>
        %add3A_659 = arith.addf %mul3A_656, %mul3A_658 : vector<16xf32>
        %sub3A_660 = arith.constant 1.000000e+00 : f32
        %sub3A_661 = vector.broadcast %sub3A_660 : f32 to vector<16xf32>
        %sub3A_662 = arith.subf %sub3A_661, %get3A_606 : vector<16xf32>
        %bitcast_convert_type3A_663 = tpu.bitcast %sub3A_662 : vector<16xf32> -> vector<16xi32>
        %shift_right_arithmetic3A_664 = arith.constant 23 : i32
        %shift_right_arithmetic3A_665 = vector.broadcast %shift_right_arithmetic3A_664 : i32 to vector<16xi32>
        %shift_right_arithmetic3A_666 = arith.shrsi %bitcast_convert_type3A_663, %shift_right_arithmetic3A_665 : vector<16xi32>
        %convert_element_type3A_667 = arith.sitofp %shift_right_arithmetic3A_666 : vector<16xi32> to vector<16xf32>
        %and3A_668 = arith.constant 8388607 : i32
        %and3A_669 = vector.broadcast %and3A_668 : i32 to vector<16xi32>
        %and3A_670 = arith.andi %bitcast_convert_type3A_663, %and3A_669 : vector<16xi32>
        %or3A_671 = arith.constant 1065353216 : i32
        %or3A_672 = vector.broadcast %or3A_671 : i32 to vector<16xi32>
        %or3A_673 = arith.ori %and3A_670, %or3A_672 : vector<16xi32>
        %bitcast_convert_type3A_674 = tpu.bitcast %or3A_673 : vector<16xi32> -> vector<16xf32>
        %sub3A_675 = arith.constant 1.000000e+00 : f32
        %sub3A_676 = vector.broadcast %sub3A_675 : f32 to vector<16xf32>
        %sub3A_677 = arith.subf %bitcast_convert_type3A_674, %sub3A_676 : vector<16xf32>
        %add3A_678 = arith.constant 1.000000e+00 : f32
        %add3A_679 = vector.broadcast %add3A_678 : f32 to vector<16xf32>
        %add3A_680 = arith.addf %bitcast_convert_type3A_674, %add3A_679 : vector<16xf32>
        %div3A_681 = arith.divf %sub3A_677, %add3A_680 : vector<16xf32>
        %mul3A_682 = arith.mulf %div3A_681, %div3A_681 : vector<16xf32>
        %mul3A_683 = arith.constant 2.000000e-01 : f32
        %mul3A_684 = vector.broadcast %mul3A_683 : f32 to vector<16xf32>
        %mul3A_685 = arith.mulf %mul3A_682, %mul3A_684 : vector<16xf32>
        %add3A_686 = arith.constant 0.333333343 : f32
        %add3A_687 = vector.broadcast %add3A_686 : f32 to vector<16xf32>
        %add3A_688 = arith.addf %add3A_687, %mul3A_685 : vector<16xf32>
        %mul3A_689 = arith.mulf %mul3A_682, %add3A_688 : vector<16xf32>
        %add3A_690 = arith.constant 1.000000e+00 : f32
        %add3A_691 = vector.broadcast %add3A_690 : f32 to vector<16xf32>
        %add3A_692 = arith.addf %add3A_691, %mul3A_689 : vector<16xf32>
        %mul3A_693 = arith.constant 0.693147182 : f32
        %mul3A_694 = vector.broadcast %mul3A_693 : f32 to vector<16xf32>
        %mul3A_695 = arith.mulf %convert_element_type3A_667, %mul3A_694 : vector<16xf32>
        %add3A_696 = arith.addf %div3A_681, %div3A_681 : vector<16xf32>
        %mul3A_697 = arith.mulf %add3A_696, %add3A_692 : vector<16xf32>
        %add3A_698 = arith.addf %mul3A_695, %mul3A_697 : vector<16xf32>
        %sub3A_699 = arith.subf %add3A_659, %add3A_698 : vector<16xf32>
        %mul3A_700 = arith.mulf %get3A_610, %sub3A_699 : vector<16xf32>
        %add3A_701 = arith.addf %add3A_698, %mul3A_700 : vector<16xf32>
        %add3A_702 = arith.addf %add3A_591, %mul3A_623 : vector<16xf32>
        %add3A_703 = arith.addf %add3A_592, %get3A_614 : vector<16xf32>
        %mul3A_704 = arith.mulf %add3A_701, %mul3A_623 : vector<16xf32>
        %add3A_705 = arith.addf %add3A_594, %mul3A_704 : vector<16xf32>
        %mul3A_706 = arith.mulf %add3A_701, %get3A_614 : vector<16xf32>
        %add3A_707 = arith.addf %add3A_596, %mul3A_706 : vector<16xf32>
        scf.yield %add3A_702, %add3A_703, %add3A_705, %add3A_707 : vector<16xf32>, vector<16xf32>, vector<16xf32>, vector<16xf32>
      }
      %scan3A_264 = arith.constant 8 : i32
      scf.yield %scan3A_263#0, %scan3A_263#1, %scan3A_263#2, %scan3A_263#3 : vector<16xf32>, vector<16xf32>, vector<16xf32>, vector<16xf32>
    }
    %scan3A_230 = arith.constant 32 : i32
    %swap3A = arith.constant 0 : i32
    %swap3A_231 = arith.index_cast %swap3A : i32 to index
    %swap3A_232 = arith.constant 0 : index
    %swap3A_233 = tpu.vector_load %arg12[%swap3A_231, %swap3A_232] {strides = array<i32>} : memref<4x16xf32, #tpu.memory_space<vmem>>, vector<1x16xf32>,
    %swap3A_234 = vector.shape_cast %swap3A_233 : vector<1x16xf32> to vector<16xf32>
    %swap3A_235 = vector.shape_cast %scan3A_229#0 : vector<16xf32> to vector<1x16xf32>
    tpu.vector_store %arg12[%swap3A_231, %swap3A_232], %swap3A_235 {strides = array<i32>} : memref<4x16xf32, #tpu.memory_space<vmem>>, vector<1x16xf32>,
    %swap3A_236 = arith.constant 1 : i32
    %swap3A_237 = arith.index_cast %swap3A_236 : i32 to index
    %swap3A_238 = arith.constant 0 : index
    %swap3A_239 = tpu.vector_load %arg12[%swap3A_237, %swap3A_238] {strides = array<i32>} : memref<4x16xf32, #tpu.memory_space<vmem>>, vector<1x16xf32>,
    %swap3A_240 = vector.shape_cast %swap3A_239 : vector<1x16xf32> to vector<16xf32>
    %swap3A_241 = vector.shape_cast %scan3A_229#1 : vector<16xf32> to vector<1x16xf32>
    tpu.vector_store %arg12[%swap3A_237, %swap3A_238], %swap3A_241 {strides = array<i32>} : memref<4x16xf32, #tpu.memory_space<vmem>>, vector<1x16xf32>,
    %swap3A_242 = arith.constant 2 : i32
    %swap3A_243 = arith.index_cast %swap3A_242 : i32 to index
    %swap3A_244 = arith.constant 0 : index
    %swap3A_245 = tpu.vector_load %arg12[%swap3A_243, %swap3A_244] {strides = array<i32>} : memref<4x16xf32, #tpu.memory_space<vmem>>, vector<1x16xf32>,
    %swap3A_246 = vector.shape_cast %swap3A_245 : vector<1x16xf32> to vector<16xf32>
    %swap3A_247 = vector.shape_cast %scan3A_229#2 : vector<16xf32> to vector<1x16xf32>
    tpu.vector_store %arg12[%swap3A_243, %swap3A_244], %swap3A_247 {strides = array<i32>} : memref<4x16xf32, #tpu.memory_space<vmem>>, vector<1x16xf32>,
    %swap3A_248 = arith.constant 3 : i32
    %swap3A_249 = arith.index_cast %swap3A_248 : i32 to index
    %swap3A_250 = arith.constant 0 : index
    %swap3A_251 = tpu.vector_load %arg12[%swap3A_249, %swap3A_250] {strides = array<i32>} : memref<4x16xf32, #tpu.memory_space<vmem>>, vector<1x16xf32>,
    %swap3A_252 = vector.shape_cast %swap3A_251 : vector<1x16xf32> to vector<16xf32>
    %swap3A_253 = vector.shape_cast %scan3A_229#3 : vector<16xf32> to vector<1x16xf32>
    tpu.vector_store %arg12[%swap3A_249, %swap3A_250], %swap3A_253 {strides = array<i32>} : memref<4x16xf32, #tpu.memory_space<vmem>>, vector<1x16xf32>,
    "tpu.region"() ({
      %run_scoped3A = tpu.sem_alloc : memref<!tpu.dma_semaphore, #tpu.memory_space<semaphore_mem>>
      %dma_start3A_254 = arith.constant 0 : i32
      %dma_start3A_255 = arith.constant 0 : i32
      %dma_start3A_256 = tpu.memref_slice %arg5[%add3A, %dma_start3A_254, %dma_start3A_255] : memref<32x4x16xf32, #tpu.memory_space<hbm>> -> memref<1x4x16xf32, #tpu.memory_space<hbm>>
      %dma_start3A_257 = tpu.memref_squeeze %dma_start3A_256 : memref<1x4x16xf32, #tpu.memory_space<hbm>> -> memref<4x16xf32, #tpu.memory_space<hbm>>
      %dma_start3A_258 = arith.constant 0 : i32
      %dma_start3A_259 = arith.constant 0 : i32
      %dma_start3A_260 = tpu.memref_slice %arg5[%add3A, %dma_start3A_258, %dma_start3A_259] : memref<32x4x16xf32, #tpu.memory_space<hbm>> -> memref<1x4x16xf32, #tpu.memory_space<hbm>>
      %dma_start3A_261 = tpu.memref_squeeze %dma_start3A_260 : memref<1x4x16xf32, #tpu.memory_space<hbm>> -> memref<4x16xf32, #tpu.memory_space<hbm>>
      tpu.enqueue_dma source(%arg12 : memref<4x16xf32, #tpu.memory_space<vmem>>) target(%dma_start3A_261 : memref<4x16xf32, #tpu.memory_space<hbm>>) target_semaphore(%run_scoped3A : memref<!tpu.dma_semaphore, #tpu.memory_space<semaphore_mem>>)
      %dma_wait3A_262 = arith.constant 0 : i32
      %dma_wait3A_263 = arith.constant 0 : i32
      %dma_wait3A_264 = tpu.memref_slice %arg5[%add3A, %dma_wait3A_262, %dma_wait3A_263] : memref<32x4x16xf32, #tpu.memory_space<hbm>> -> memref<1x4x16xf32, #tpu.memory_space<hbm>>
      %dma_wait3A_265 = tpu.memref_squeeze %dma_wait3A_264 : memref<1x4x16xf32, #tpu.memory_space<hbm>> -> memref<4x16xf32, #tpu.memory_space<hbm>>
      %dma_wait3A_266 = arith.constant 0 : i32
      %dma_wait3A_267 = arith.constant 0 : i32
      %dma_wait3A_268 = tpu.memref_slice %arg5[%add3A, %dma_wait3A_266, %dma_wait3A_267] : memref<32x4x16xf32, #tpu.memory_space<hbm>> -> memref<1x4x16xf32, #tpu.memory_space<hbm>>
      %dma_wait3A_269 = tpu.memref_squeeze %dma_wait3A_268 : memref<1x4x16xf32, #tpu.memory_space<hbm>> -> memref<4x16xf32, #tpu.memory_space<hbm>>
      tpu.wait_dma2 semaphore(%run_scoped3A : memref<!tpu.dma_semaphore, #tpu.memory_space<semaphore_mem>>) src(%arg12 : memref<4x16xf32, #tpu.memory_space<vmem>>) dst(%dma_wait3A_269 : memref<4x16xf32, #tpu.memory_space<hbm>>)
      tpu.yield
    }) : () -> ()
    return
  }
}

module attributes {stable_mosaic.version = 14 : i64} {
  func.func @_tc_dense_body(%arg0: i32, %arg1: memref<1x1x512x512xf32, #tpu.memory_space<vmem>>, %arg2: memref<1x1x512x512xf32, #tpu.memory_space<vmem>>, %arg3: memref<1x1x512x512xf32, #tpu.memory_space<vmem>>, %arg4: memref<1x1x512x512xf32, #tpu.memory_space<vmem>>, %arg5: memref<1x1x512x512xf32, #tpu.memory_space<vmem>>, %arg6: memref<1x8x128xf32, #tpu.memory_space<vmem>>, %arg7: memref<1x8x128xf32, #tpu.memory_space<vmem>>, %arg8: memref<1x8x128xf32, #tpu.memory_space<vmem>>, %arg9: memref<1x8x128xf32, #tpu.memory_space<vmem>>, %arg10: memref<1x8x128xf32, #tpu.memory_space<vmem>>) attributes {dimension_semantics = [#tpu.dimension_semantics<arbitrary>], iteration_bounds = array<i64: 8>, scalar_prefetch = 0 : i64, scratch_operands = 0 : i64, tpu.core_type = #tpu.core_type<tc>, window_params = [{transform_indices = @transform_0, window_bounds = array<i64: 1, 1, 512, 512>}, {transform_indices = @transform_1, window_bounds = array<i64: 1, 1, 512, 512>}, {transform_indices = @transform_2, window_bounds = array<i64: 1, 1, 512, 512>}, {transform_indices = @transform_3, window_bounds = array<i64: 1, 1, 512, 512>}, {transform_indices = @transform_4, window_bounds = array<i64: 1, 1, 512, 512>}, {transform_indices = @transform_5, window_bounds = array<i64: 1, 8, 128>}, {transform_indices = @transform_6, window_bounds = array<i64: 1, 8, 128>}, {transform_indices = @transform_7, window_bounds = array<i64: 1, 8, 128>}, {transform_indices = @transform_8, window_bounds = array<i64: 1, 8, 128>}, {transform_indices = @transform_9, window_bounds = array<i64: 1, 8, 128>}]} {
    %get3A = arith.constant 0 : index
    %get3A_0 = arith.constant 0 : index
    %get3A_1 = arith.constant 0 : index
    %get3A_2 = arith.constant 0 : index
    %get3A_3 = vector.load %arg1[%get3A, %get3A_0, %get3A_1, %get3A_2] : memref<1x1x512x512xf32, #tpu.memory_space<vmem>>, vector<1x1x512x512xf32>
    %get3A_4 = arith.constant 0 : index
    %get3A_5 = arith.constant 0 : index
    %get3A_6 = arith.constant 0 : index
    %get3A_7 = arith.constant 0 : index
    %get3A_8 = vector.load %arg2[%get3A_4, %get3A_5, %get3A_6, %get3A_7] : memref<1x1x512x512xf32, #tpu.memory_space<vmem>>, vector<1x1x512x512xf32>
    %get3A_9 = arith.constant 0 : index
    %get3A_10 = arith.constant 0 : index
    %get3A_11 = arith.constant 0 : index
    %get3A_12 = arith.constant 0 : index
    %get3A_13 = vector.load %arg3[%get3A_9, %get3A_10, %get3A_11, %get3A_12] : memref<1x1x512x512xf32, #tpu.memory_space<vmem>>, vector<1x1x512x512xf32>
    %get3A_14 = arith.constant 0 : index
    %get3A_15 = arith.constant 0 : index
    %get3A_16 = arith.constant 0 : index
    %get3A_17 = arith.constant 0 : index
    %get3A_18 = vector.load %arg4[%get3A_14, %get3A_15, %get3A_16, %get3A_17] : memref<1x1x512x512xf32, #tpu.memory_space<vmem>>, vector<1x1x512x512xf32>
    %get3A_19 = arith.constant 0 : index
    %get3A_20 = arith.constant 0 : index
    %get3A_21 = arith.constant 0 : index
    %get3A_22 = arith.constant 0 : index
    %get3A_23 = vector.load %arg5[%get3A_19, %get3A_20, %get3A_21, %get3A_22] : memref<1x1x512x512xf32, #tpu.memory_space<vmem>>, vector<1x1x512x512xf32>
    %gt3A = arith.constant 5.000000e-01 : f32
    %gt3A_24 = vector.broadcast %gt3A : f32 to vector<1x1x512x512xf32>
    %gt3A_25 = arith.cmpf ogt, %get3A_8, %gt3A_24 : vector<1x1x512x512xf32>
    %convert_element_type3A = arith.extui %gt3A_25 : vector<1x1x512x512xi1> to vector<1x1x512x512xi32>
    %convert_element_type3A_26 = arith.sitofp %convert_element_type3A : vector<1x1x512x512xi32> to vector<1x1x512x512xf32>
    %mul3A = arith.mulf %get3A_8, %get3A_23 : vector<1x1x512x512xf32>
    %mul3A_27 = arith.mulf %get3A_3, %mul3A : vector<1x1x512x512xf32>
    %reduce_sum3A = vector.shape_cast %mul3A_27 : vector<1x1x512x512xf32> to vector<1x1x1x512x512xf32>
    %reduce_sum3A_28 = arith.constant dense<0.000000e+00> : vector<1xf32>
    %reduce_sum3A_29 = vector.multi_reduction <add>, %reduce_sum3A, %reduce_sum3A_28 [1, 2, 3, 4] : vector<1x1x1x512x512xf32> to vector<1xf32>
    %reduce_sum3A_30 = vector.shape_cast %reduce_sum3A_29 : vector<1xf32> to vector<1x1x1x1x1xf32>
    %reduce_sum3A_31 = vector.extract %reduce_sum3A_30[0, 0, 0, 0, 0] : f32 from vector<1x1x1x1x1xf32>
    %broadcast_in_dim3A = vector.broadcast %reduce_sum3A_31 : f32 to vector<1x8x128xf32>
    %swap3A = arith.constant 0 : index
    %swap3A_32 = arith.constant 0 : index
    %swap3A_33 = arith.constant 0 : index
    %swap3A_34 = vector.load %arg6[%swap3A, %swap3A_32, %swap3A_33] : memref<1x8x128xf32, #tpu.memory_space<vmem>>, vector<1x8x128xf32>
    tpu.vector_store %arg6[%swap3A, %swap3A_32, %swap3A_33], %broadcast_in_dim3A {strides = array<i32>} : memref<1x8x128xf32, #tpu.memory_space<vmem>>, vector<1x8x128xf32>,
    %mul3A_35 = arith.mulf %get3A_3, %get3A_23 : vector<1x1x512x512xf32>
    %reduce_sum3A_36 = vector.shape_cast %mul3A_35 : vector<1x1x512x512xf32> to vector<1x1x1x512x512xf32>
    %reduce_sum3A_37 = arith.constant dense<0.000000e+00> : vector<1xf32>
    %reduce_sum3A_38 = vector.multi_reduction <add>, %reduce_sum3A_36, %reduce_sum3A_37 [1, 2, 3, 4] : vector<1x1x1x512x512xf32> to vector<1xf32>
    %reduce_sum3A_39 = vector.shape_cast %reduce_sum3A_38 : vector<1xf32> to vector<1x1x1x1x1xf32>
    %reduce_sum3A_40 = vector.extract %reduce_sum3A_39[0, 0, 0, 0, 0] : f32 from vector<1x1x1x1x1xf32>
    %broadcast_in_dim3A_41 = vector.broadcast %reduce_sum3A_40 : f32 to vector<1x8x128xf32>
    %swap3A_42 = arith.constant 0 : index
    %swap3A_43 = arith.constant 0 : index
    %swap3A_44 = arith.constant 0 : index
    %swap3A_45 = vector.load %arg7[%swap3A_42, %swap3A_43, %swap3A_44] : memref<1x8x128xf32, #tpu.memory_space<vmem>>, vector<1x8x128xf32>
    tpu.vector_store %arg7[%swap3A_42, %swap3A_43, %swap3A_44], %broadcast_in_dim3A_41 {strides = array<i32>} : memref<1x8x128xf32, #tpu.memory_space<vmem>>, vector<1x8x128xf32>,
    %reduce_sum3A_46 = vector.shape_cast %mul3A : vector<1x1x512x512xf32> to vector<1x1x1x512x512xf32>
    %reduce_sum3A_47 = arith.constant dense<0.000000e+00> : vector<1xf32>
    %reduce_sum3A_48 = vector.multi_reduction <add>, %reduce_sum3A_46, %reduce_sum3A_47 [1, 2, 3, 4] : vector<1x1x1x512x512xf32> to vector<1xf32>
    %reduce_sum3A_49 = vector.shape_cast %reduce_sum3A_48 : vector<1xf32> to vector<1x1x1x1x1xf32>
    %reduce_sum3A_50 = vector.extract %reduce_sum3A_49[0, 0, 0, 0, 0] : f32 from vector<1x1x1x1x1xf32>
    %broadcast_in_dim3A_51 = vector.broadcast %reduce_sum3A_50 : f32 to vector<1x8x128xf32>
    %swap3A_52 = arith.constant 0 : index
    %swap3A_53 = arith.constant 0 : index
    %swap3A_54 = arith.constant 0 : index
    %swap3A_55 = vector.load %arg8[%swap3A_52, %swap3A_53, %swap3A_54] : memref<1x8x128xf32, #tpu.memory_space<vmem>>, vector<1x8x128xf32>
    tpu.vector_store %arg8[%swap3A_52, %swap3A_53, %swap3A_54], %broadcast_in_dim3A_51 {strides = array<i32>} : memref<1x8x128xf32, #tpu.memory_space<vmem>>, vector<1x8x128xf32>,
    %sub3A = arith.subf %get3A_13, %get3A_18 : vector<1x1x512x512xf32>
    %abs3A = math.absf %sub3A : vector<1x1x512x512xf32>
    %mul3A_56 = arith.mulf %abs3A, %convert_element_type3A_26 : vector<1x1x512x512xf32>
    %reduce_sum3A_57 = vector.shape_cast %mul3A_56 : vector<1x1x512x512xf32> to vector<1x1x1x512x512xf32>
    %reduce_sum3A_58 = arith.constant dense<0.000000e+00> : vector<1xf32>
    %reduce_sum3A_59 = vector.multi_reduction <add>, %reduce_sum3A_57, %reduce_sum3A_58 [1, 2, 3, 4] : vector<1x1x1x512x512xf32> to vector<1xf32>
    %reduce_sum3A_60 = vector.shape_cast %reduce_sum3A_59 : vector<1xf32> to vector<1x1x1x1x1xf32>
    %reduce_sum3A_61 = vector.extract %reduce_sum3A_60[0, 0, 0, 0, 0] : f32 from vector<1x1x1x1x1xf32>
    %broadcast_in_dim3A_62 = vector.broadcast %reduce_sum3A_61 : f32 to vector<1x8x128xf32>
    %swap3A_63 = arith.constant 0 : index
    %swap3A_64 = arith.constant 0 : index
    %swap3A_65 = arith.constant 0 : index
    %swap3A_66 = vector.load %arg9[%swap3A_63, %swap3A_64, %swap3A_65] : memref<1x8x128xf32, #tpu.memory_space<vmem>>, vector<1x8x128xf32>
    tpu.vector_store %arg9[%swap3A_63, %swap3A_64, %swap3A_65], %broadcast_in_dim3A_62 {strides = array<i32>} : memref<1x8x128xf32, #tpu.memory_space<vmem>>, vector<1x8x128xf32>,
    %reduce_sum3A_67 = vector.shape_cast %convert_element_type3A_26 : vector<1x1x512x512xf32> to vector<1x1x1x512x512xf32>
    %reduce_sum3A_68 = arith.constant dense<0.000000e+00> : vector<1xf32>
    %reduce_sum3A_69 = vector.multi_reduction <add>, %reduce_sum3A_67, %reduce_sum3A_68 [1, 2, 3, 4] : vector<1x1x1x512x512xf32> to vector<1xf32>
    %reduce_sum3A_70 = vector.shape_cast %reduce_sum3A_69 : vector<1xf32> to vector<1x1x1x1x1xf32>
    %reduce_sum3A_71 = vector.extract %reduce_sum3A_70[0, 0, 0, 0, 0] : f32 from vector<1x1x1x1x1xf32>
    %broadcast_in_dim3A_72 = vector.broadcast %reduce_sum3A_71 : f32 to vector<1x8x128xf32>
    %swap3A_73 = arith.constant 0 : index
    %swap3A_74 = arith.constant 0 : index
    %swap3A_75 = arith.constant 0 : index
    %swap3A_76 = vector.load %arg10[%swap3A_73, %swap3A_74, %swap3A_75] : memref<1x8x128xf32, #tpu.memory_space<vmem>>, vector<1x8x128xf32>
    tpu.vector_store %arg10[%swap3A_73, %swap3A_74, %swap3A_75], %broadcast_in_dim3A_72 {strides = array<i32>} : memref<1x8x128xf32, #tpu.memory_space<vmem>>, vector<1x8x128xf32>,
    return
  }
  func.func @transform_0(%arg0: i32) -> (i32, i32, i32, i32) {
    %c0_i32 = arith.constant 0 : i32
    %c0_i32_0 = arith.constant 0 : i32
    %c0_i32_1 = arith.constant 0 : i32
    %c0_i32_2 = arith.constant 0 : i32
    return %arg0, %c0_i32, %c0_i32_0, %c0_i32_1 : i32, i32, i32, i32
  }
  func.func @transform_1(%arg0: i32) -> (i32, i32, i32, i32) {
    %c0_i32 = arith.constant 0 : i32
    %c0_i32_0 = arith.constant 0 : i32
    %c0_i32_1 = arith.constant 0 : i32
    %c0_i32_2 = arith.constant 0 : i32
    return %arg0, %c0_i32, %c0_i32_0, %c0_i32_1 : i32, i32, i32, i32
  }
  func.func @transform_2(%arg0: i32) -> (i32, i32, i32, i32) {
    %c0_i32 = arith.constant 0 : i32
    %c0_i32_0 = arith.constant 0 : i32
    %c0_i32_1 = arith.constant 0 : i32
    %c0_i32_2 = arith.constant 0 : i32
    return %arg0, %c0_i32, %c0_i32_0, %c0_i32_1 : i32, i32, i32, i32
  }
  func.func @transform_3(%arg0: i32) -> (i32, i32, i32, i32) {
    %c0_i32 = arith.constant 0 : i32
    %c0_i32_0 = arith.constant 0 : i32
    %c0_i32_1 = arith.constant 0 : i32
    %c0_i32_2 = arith.constant 0 : i32
    return %arg0, %c0_i32, %c0_i32_0, %c0_i32_1 : i32, i32, i32, i32
  }
  func.func @transform_4(%arg0: i32) -> (i32, i32, i32, i32) {
    %c0_i32 = arith.constant 0 : i32
    %c0_i32_0 = arith.constant 0 : i32
    %c0_i32_1 = arith.constant 0 : i32
    %c0_i32_2 = arith.constant 0 : i32
    return %arg0, %c0_i32, %c0_i32_0, %c0_i32_1 : i32, i32, i32, i32
  }
  func.func @transform_5(%arg0: i32) -> (i32, i32, i32) {
    %c0_i32 = arith.constant 0 : i32
    %c0_i32_0 = arith.constant 0 : i32
    %c0_i32_1 = arith.constant 0 : i32
    return %arg0, %c0_i32, %c0_i32_0 : i32, i32, i32
  }
  func.func @transform_6(%arg0: i32) -> (i32, i32, i32) {
    %c0_i32 = arith.constant 0 : i32
    %c0_i32_0 = arith.constant 0 : i32
    %c0_i32_1 = arith.constant 0 : i32
    return %arg0, %c0_i32, %c0_i32_0 : i32, i32, i32
  }
  func.func @transform_7(%arg0: i32) -> (i32, i32, i32) {
    %c0_i32 = arith.constant 0 : i32
    %c0_i32_0 = arith.constant 0 : i32
    %c0_i32_1 = arith.constant 0 : i32
    return %arg0, %c0_i32, %c0_i32_0 : i32, i32, i32
  }
  func.func @transform_8(%arg0: i32) -> (i32, i32, i32) {
    %c0_i32 = arith.constant 0 : i32
    %c0_i32_0 = arith.constant 0 : i32
    %c0_i32_1 = arith.constant 0 : i32
    return %arg0, %c0_i32, %c0_i32_0 : i32, i32, i32
  }
  func.func @transform_9(%arg0: i32) -> (i32, i32, i32) {
    %c0_i32 = arith.constant 0 : i32
    %c0_i32_0 = arith.constant 0 : i32
    %c0_i32_1 = arith.constant 0 : i32
    return %arg0, %c0_i32, %c0_i32_0 : i32, i32, i32
  }
}

module attributes {stable_mosaic.version = 14 : i64} {
  func.func @_nl_body(%arg0: i32, %arg1: memref<256x1024xf32, #tpu.memory_space<vmem>>, %arg2: memref<256x1024xf32, #tpu.memory_space<vmem>>, %arg3: memref<256x1024xf32, #tpu.memory_space<vmem>>, %arg4: memref<256x1024xf32, #tpu.memory_space<vmem>>) attributes {dimension_semantics = [#tpu.dimension_semantics<arbitrary>], iteration_bounds = array<i64: 8>, scalar_prefetch = 0 : i64, scratch_operands = 0 : i64, tpu.core_type = #tpu.core_type<tc>, window_params = [{transform_indices = @transform_0, window_bounds = array<i64: 256, 1024>}, {transform_indices = @transform_1, window_bounds = array<i64: 256, 1024>}, {transform_indices = @transform_2, window_bounds = array<i64: 256, 1024>}, {transform_indices = @transform_3, window_bounds = array<i64: 256, 1024>}]} {
    %get3A = arith.constant 0 : index
    %get3A_0 = arith.constant 0 : index
    %get3A_1 = vector.load %arg1[%get3A, %get3A_0] : memref<256x1024xf32, #tpu.memory_space<vmem>>, vector<256x1024xf32>
    %jit3A = arith.constant 1.000000e-07 : f32
    %jit3A_2 = arith.constant 0.99999988 : f32
    %max3A = vector.broadcast %jit3A : f32 to vector<256x1024xf32>
    %max3A_3 = arith.maximumf %max3A, %get3A_1 : vector<256x1024xf32>
    %min3A = vector.broadcast %jit3A_2 : f32 to vector<256x1024xf32>
    %min3A_4 = arith.minimumf %min3A, %max3A_3 : vector<256x1024xf32>
    %get3A_5 = arith.constant 0 : index
    %get3A_6 = arith.constant 0 : index
    %get3A_7 = vector.load %arg2[%get3A_5, %get3A_6] : memref<256x1024xf32, #tpu.memory_space<vmem>>, vector<256x1024xf32>
    %get3A_8 = arith.constant 0 : index
    %get3A_9 = arith.constant 0 : index
    %get3A_10 = vector.load %arg3[%get3A_8, %get3A_9] : memref<256x1024xf32, #tpu.memory_space<vmem>>, vector<256x1024xf32>
    %gt3A = arith.constant 5.000000e-01 : f32
    %gt3A_11 = vector.broadcast %gt3A : f32 to vector<256x1024xf32>
    %gt3A_12 = arith.cmpf ogt, %get3A_7, %gt3A_11 : vector<256x1024xf32>
    %convert_element_type3A = arith.extui %gt3A_12 : vector<256x1024xi1> to vector<256x1024xi32>
    %convert_element_type3A_13 = arith.sitofp %convert_element_type3A : vector<256x1024xi32> to vector<256x1024xf32>
    %mul3A = arith.mulf %convert_element_type3A_13, %get3A_10 : vector<256x1024xf32>
    %sub3A = arith.subf %get3A_10, %mul3A : vector<256x1024xf32>
    %log3A = math.log %min3A_4 : vector<256x1024xf32>
    %mul3A_14 = arith.mulf %get3A_7, %log3A : vector<256x1024xf32>
    %sub3A_15 = arith.constant 1.000000e+00 : f32
    %sub3A_16 = vector.broadcast %sub3A_15 : f32 to vector<256x1024xf32>
    %sub3A_17 = arith.subf %sub3A_16, %get3A_7 : vector<256x1024xf32>
    %sub3A_18 = arith.constant 1.000000e+00 : f32
    %sub3A_19 = vector.broadcast %sub3A_18 : f32 to vector<256x1024xf32>
    %sub3A_20 = arith.subf %sub3A_19, %min3A_4 : vector<256x1024xf32>
    %log3A_21 = math.log %sub3A_20 : vector<256x1024xf32>
    %mul3A_22 = arith.mulf %sub3A_17, %log3A_21 : vector<256x1024xf32>
    %add3A = arith.addf %mul3A_14, %mul3A_22 : vector<256x1024xf32>
    %neg3A = arith.constant 0.000000e+00 : f32
    %neg3A_23 = vector.broadcast %neg3A : f32 to vector<256x1024xf32>
    %neg3A_24 = arith.subf %neg3A_23, %add3A : vector<256x1024xf32>
    %mul3A_25 = arith.mulf %neg3A_24, %sub3A : vector<256x1024xf32>
    %swap3A = arith.constant 0 : index
    %swap3A_26 = arith.constant 0 : index
    %swap3A_27 = vector.load %arg4[%swap3A, %swap3A_26] : memref<256x1024xf32, #tpu.memory_space<vmem>>, vector<256x1024xf32>
    tpu.vector_store %arg4[%swap3A, %swap3A_26], %mul3A_25 {strides = array<i32>} : memref<256x1024xf32, #tpu.memory_space<vmem>>, vector<256x1024xf32>,
    return
  }
  func.func @transform_0(%arg0: i32) -> (i32, i32) {
    %c0_i32 = arith.constant 0 : i32
    %c0_i32_0 = arith.constant 0 : i32
    return %arg0, %c0_i32 : i32, i32
  }
  func.func @transform_1(%arg0: i32) -> (i32, i32) {
    %c0_i32 = arith.constant 0 : i32
    %c0_i32_0 = arith.constant 0 : i32
    return %arg0, %c0_i32 : i32, i32
  }
  func.func @transform_2(%arg0: i32) -> (i32, i32) {
    %c0_i32 = arith.constant 0 : i32
    %c0_i32_0 = arith.constant 0 : i32
    return %arg0, %c0_i32 : i32, i32
  }
  func.func @transform_3(%arg0: i32) -> (i32, i32) {
    %c0_i32 = arith.constant 0 : i32
    %c0_i32_0 = arith.constant 0 : i32
    return %arg0, %c0_i32 : i32, i32
  }
}

module attributes {stable_mosaic.version = 14 : i64} {
  func.func @_sel_body(%arg0: memref<1x1xf32, #tpu.memory_space<smem>>, %arg1: memref<2048x1024xf32, #tpu.memory_space<vmem>>, %arg2: memref<8x128xf32, #tpu.memory_space<vmem>>) attributes {dimension_semantics = [], scalar_prefetch = 0 : i64, scratch_operands = 0 : i64, tpu.core_type = #tpu.core_type<tc>} {
    %get3A = arith.constant 0 : index
    %get3A_0 = arith.constant 0 : index
    %get3A_1 = memref.load %arg0[%get3A, %get3A_0] : memref<1x1xf32, #tpu.memory_space<smem>>
    %get3A_2 = arith.constant 0 : index
    %get3A_3 = arith.constant 0 : index
    %get3A_4 = vector.load %arg1[%get3A_2, %get3A_3] : memref<2048x1024xf32, #tpu.memory_space<vmem>>, vector<2048x1024xf32>
    %broadcast_in_dim3A = arith.constant -1 : i32
    %broadcast_in_dim3A_5 = vector.broadcast %broadcast_in_dim3A : i32 to vector<1x1xi32>
    %broadcast_in_dim3A_6 = arith.constant 2139095040 : i32
    %broadcast_in_dim3A_7 = vector.broadcast %broadcast_in_dim3A_6 : i32 to vector<1x1xi32>
    %scan3A = arith.constant 0 : i32
    %scan3A_8 = arith.constant 34 : i32
    %scan3A_9 = arith.addi %scan3A, %scan3A_8 : i32
    %scan3A_10 = arith.constant 1 : i32
    %scan3A_11:2 = scf.for %scan3A_37 = %scan3A to %scan3A_9 step %scan3A_10 iter_args(%scan3A_38 = %broadcast_in_dim3A_5, %scan3A_39 = %broadcast_in_dim3A_7) -> (vector<1x1xi32>, vector<1x1xi32>)  : i32 {
      %add3A_40 = arith.addi %scan3A_38, %scan3A_39 : vector<1x1xi32>
      %jit3A_41 = arith.constant 2 : i32
      %div3A = vector.broadcast %jit3A_41 : i32 to vector<1x1xi32>
      %div3A_42 = arith.divsi %add3A_40, %div3A : vector<1x1xi32>
      %sign3A = arith.constant 0 : i32
      %sign3A_43 = vector.broadcast %sign3A : i32 to vector<1x1xi32>
      %sign3A_44 = arith.cmpi sgt, %add3A_40, %sign3A_43 : vector<1x1xi32>
      %sign3A_45 = arith.extui %sign3A_44 : vector<1x1xi1> to vector<1x1xi32>
      %sign3A_46 = arith.constant 0 : i32
      %sign3A_47 = vector.broadcast %sign3A_46 : i32 to vector<1x1xi32>
      %sign3A_48 = arith.cmpi slt, %add3A_40, %sign3A_47 : vector<1x1xi32>
      %sign3A_49 = arith.extui %sign3A_48 : vector<1x1xi1> to vector<1x1xi32>
      %sign3A_50 = arith.subi %sign3A_45, %sign3A_49 : vector<1x1xi32>
      %sign3A_51 = arith.constant 0 : i32
      %sign3A_52 = arith.cmpi sgt, %jit3A_41, %sign3A_51 : i32
      %sign3A_53 = arith.extui %sign3A_52 : i1 to i32
      %sign3A_54 = arith.constant 0 : i32
      %sign3A_55 = arith.cmpi slt, %jit3A_41, %sign3A_54 : i32
      %sign3A_56 = arith.extui %sign3A_55 : i1 to i32
      %sign3A_57 = arith.subi %sign3A_53, %sign3A_56 : i32
      %ne3A = vector.broadcast %sign3A_57 : i32 to vector<1x1xi32>
      %ne3A_58 = arith.cmpi ne, %sign3A_50, %ne3A : vector<1x1xi32>
      %rem3A = vector.broadcast %jit3A_41 : i32 to vector<1x1xi32>
      %rem3A_59 = arith.remsi %add3A_40, %rem3A : vector<1x1xi32>
      %ne3A_60 = arith.constant 0 : i32
      %ne3A_61 = vector.broadcast %ne3A_60 : i32 to vector<1x1xi32>
      %ne3A_62 = arith.cmpi ne, %rem3A_59, %ne3A_61 : vector<1x1xi32>
      %and3A = arith.andi %ne3A_58, %ne3A_62 : vector<1x1xi1>
      %sub3A_63 = arith.constant 1 : i32
      %sub3A_64 = vector.broadcast %sub3A_63 : i32 to vector<1x1xi32>
      %sub3A_65 = arith.subi %div3A_42, %sub3A_64 : vector<1x1xi32>
      %select_n3A_66 = arith.select %and3A, %sub3A_65, %div3A_42 : vector<1x1xi1>, vector<1x1xi32>
      %bitcast_convert_type3A_67 = tpu.bitcast %select_n3A_66 : vector<1x1xi32> -> vector<1x1xf32>
      %gt3A_68 = vector.broadcast %bitcast_convert_type3A_67 : vector<1x1xf32> to vector<2048x1024xf32>
      %gt3A_69 = arith.cmpf ogt, %get3A_4, %gt3A_68 : vector<2048x1024xf32>
      %convert_element_type3A_70 = arith.extui %gt3A_69 : vector<2048x1024xi1> to vector<2048x1024xi32>
      %convert_element_type3A_71 = arith.sitofp %convert_element_type3A_70 : vector<2048x1024xi32> to vector<2048x1024xf32>
      %reduce_sum3A_72 = vector.shape_cast %convert_element_type3A_71 : vector<2048x1024xf32> to vector<1x2048x1024xf32>
      %reduce_sum3A_73 = arith.constant dense<0.000000e+00> : vector<1xf32>
      %reduce_sum3A_74 = vector.multi_reduction <add>, %reduce_sum3A_72, %reduce_sum3A_73 [1, 2] : vector<1x2048x1024xf32> to vector<1xf32>
      %reduce_sum3A_75 = vector.shape_cast %reduce_sum3A_74 : vector<1xf32> to vector<1x1x1xf32>
      %reduce_sum3A_76 = vector.extract %reduce_sum3A_75[0, 0, 0] : f32 from vector<1x1x1xf32>
      %ge3A = arith.cmpf oge, %reduce_sum3A_76, %get3A_1 : f32
      %sub3A_77 = arith.subi %scan3A_39, %scan3A_38 : vector<1x1xi32>
      %le3A = arith.constant 1 : i32
      %le3A_78 = vector.broadcast %le3A : i32 to vector<1x1xi32>
      %le3A_79 = arith.cmpi sle, %sub3A_77, %le3A_78 : vector<1x1xi32>
      %not3A = arith.constant dense<true> : vector<1x1xi1>
      %not3A_80 = arith.xori %le3A_79, %not3A : vector<1x1xi1>
      %and3A_81 = vector.broadcast %ge3A : i1 to vector<1x1xi1>
      %and3A_82 = arith.andi %not3A_80, %and3A_81 : vector<1x1xi1>
      %select_n3A_83 = arith.select %and3A_82, %select_n3A_66, %scan3A_38 : vector<1x1xi1>, vector<1x1xi32>
      %not3A_84 = arith.constant dense<true> : vector<1x1xi1>
      %not3A_85 = arith.xori %le3A_79, %not3A_84 : vector<1x1xi1>
      %not3A_86 = arith.constant true
      %not3A_87 = arith.xori %ge3A, %not3A_86 : i1
      %and3A_88 = vector.broadcast %not3A_87 : i1 to vector<1x1xi1>
      %and3A_89 = arith.andi %not3A_85, %and3A_88 : vector<1x1xi1>
      %select_n3A_90 = arith.select %and3A_89, %select_n3A_66, %scan3A_39 : vector<1x1xi1>, vector<1x1xi32>
      scf.yield %select_n3A_83, %select_n3A_90 : vector<1x1xi32>, vector<1x1xi32>
    }
    %bitcast_convert_type3A = tpu.bitcast %scan3A_11#1 : vector<1x1xi32> -> vector<1x1xf32>
    %gt3A = vector.broadcast %bitcast_convert_type3A : vector<1x1xf32> to vector<2048x1024xf32>
    %gt3A_12 = arith.cmpf ogt, %get3A_4, %gt3A : vector<2048x1024xf32>
    %convert_element_type3A = arith.extui %gt3A_12 : vector<2048x1024xi1> to vector<2048x1024xi32>
    %convert_element_type3A_13 = arith.sitofp %convert_element_type3A : vector<2048x1024xi32> to vector<2048x1024xf32>
    %reduce_sum3A = vector.shape_cast %convert_element_type3A_13 : vector<2048x1024xf32> to vector<1x2048x1024xf32>
    %reduce_sum3A_14 = arith.constant dense<0.000000e+00> : vector<1xf32>
    %reduce_sum3A_15 = vector.multi_reduction <add>, %reduce_sum3A, %reduce_sum3A_14 [1, 2] : vector<1x2048x1024xf32> to vector<1xf32>
    %reduce_sum3A_16 = vector.shape_cast %reduce_sum3A_15 : vector<1xf32> to vector<1x1x1xf32>
    %reduce_sum3A_17 = vector.extract %reduce_sum3A_16[0, 0, 0] : f32 from vector<1x1x1xf32>
    %gt3A_18 = vector.broadcast %bitcast_convert_type3A : vector<1x1xf32> to vector<2048x1024xf32>
    %gt3A_19 = arith.cmpf ogt, %get3A_4, %gt3A_18 : vector<2048x1024xf32>
    %jit3A = arith.constant 0.000000e+00 : f32
    %broadcast_in_dim3A_20 = vector.broadcast %jit3A : f32 to vector<2048x1024xf32>
    %select_n3A = arith.select %gt3A_19, %get3A_4, %broadcast_in_dim3A_20 : vector<2048x1024xi1>, vector<2048x1024xf32>
    %reduce_sum3A_21 = vector.shape_cast %select_n3A : vector<2048x1024xf32> to vector<1x2048x1024xf32>
    %reduce_sum3A_22 = arith.constant dense<0.000000e+00> : vector<1xf32>
    %reduce_sum3A_23 = vector.multi_reduction <add>, %reduce_sum3A_21, %reduce_sum3A_22 [1, 2] : vector<1x2048x1024xf32> to vector<1xf32>
    %reduce_sum3A_24 = vector.shape_cast %reduce_sum3A_23 : vector<1xf32> to vector<1x1x1xf32>
    %reduce_sum3A_25 = vector.extract %reduce_sum3A_24[0, 0, 0] : f32 from vector<1x1x1xf32>
    %sub3A = arith.subf %get3A_1, %reduce_sum3A_17 : f32
    %mul3A = vector.broadcast %sub3A : f32 to vector<1x1xf32>
    %mul3A_26 = arith.mulf %mul3A, %bitcast_convert_type3A : vector<1x1xf32>
    %add3A = vector.broadcast %reduce_sum3A_25 : f32 to vector<1x1xf32>
    %add3A_27 = arith.addf %add3A, %mul3A_26 : vector<1x1xf32>
    %gt3A_28 = arith.constant 0.000000e+00 : f32
    %gt3A_29 = arith.cmpf ogt, %get3A_1, %gt3A_28 : f32
    %broadcast_in_dim3A_30 = arith.constant 0.000000e+00 : f32
    %broadcast_in_dim3A_31 = vector.broadcast %broadcast_in_dim3A_30 : f32 to vector<1x1xf32>
    %select_n3A_32 = arith.select %gt3A_29, %add3A_27, %broadcast_in_dim3A_31 : vector<1x1xf32>
    %broadcast_in_dim3A_33 = vector.shape_cast %select_n3A_32 : vector<1x1xf32> to vector<1x1xf32>
    %broadcast_in_dim3A_34 = vector.broadcast %broadcast_in_dim3A_33 : vector<1x1xf32> to vector<8x128xf32>
    %swap3A = arith.constant 0 : index
    %swap3A_35 = arith.constant 0 : index
    %swap3A_36 = vector.load %arg2[%swap3A, %swap3A_35] : memref<8x128xf32, #tpu.memory_space<vmem>>, vector<8x128xf32>
    tpu.vector_store %arg2[%swap3A, %swap3A_35], %broadcast_in_dim3A_34 {strides = array<i32>} : memref<8x128xf32, #tpu.memory_space<vmem>>, vector<8x128xf32>,
    return
  }
}

</mosaic_0001>

<sc_bundles>
// kernel: kernel.4.cloned.1.call-start
scs
__scs_entry_jumppad:
0x0: {  	(pc) =	sbr.rel $0x88, $3  }
0x1: {  	(tag) =	ssettag $0x0;
	lr =	simm.s32 $0x1  }
0x2: {  	[smem:$0x3F9B] =	sst lr;
	_ =	strace $0xD0000000  }
0x3: {  	_ = 	snop  }
0x4: {  	_ = 	snop  }
0x5: {  	_ = 	snop  }
0x6: {  	_ = 	snop  }
0x7: {  	_ = 	snop  }
__scs_overlays_trampoline_lowered:
0x8: {  	[smem:$0x3FAA] =	sst s0  }
0x9: {  	[smem:$0x3FAB] =	sst s1  }
0xa: {  	[smem:$0x3FAC] =	sst s2  }
0xb: {  	[smem:$0x3FAD] =	sst s3  }
0xc: {  	[smem:$0x3FAE] =	sst s4  }
0xd: {  	[smem:$0x3FAF] =	sst s5  }
0xe: {  	[smem:$0x3FB0] =	sst s6  }
0xf: {  	[smem:$0x3FB1] =	sst s7  }
0x10: {  	[smem:$0x3FB2] =	sst s8  }
0x11: {  	[smem:$0x3FB3] =	sst s9;
	s0 =	simm.s32 @!p0 $0x0  }
0x12: {  	s1 =	sld [smem:$0x3F99];
	s0 =	simm.s32 @p0 $0x1  }
0x13: {  	[smem:$0x3FB4] =	sst s0;
	s0 =	simm.s32 @!p1 $0x0  }
0x14: {  	s2 =	sld [smem:$0x3F98];
	s0 =	simm.s32 @p1 $0x1  }
0x15: {  	[smem:$0x3FB5] =	sst s0;
	s0 =	simm.s32 @!p2 $0x0  }
0x16: {  	s3 =	sld [smem:$0x3FDB];
	s0 =	simm.s32 @p2 $0x1  }
0x17: {  	s4 =	simm.s32 $0x1BF5;
	[smem:$0x3FB7] =	sst s0  }
0x18: {  	s0 =	sld [smem:$0x3F9A];
	_ =	swait.ge [sflag:s4], $0x0  }
0x19: {  	s7 =	sld [smem:$0x3F9B]  }
0x1a: {  	s8 =	sadd.s32 $0xFFFFE003, lr  }
0x1b: {  	s9 =	sadd.s32 $0xFFFFFEF7, lr;
	s5 =	simm.s32 $0xFFFFFFFF;
	p2 =	slt.u32 s8, $0xFFFFF086  }
0x1c: {  	p1 =	slt.u32 s9, $0xF7A;
	s5 =	simm.s32 @!p2 $0x0  }
0x1d: {  	s5 =	simm.s32 @p1 $0x1;
	p0 =	seq.s32 s7, s2  }
0x1e: {  	s7 =	smul.u32 @!p0 $0xF7A, s2;
	p2 =	seq.s32 @!p0 s5, $0x0  }
0x1f: {  	s9 =	smul.u32 $0xF7A, s1;
	s8 =	simm.s32 @!p0 $0x1BF5;
	p2 =	por !p2, p0  }
0x20: {  	[sflag:s8] =	ssyncset.s32 @!p0 $0xFFFFF086;
	s6 =	sadd.s32 @!p0 s3, s7;
	s7 =	simm.s32 @!p0 $0x108  }
0x21: {  	s3 =	sadd.s32 s3, s9;
	s6 =	sadd.s32 @!p0 $0x88, s6;
	s7 =	simm.s32 @p2 $0x1082  }
0x22: {  	[simem:s7], [sflag:s8] =	dma.local @!p0 [hbm:s6], $0xF7A  }
0x23: {  	s9 =	sor.u32 $0xD0000000, s2;
	s6 =	simm.s32 $0x108;
	_ =	swait.ge @!p0 [sflag:s8], $0x0  }
0x24: {  	s3 =	sadd.s32 $0x88, s3;
	s6 =	simm.s32 @!p1 $0x1082;
	[sflag:s4] =	ssyncset.s32 $0xFFFFF086  }
0x25: {  	[simem:s6], [sflag:s4] =	dma.local [hbm:s3], $0xF7A  }
0x26: {  	[smem:$0x3F9B] =	sst s1;
	(tag) =	ssettag s2;
	_ =	strace s9  }
0x27: {  	s1 =	sld [smem:$0x3FAB]  }
0x28: {  	s2 =	sld [smem:$0x3FAC]  }
0x29: {  	s4 =	sld [smem:$0x3FAE]  }
0x2a: {  	p0 =	seq.s32 s5, $0x0;
	s5 =	sld [smem:$0x3FAF]  }
0x2b: {  	s6 =	sld [smem:$0x3FB0]  }
0x2c: {  	s7 =	sld [smem:$0x3FB1]  }
0x2d: {  	s3 =	simm.s32 $0x108;
	s8 =	sld [smem:$0x3FB2]  }
0x2e: {  	s3 =	simm.s32 @!p0 $0x1082;
	s9 =	sld [smem:$0x3FB3]  }
0x2f: {  	lr =	sadd.s32 s0, s3;
	s0 =	sld [smem:$0x3FAA]  }
0x30: {  	s3 =	sld [smem:$0x3FAD]  }
0x31: {  	[smem:$0x3FB6] =	sst s10  }
0x32: {  	s10 =	sld [smem:$0x3FB4];
	_ =	sdelay $0x3  }
0x33: {  	p0 =	seq.s32 s10, $0x1;
	s10 =	sld [smem:$0x3FB6];
	_ =	sdelay $0x3  }
0x34: {  	[smem:$0x3FB6] =	sst s10  }
0x35: {  	s10 =	sld [smem:$0x3FB5];
	_ =	sdelay $0x3  }
0x36: {  	p1 =	seq.s32 s10, $0x1;
	s10 =	sld [smem:$0x3FB6];
	_ =	sdelay $0x3  }
0x37: {  	[smem:$0x3FB6] =	sst s10  }
0x38: {  	s10 =	sld [smem:$0x3FB7]  }
0x39: {  	_ = 	snop;
	(pc) =	sbr.ind lr, $3  }
0x3a: {  	_ = 	snop  }
0x3b: {  	_ = 	snop  }
0x3c: {  	p2 =	seq.s32 s10, $0x1;
	s10 =	sld [smem:$0x3FB6]  }
0x3d: {  	_ =	shalt  }
0x3e: {  	_ =	shalt  }
0x3f: {  	_ =	shalt  }
0x40: {  	_ =	shalt  }
0x41: {  	_ =	shalt  }
0x42: {  	_ =	shalt  }
0x43: {  	_ =	shalt  }
0x44: {  	_ =	shalt  }
0x45: {  	_ =	shalt  }
0x46: {  	_ =	shalt  }
0x47: {  	_ =	shalt  }
0x48: {  	_ =	shalt  }
0x49: {  	_ =	shalt  }
0x4a: {  	_ =	shalt  }
0x4b: {  	_ =	shalt  }
0x4c: {  	_ =	shalt  }
0x4d: {  	_ =	shalt  }
0x4e: {  	_ =	shalt  }
0x4f: {  	_ =	shalt  }
0x50: {  	_ =	shalt  }
0x51: {  	_ =	shalt  }
0x52: {  	_ =	shalt  }
0x53: {  	_ =	shalt  }
0x54: {  	_ =	shalt  }
0x55: {  	_ =	shalt  }
0x56: {  	_ =	shalt  }
0x57: {  	_ =	shalt  }
0x58: {  	_ =	shalt  }
0x59: {  	_ =	shalt  }
0x5a: {  	_ =	shalt  }
0x5b: {  	_ =	shalt  }
0x5c: {  	_ =	shalt  }
0x5d: {  	_ =	shalt  }
0x5e: {  	_ =	shalt  }
0x5f: {  	_ =	shalt  }
0x60: {  	_ =	shalt  }
0x61: {  	_ =	shalt  }
0x62: {  	_ =	shalt  }
0x63: {  	_ =	shalt  }
0x64: {  	_ =	shalt  }
0x65: {  	_ =	shalt  }
0x66: {  	_ =	shalt  }
0x67: {  	_ =	shalt  }
0x68: {  	_ =	shalt  }
0x69: {  	_ =	shalt  }
0x6a: {  	_ =	shalt  }
0x6b: {  	_ =	shalt  }
0x6c: {  	_ =	shalt  }
0x6d: {  	_ =	shalt  }
0x6e: {  	_ =	shalt  }
0x6f: {  	_ =	shalt  }
0x70: {  	_ =	shalt  }
0x71: {  	_ =	shalt  }
0x72: {  	_ =	shalt  }
0x73: {  	_ =	shalt  }
0x74: {  	_ =	shalt  }
0x75: {  	_ =	shalt  }
0x76: {  	_ =	shalt  }
0x77: {  	_ =	shalt  }
0x78: {  	_ =	shalt  }
0x79: {  	_ =	shalt  }
0x7a: {  	_ =	shalt  }
0x7b: {  	_ =	shalt  }
0x7c: {  	_ =	shalt  }
0x7d: {  	_ =	shalt  }
0x7e: {  	_ =	shalt  }
0x7f: {  	_ =	shalt  }
0x80: {  	_ =	shalt  }
0x81: {  	_ =	shalt  }
0x82: {  	_ =	shalt  }
0x83: {  	_ =	shalt  }
0x84: {  	_ =	shalt  }
0x85: {  	_ =	shalt  }
0x86: {  	_ =	shalt  }
0x87: {  	_ =	shalt  }
.Lfunc_end0:
.L_simem_size_0:
called_computation_lowered:
.L_overlay_start_0:
0x88: {  	s2 =	sld [smem:$0x3FD9]  }
0x89: {  	s3 =	sld [smem:$0x3FFE];
	_ =	sdelay $0x1  }
0x8a: {  	s1 =	srdreg.scid  }
0x8b: {  	s0 =	sand.u32 $0x1, s1  }
0x8c: {  	s17 =	sshll.u32 s0, $0xA;
	s2 =	sadd.s32 s3, s2  }
0x8d: {  	s2 =	sadd.s32 s2, s17  }
0x8e: {  	[smem:$0x3FC2] =	sst s2  }
0x8f: {  	_ = 	snop  }
0x90: {  	s2 =	sld [smem:$0x3FC9]  }
0x91: {  	s18 =	sld [smem:$0x3FC6]  }
0x92: {  	s4 =	sld [smem:$0x3FC4];
	(tm) =	ssettm $0x1  }
0x93: {  	s5 =	sld [smem:$0x3FFB];
	_ =	sdelay $0x3  }
0x94: {  	_ =	strace s5  }
0x95: {  	s5 =	sld [smem:$0x3FFC];
	_ =	sdelay $0x3  }
0x96: {  	_ =	strace s5  }
0x97: {  	s5 =	sld [smem:$0x3FFD];
	_ =	sdelay $0x3  }
0x98: {  	_ =	strace s5  }
0x99: {  	_ =	strace $0x8FFFFFFF  }
0x9a: {  	s19 =	sld [smem:$0x3FDB];
	_ =	sdelay $0x1  }
0x9b: {  	s6 =	simm.s32 $_scs_section_size  }
0x9c: {  	s7 =	simm.s32 $_size__tile_overlayer_lowered;
	s8 =	simm.s32 $_tile_overlayer_lowered  }
0x9d: {  	s22 =	simm.s32 $0x1BFF;
	s21 =	sshll.u32 s8, $0x1;
	s5 =	sadd.s32 s6, s19  }
0x9e: {  	s9 =	simm.s32 $0x0;
	s20 =	sshll.u32 s7, $0x1;
	s7 =	sadd.s32 s21, s5  }
0x9f: {  	[timem:s9], [sflag:s22] =	dma.local [hbm:s7], s20  }
0xa0: {  	_ =	swait.ge [sflag:s22], s20  }
0xa1: {  	s6 =	ssub.s32 $0x0, s20;
	[sflag:s22] =	ssyncset.done $0x0  }
0xa2: {  	[sflag:s22] =	ssyncadd.s32 s6;
	_ =	sdelay $0x1  }
0xa3: {  	s23 =	simm.s32 $0x1B8B  }
0xa4: {  	_ =	swait.ge [sflag:s23], $0x1  }
0xa5: {  	[sflag:s23] =	ssyncset.done $0x0  }
0xa6: {  	s25 =	simm.s32 $0x1B8E;
	s24 =	sld [smem:$0x3FFE];
	[sflag:s23] =	ssyncadd.s32 $0xFFFFFFFF  }
0xa7: {  	s26 =	simm.s32 $execute0_lowered;
	[smem:$0x3FD2] =	sst s25  }
0xa8: {  	s7 =	sshll.u32 s26, $0x1;
	_ =	strace $0x80000046;
	[dreg:$0x1] =	wrdreg $0xFFFFFFFF  }
0xa9: {  	s28 =	simm.s32 $_size_execute0_lowered;
	s5 =	sadd.s32 s5, s7;
	[dreg:$0x0] =	wrdreg $0x0  }
0xaa: {  	s7 =	sshll.u32 s28, $0x1;
	[dreg:$0x2] =	wrdreg s5  }
0xab: {  	[dreg:$0x3] =	wrdreg s7  }
0xac: {  	[dreg:$0x4] =	wrdreg $0xC0  }
0xad: {  	_ =	task [dreg:s9], $0x5FFFF  }
0xae: {  	[dreg:$0x1] =	wrdreg $0xFFFFFFFF  }
0xaf: {  	[dreg:$0x0] =	wrdreg $0x60  }
0xb0: {  	[dreg:$0x2] =	wrdreg s2  }
0xb1: {  	[dreg:$0x3] =	wrdreg s18  }
0xb2: {  	[dreg:$0x4] =	wrdreg s4  }
0xb3: {  	[dreg:$0x5] =	wrdreg s24  }
0xb4: {  	[dreg:$0x6] =	wrdreg $0x9  }
0xb5: {  	_ =	task.clear_ibuf [dreg:s9], $0x7FFFF;
	_ =	strace $0x90000046  }
0xb6: {  	s29 =	simm.s32 $0x9;
	_ =	strace $0x80000048  }
0xb7: {  	_ =	swait.ge [sflag:s29], $0x1  }
0xb8: {  	[sflag:s29] =	ssyncadd.s32 $0xFFFFFFFF  }
0xb9: {  	_ =	strace $0x90000048  }
0xba: {  	_ =	sfence  }
0xbb: {  	s30 =	sld [smem:$0x0];
	_ =	sdelay $0x2  }
0xbc: {  	s31 =	sshll.u32 s1, $0xD;
	s1 =	sshrl.u32 s1, $0x2  }
0xbd: {  	s3 =	sand.u32 $0x4000, s31;
	s1 =	sadd.s32 s1, s30  }
0xbe: {  	s0 =	sor.u32 s3, s0;
	s1 =	sshll.u32 s1, $0x11  }
0xbf: {  	s0 =	sor.u32 s1, s0  }
0xc0: {  	s0 =	sadd.s32 $0x8F2B, s0  }
0xc1: {  	[sflag:s0] =	ssyncadd.remote.s32 $0x1  }
0xc2: {  	_ =	sfence.sel $0xFFFF  }
0xc3: {  	[dreg:$0x0] =	wrdreg $0xFFFFFFFF;
	(pc) =	sbr.abs _section_cstart, $3  }
0xc4: {  	[dreg:$0x1] =	wrdreg $0xFFFFFFFF  }
0xc5: {  	_ =	task.clear_ibuf [dreg:s9], $0x2FFFF;
	_ =	strace $0x9FFFFFFF  }
0xc6: {  	(tm) =	ssettm $0x7FFFFFFF  }
0xc7: {  	_ =	shalt  }
tec
execute0_lowered:
.L_overlay_start_1:
0x0: {  	(tag) =	ssettag $0x1  }
0x1: {  	s0 =	rddreg [dreg:$0x0]  }
0x2: {  	s1 =	rddreg [dreg:$0x1]  }
0x3: {  	s14 =	rddreg [dreg:$0x2]  }
0x4: {  	s2 =	srdreg.scid;
	s5 =	stileid.u32  }
0x5: {  	s15 =	rddreg [dreg:$0x3];
	s19 =	simm.s32 $0x1;
	s20 =	simm.s32 $0xC000  }
0x6: {  	s21 =	simm.s32 $0x10000;
	s22 =	simm.s32 $0x14000;
	s23 =	simm.s32 $0x2  }
0x7: {  	s25 =	simm.s32 $0x3;
	s26 =	simm.s32 $0x0;
	s3 =	sand.u32 $0x1, s2  }
0x8: {  	s30 =	sshll.u32 s5, $0x1;
	s2 =	simm.s32 $0x0;
	s5 =	sshll.u32 s5, $0xE  }
0x9: {  	s16 =	sor.u32 s3, s30;
	s3 =	ssub.s32 $0x2, s3;
	s5 =	sand.u32 $0x38000, s5  }
0xa: {  	[smem:$0x7FF] =	sst s2;
	s4 =	sshll.u32 s16, $0xD;
	s6 =	sshrl.u32 s3, $0x1  }
0xb: {  	_ =	strace $0x80000047;
	s31 =	sshll.u32 s16, $0x6;
	s4 =	sand.u32 $0x6000, s4  }
0xc: {  	s17 =	ssub.s32 s3, s6;
	s15 =	sadd.s32 s15, s31;
	s10 =	sor.u32 s5, s4  }
0xd: {  	s16 =	smax.u32 s17, $0x1;
	s17 =	simm.s32 $0x4000;
	s3 =	sadd.s32 s0, s10  }
0xe: {  	s4 =	sadd.s32 s1, s10;
	s5 =	sadd.s32 s14, s10;
	s8 =	sor.u32 $0x800, s10  }
0xf: {  	s11 =	sor.u32 $0x1000, s10;
	s18 =	sor.u32 $0x1800, s10;
	s6 =	sadd.s32 s0, s8  }
0x10: {  	s7 =	sadd.s32 s1, s8;
	s8 =	sadd.s32 s14, s8;
	s9 =	sadd.s32 s0, s11  }
0x11: {  	s10 =	sadd.s32 s1, s11;
	s11 =	sadd.s32 s14, s11;
	s12 =	sadd.s32 s0, s18  }
0x12: {  	v0 =	vimm.f32 $0.0e+00;
	s13 =	sadd.s32 s1, s18;
	s14 =	sadd.s32 s14, s18;
	s18 =	simm.s32 $0x8000  }
.LBB2_1:
0x13: {  	[tilespmem:s2], [sflag:$0x1] =	stream.linear.gather [hbm4b:s3+s2], $0x4000, $0x38;
	[tilespmem:$0x18200] =	vst v63  }
0x14: {  	_ = 	snop  }
0x15: {  	[tilespmem:s17], [sflag:$0x1] =	stream.linear.gather [hbm4b:s4+s2], $0x4000, $0x38;
	[tilespmem:$0x18200] =	vst v63  }
0x16: {  	_ = 	snop  }
0x17: {  	[tilespmem:s18], [sflag:$0x1] =	stream.linear.gather [hbm4b:s5+s2], $0x4000, $0x38;
	[tilespmem:$0x18200] =	vst v63  }
0x18: {  	_ =	swait.ge [sflag:s19], $0x4000  }
0x19: {  	[sflag:s19] =	ssyncset.done $0x0  }
0x1a: {  	[sflag:s19] =	ssyncadd.s32 $0xFFFFC000  }
0x1b: {  	_ =	swait.ge [sflag:s19], $0x4000  }
0x1c: {  	[sflag:s19] =	ssyncset.done $0x0  }
0x1d: {  	[sflag:s19] =	ssyncadd.s32 $0xFFFFC000  }
0x1e: {  	_ =	swait.ge [sflag:s19], $0x4000  }
0x1f: {  	[sflag:s19] =	ssyncset.done $0x0  }
0x20: {  	[sflag:s19] =	ssyncadd.s32 $0xFFFFC000  }
0x21: {  	[tilespmem:s20], [sflag:$0x2] =	stream.linear.gather [hbm4b:s6+s2], $0x4000, $0x38;
	[tilespmem:$0x18200] =	vst v63  }
0x22: {  	_ = 	snop  }
0x23: {  	[tilespmem:s21], [sflag:$0x2] =	stream.linear.gather [hbm4b:s7+s2], $0x4000, $0x38;
	[tilespmem:$0x18200] =	vst v63  }
0x24: {  	v1 =	vimm.f32 $0.0e+00;
	s28 =	simm.s32 $0x0  }
0x25: {  	v2 =	vimm.f32 $0.0e+00;
	v3 =	vimm.f32 $0.0e+00;
	v4 =	vimm.f32 $0.0e+00;
	[tilespmem:s22], [sflag:$0x2] =	stream.linear.gather [hbm4b:s8+s2], $0x4000, $0x38;
	[tilespmem:$0x18200] =	vst v63  }
.LBB2_2:
0x26: {  	s0 =	sshll.u32 s28, $0x9;
	s1 =	sshll.u32 s28, $0x7  }
0x27: {  	s30 =	simm.s32 $0x0;
	s0 =	sand.u32 $0x3000, s0;
	s1 =	sand.u32 $0x380, s1  }
0x28: {  	s31 =	sor.u32 s0, s1;
	s1 =	sand.u32 $0x40, s30  }
0x29: {  	s24 =	sand.u32 $0xC00, s30;
	s0 =	sor.u32 s1, s31  }
0x2a: {  	s29 =	sor.u32 s24, s0  }
0x2b: {  	v5 =	vld [tilespmem:s29+$0x4000]  }
0x2c: {  	v9 =	vld [tilespmem:s29+$0x0];
	s0 =	sor.u32 $0x4030, s29  }
0x2d: {  	s1 =	sor.u32 $0x4020, s29;
	v7 =	vld [tilespmem:s0+$0x0]  }
0x2e: {  	s24 =	sor.u32 $0x4010, s29;
	v6 =	vld [tilespmem:s1+$0x0]  }
0x2f: {  	v8 =	vld [tilespmem:s24+$0x0];
	s24 =	sor.u32 $0x30, s29  }
0x30: {  	s1 =	sor.u32 $0x20, s29;
	v11 =	vld [tilespmem:s24+$0x0]  }
0x31: {  	v12 =	vld [tilespmem:s1+$0x0]  }
0x32: {  	s24 =	sor.u32 $0x10, s29;
	vm3 =	vgt.f32 v5, $5.000000000e-01  }
0x33: {  	v13 =	vld [tilespmem:s24+$0x0];
	v14 =	vshra.s32 v9, $0x17;
	v15 =	vand.u32 $0x7FFFFF, v9;
	v10 =	vsub.f32 $1.000000000e+00, v9  }
0x34: {  	vm0 =	vgt.f32 v8, $5.000000000e-01;
	vm1 =	vgt.f32 v6, $5.000000000e-01;
	vm2 =	vgt.f32 v7, $5.000000000e-01  }
0x35: {  	v9 =	vsel vm3, $0x3F800000, v0;
	v20 =	vcvt.s32.f32 v14;
	v26 =	vor.u32 $0x3F800000, v15  }
0x36: {  	v16 =	vshra.s32 v12, $0x17;
	v17 =	vshra.s32 v11, $0x17;
	v22 =	vand.u32 $0x7FFFFF, v11  }
0x37: {  	v25 =	vand.u32 $0x7FFFFF, v12;
	v19 =	vsub.f32 $1.000000000e+00, v11;
	v18 =	vsub.f32 $1.000000000e+00, v12  }
0x38: {  	v11 =	vadd.f32 $-1.000000000e+00, v26;
	v23 =	vshra.s32 v10, $0x17;
	v21 =	vshra.s32 v13, $0x17  }
0x39: {  	v24 =	vand.u32 $0x7FFFFF, v13;
	v14 =	vcvt.s32.f32 v17;
	v15 =	vcvt.s32.f32 v16  }
0x3a: {  	v16 =	vor.u32 $0x3F800000, v22;
	v22 =	vadd.f32 $1.000000000e+00, v26;
	v17 =	vor.u32 $0x3F800000, v25  }
0x3b: {  	s1 =	simm.s32 $0x40;
	v12 =	vcvt.s32.f32 v21;
	v21 =	vsub.f32 $1.000000000e+00, v13;
	v13 =	vor.u32 $0x3F800000, v24  }
.LBB2_3:
0x3c: {  	p0 =	sne.s32 s1, $0x1C0;
	v24 =	vand.u32 $0x7FFFFF, v10;
	v25 =	vshra.s32 v18, $0x17;
	v26 =	vshra.s32 v19, $0x17  }
0x3d: {  	v10 =	vmul.f32 $6.931471820e-01, v20;
	v20 =	vcvt.s32.f32 v23;
	v23 =	vshra.s32 v21, $0x17  }
0x3e: {  	v27 =	vadd.f32 $1.000000000e+00, v17;
	v28 =	vadd.f32 $1.000000000e+00, v16;
	v19 =	vand.u32 $0x7FFFFF, v19  }
0x3f: {  	v29 =	vadd.f32 $1.000000000e+00, v13;
	v18 =	vand.u32 $0x7FFFFF, v18;
	(erf) = vrcp.f32 v22  }
0x40: {  	v21 =	vand.u32 $0x7FFFFF, v21;
	v22 =	vor.u32 $0x3F800000, v24;
	(erf) = vrcp.f32 v28  }
0x41: {  	v19 =	vor.u32 $0x3F800000, v19;
	v24 =	vadd.f32 $1.000000000e+00, v22;
	(erf) = vrcp.f32 v27  }
0x42: {  	v18 =	vor.u32 $0x3F800000, v18;
	v27 =	vadd.f32 $1.000000000e+00, v19;
	(erf) = vrcp.f32 v29  }
0x43: {  	v21 =	vor.u32 $0x3F800000, v21;
	v28 =	vadd.f32 $1.000000000e+00, v18;
	(erf) = vrcp.f32 v24  }
0x44: {  	v14 =	vmul.f32 $6.931471820e-01, v14;
	v24 =	vadd.f32 $1.000000000e+00, v21;
	(erf) = vrcp.f32 v27  }
0x45: {  	v15 =	vmul.f32 $6.931471820e-01, v15;
	v16 =	vadd.f32 $-1.000000000e+00, v16;
	(erf) = vrcp.f32 v28  }
0x46: {  	v17 =	vadd.f32 $-1.000000000e+00, v17;
	v26 =	vcvt.s32.f32 v26;
	(erf) = vrcp.f32 v24  }
0x47: {  	v13 =	vadd.f32 $-1.000000000e+00, v13;
	v12 =	vmul.f32 $6.931471820e-01, v12;
	v24 =	vcvt.s32.f32 v25  }
0x48: {  	v23 =	vcvt.s32.f32 v23;
	v20 =	vmul.f32 $6.931471820e-01, v20;
	v22 =	vadd.f32 $-1.000000000e+00, v22;
	v25 =	vpop (erf)  }
0x49: {  	v26 =	vmul.f32 $6.931471820e-01, v26;
	v19 =	vadd.f32 $-1.000000000e+00, v19;
	v24 =	vmul.f32 $6.931471820e-01, v24;
	v27 =	vpop (erf)  }
0x4a: {  	v23 =	vmul.f32 $6.931471820e-01, v23;
	v18 =	vadd.f32 $-1.000000000e+00, v18;
	v11 =	vmul.f32 v25, v11;
	v25 =	vpop (erf)  }
0x4b: {  	v21 =	vadd.f32 $-1.000000000e+00, v21;
	v16 =	vmul.f32 v27, v16;
	v17 =	vmul.f32 v25, v17;
	v25 =	vpop (erf)  }
0x4c: {  	v27 =	vmul.f32 v11, v11;
	v11 =	vadd.f32 v11, v11;
	v13 =	vmul.f32 v25, v13;
	v25 =	vpop (erf)  }
0x4d: {  	v22 =	vmul.f32 v25, v22;
	v25 =	vmul.f32 v16, v16;
	v16 =	vadd.f32 v16, v16;
	v28 =	vpop (erf)  }
0x4e: {  	v29 =	vmul.f32 v17, v17;
	v17 =	vadd.f32 v17, v17;
	v19 =	vmul.f32 v28, v19;
	v28 =	vpop (erf)  }
0x4f: {  	v30 =	vmul.f32 v13, v13;
	v13 =	vadd.f32 v13, v13;
	v18 =	vmul.f32 v28, v18;
	v28 =	vpop (erf)  }
0x50: {  	v31 =	vmul.f32 $2.000000030e-01, v27;
	v32 =	vadd.f32 v22, v22;
	v21 =	vmul.f32 v28, v21  }
0x51: {  	v22 =	vmul.f32 v22, v22;
	v28 =	vmul.f32 $2.000000030e-01, v25;
	v33 =	vadd.f32 v19, v19  }
0x52: {  	v34 =	vmul.f32 $2.000000030e-01, v29;
	v19 =	vmul.f32 v19, v19;
	v35 =	vadd.f32 v18, v18  }
0x53: {  	v36 =	vmul.f32 $2.000000030e-01, v30;
	v18 =	vmul.f32 v18, v18;
	v37 =	vadd.f32 v21, v21  }
0x54: {  	v31 =	vadd.f32 $3.333333430e-01, v31;
	v38 =	vmul.f32 $2.000000030e-01, v22;
	v21 =	vmul.f32 v21, v21  }
0x55: {  	v34 =	vadd.f32 $3.333333430e-01, v34;
	v28 =	vadd.f32 $3.333333430e-01, v28;
	v39 =	vmul.f32 $2.000000030e-01, v19  }
0x56: {  	v36 =	vadd.f32 $3.333333430e-01, v36;
	v41 =	vmul.f32 $2.000000030e-01, v18;
	v40 =	vmul.f32 $2.000000030e-01, v21  }
0x57: {  	v27 =	vmul.f32 v31, v27;
	v31 =	vadd.f32 $3.333333430e-01, v38;
	v25 =	vmul.f32 v28, v25  }
0x58: {  	v28 =	vmul.f32 v34, v29;
	v34 =	vadd.f32 $3.333333430e-01, v39;
	v29 =	vadd.f32 $3.333333430e-01, v41  }
0x59: {  	v27 =	vadd.f32 $1.000000000e+00, v27;
	v30 =	vmul.f32 v36, v30;
	v36 =	vadd.f32 $3.333333430e-01, v40  }
0x5a: {  	v22 =	vmul.f32 v31, v22;
	v28 =	vadd.f32 $1.000000000e+00, v28;
	v25 =	vadd.f32 $1.000000000e+00, v25  }
0x5b: {  	v30 =	vadd.f32 $1.000000000e+00, v30;
	v19 =	vmul.f32 v34, v19;
	v18 =	vmul.f32 v29, v18  }
0x5c: {  	v11 =	vmul.f32 v27, v11;
	v22 =	vadd.f32 $1.000000000e+00, v22;
	v21 =	vmul.f32 v36, v21  }
0x5d: {  	v17 =	vmul.f32 v28, v17;
	v16 =	vmul.f32 v25, v16;
	v19 =	vadd.f32 $1.000000000e+00, v19  }
0x5e: {  	v13 =	vmul.f32 v30, v13;
	v18 =	vadd.f32 $1.000000000e+00, v18;
	v21 =	vadd.f32 $1.000000000e+00, v21  }
0x5f: {  	s0 =	sor.u32 $0x8030, s29;
	v10 =	vadd.f32 v11, v10;
	v11 =	vmul.f32 v22, v32;
	v14 =	vadd.f32 v16, v14;
	v25 =	vld [tilespmem:s29+$0x8000]  }
0x60: {  	v15 =	vadd.f32 v17, v15;
	v19 =	vmul.f32 v19, v33;
	v16 =	vmul.f32 v21, v37;
	v17 =	vld [tilespmem:s0+$0x0]  }
0x61: {  	v12 =	vadd.f32 v13, v12;
	v11 =	vadd.f32 v11, v20;
	v13 =	vmul.f32 v18, v35;
	s0 =	sor.u32 $0x8020, s29  }
0x62: {  	v20 =	vsel vm2, $0x3F800000, v0;
	v19 =	vadd.f32 v19, v26;
	v16 =	vadd.f32 v16, v23;
	s29 =	sor.u32 $0x8010, s29;
	v18 =	vld [tilespmem:s0+$0x0]  }
0x63: {  	v22 =	vsel vm1, $0x3F800000, v0;
	v10 =	vsub.f32 v10, v11;
	v13 =	vadd.f32 v13, v24;
	v21 =	vld [tilespmem:s29+$0x0]  }
0x64: {  	v14 =	vsub.f32 v14, v19;
	v12 =	vsub.f32 v12, v16;
	v9 =	vmul.f32 v9, v25  }
0x65: {  	v5 =	vmul.f32 v10, v5;
	v10 =	vsub.f32 v15, v13;
	v15 =	vmul.f32 v20, v17  }
0x66: {  	s30 =	sadd.s32 $0x200, s30;
	v7 =	vmul.f32 v14, v7;
	s0 =	sand.u32 $0x40, s1;
	v8 =	vmul.f32 v12, v8;
	v20 =	vsel vm0, $0x3F800000, v0  }
0x67: {  	v11 =	vadd.f32 v5, v11;
	v6 =	vmul.f32 v10, v6;
	s29 =	sand.u32 $0xC00, s30;
	s0 =	sor.u32 s0, s31;
	v12 =	vmul.f32 v22, v18  }
0x68: {  	v14 =	vadd.f32 v7, v19;
	s29 =	sor.u32 s29, s0;
	v8 =	vadd.f32 v8, v16;
	v10 =	vmul.f32 v20, v21  }
0x69: {  	v13 =	vadd.f32 v6, v13;
	v16 =	vmul.f32 v11, v9;
	v11 =	vmul.f32 v11, v25;
	v5 =	vld [tilespmem:s29+$0x4000]  }
0x6a: {  	v3 =	vadd.f32 v25, v3;
	s0 =	sor.u32 $0x4030, s29;
	v4 =	vadd.f32 v9, v4;
	v19 =	vld [tilespmem:s29+$0x0];
	v9 =	vmul.f32 v8, v10  }
0x6b: {  	s24 =	sor.u32 $0x4020, s29;
	v2 =	vadd.f32 v16, v2;
	v1 =	vadd.f32 v11, v1;
	v11 =	vmul.f32 v8, v21;
	v7 =	vld [tilespmem:s0+$0x0]  }
0x6c: {  	v3 =	vadd.f32 v21, v3;
	v4 =	vadd.f32 v10, v4;
	v10 =	vmul.f32 v13, v12;
	s0 =	sor.u32 $0x4010, s29;
	v6 =	vld [tilespmem:s24+$0x0]  }
0x6d: {  	v1 =	vadd.f32 v11, v1;
	v2 =	vadd.f32 v9, v2;
	v9 =	vmul.f32 v13, v18;
	v8 =	vld [tilespmem:s0+$0x0];
	s0 =	sor.u32 $0x30, s29  }
0x6e: {  	v3 =	vadd.f32 v18, v3;
	s24 =	sor.u32 $0x20, s29;
	v4 =	vadd.f32 v12, v4;
	v12 =	vmul.f32 v14, v15;
	v11 =	vld [tilespmem:s0+$0x0]  }
0x6f: {  	s0 =	sor.u32 $0x10, s29;
	v2 =	vadd.f32 v10, v2;
	v1 =	vadd.f32 v9, v1;
	v9 =	vmul.f32 v14, v17;
	v13 =	vld [tilespmem:s24+$0x0]  }
0x70: {  	v3 =	vadd.f32 v17, v3;
	v4 =	vadd.f32 v15, v4;
	v16 =	vld [tilespmem:s0+$0x0]  }
0x71: {  	vm3 =	vgt.f32 v5, $5.000000000e-01;
	v2 =	vadd.f32 v12, v2;
	v1 =	vadd.f32 v9, v1  }
0x72: {  	v14 =	vand.u32 $0x7FFFFF, v19;
	v10 =	vsub.f32 $1.000000000e+00, v19;
	v12 =	vshra.s32 v19, $0x17  }
0x73: {  	vm2 =	vgt.f32 v7, $5.000000000e-01;
	vm1 =	vgt.f32 v6, $5.000000000e-01;
	vm0 =	vgt.f32 v8, $5.000000000e-01  }
0x74: {  	v9 =	vsel vm3, $0x3F800000, v0;
	v17 =	vshra.s32 v11, $0x17;
	v15 =	vshra.s32 v13, $0x17  }
0x75: {  	v20 =	vcvt.s32.f32 v12;
	v22 =	vand.u32 $0x7FFFFF, v11;
	v12 =	vshra.s32 v16, $0x17  }
.Ltmp0:
0x76: {  	v19 =	vsub.f32 $1.000000000e+00, v11;
	v25 =	vand.u32 $0x7FFFFF, v13;
	v24 =	vand.u32 $0x7FFFFF, v16;
	(pc) =	sbr.rel @p0 .LBB2_3-.Ltmp0, $4  }
0x77: {  	v26 =	vor.u32 $0x3F800000, v14;
	v18 =	vsub.f32 $1.000000000e+00, v13;
	v14 =	vcvt.s32.f32 v17  }
0x78: {  	v21 =	vsub.f32 $1.000000000e+00, v16;
	v15 =	vcvt.s32.f32 v15;
	v12 =	vcvt.s32.f32 v12  }
0x79: {  	v23 =	vshra.s32 v10, $0x17;
	v11 =	vadd.f32 $-1.000000000e+00, v26;
	v16 =	vor.u32 $0x3F800000, v22  }
0x7a: {  	s1 =	sadd.s32 $0x40, s1;
	v22 =	vadd.f32 $1.000000000e+00, v26;
	v17 =	vor.u32 $0x3F800000, v25;
	v13 =	vor.u32 $0x3F800000, v24  }
0x7b: {  	v10 =	vand.u32 $0x7FFFFF, v10;
	v24 =	vshra.s32 v18, $0x17;
	v25 =	vshra.s32 v19, $0x17  }
0x7c: {  	v20 =	vmul.f32 $6.931471820e-01, v20;
	v23 =	vcvt.s32.f32 v23;
	v26 =	vshra.s32 v21, $0x17  }
0x7d: {  	v27 =	vadd.f32 $1.000000000e+00, v17;
	v28 =	vadd.f32 $1.000000000e+00, v16;
	v43 =	vand.u32 $0x7FFFFF, v19  }
0x7e: {  	v29 =	vadd.f32 $1.000000000e+00, v13;
	v44 =	vand.u32 $0x7FFFFF, v18;
	v45 =	vand.u32 $0x7FFFFF, v21  }
0x7f: {  	v14 =	vmul.f32 $6.931471820e-01, v14;
	v15 =	vmul.f32 $6.931471820e-01, v15;
	v50 =	vadd.f32 $-1.000000000e+00, v16  }
0x80: {  	v51 =	vadd.f32 $-1.000000000e+00, v17;
	v52 =	vadd.f32 $-1.000000000e+00, v13;
	(erf) = vrcp.f32 v22  }
0x81: {  	v12 =	vmul.f32 $6.931471820e-01, v12;
	v10 =	vor.u32 $0x3F800000, v10;
	(erf) = vrcp.f32 v28  }
0x82: {  	v19 =	vor.u32 $0x3F800000, v43;
	v46 =	vadd.f32 $1.000000000e+00, v10;
	(erf) = vrcp.f32 v27  }
0x83: {  	v18 =	vor.u32 $0x3F800000, v44;
	v47 =	vadd.f32 $1.000000000e+00, v19;
	(erf) = vrcp.f32 v29  }
0x84: {  	v25 =	vcvt.s32.f32 v25;
	v48 =	vadd.f32 $1.000000000e+00, v18;
	(erf) = vrcp.f32 v46  }
0x85: {  	v21 =	vor.u32 $0x3F800000, v45;
	v53 =	vcvt.s32.f32 v24;
	(erf) = vrcp.f32 v47  }
0x86: {  	v54 =	vcvt.s32.f32 v26;
	v49 =	vadd.f32 $1.000000000e+00, v21;
	(erf) = vrcp.f32 v48;
	v48 =	vld [tilespmem:s29+$0x8000]  }
0x87: {  	v10 =	vadd.f32 $-1.000000000e+00, v10;
	v23 =	vmul.f32 $6.931471820e-01, v23;
	v19 =	vadd.f32 $-1.000000000e+00, v19  }
0x88: {  	v18 =	vadd.f32 $-1.000000000e+00, v18;
	v22 =	vmul.f32 $6.931471820e-01, v53;
	(erf) = vrcp.f32 v49  }
0x89: {  	v21 =	vadd.f32 $-1.000000000e+00, v21;
	v25 =	vmul.f32 $6.931471820e-01, v25;
	v24 =	vmul.f32 $6.931471820e-01, v54;
	v55 =	vpop (erf)  }
0x8a: {  	v53 =	vsel vm2, $0x3F800000, v0;
	v56 =	vpop (erf);
	v11 =	vmul.f32 v55, v11;
	v55 =	vsel vm1, $0x3F800000, v0  }
0x8b: {  	v57 =	vpop (erf);
	v16 =	vmul.f32 v56, v50;
	v9 =	vmul.f32 v9, v48;
	v3 =	vadd.f32 v48, v3  }
0x8c: {  	v17 =	vmul.f32 v57, v51;
	v58 =	vpop (erf);
	v59 =	vmul.f32 v11, v11;
	v11 =	vadd.f32 v11, v11  }
0x8d: {  	v13 =	vmul.f32 v58, v52;
	v60 =	vpop (erf);
	v61 =	vmul.f32 v16, v16;
	v16 =	vadd.f32 v16, v16  }
0x8e: {  	v4 =	vadd.f32 v9, v4;
	v10 =	vmul.f32 v60, v10;
	v62 =	vpop (erf);
	v63 =	vmul.f32 v17, v17  }
0x8f: {  	v17 =	vadd.f32 v17, v17;
	v31 =	vmul.f32 $2.000000030e-01, v59;
	v19 =	vmul.f32 v62, v19  }
0x90: {  	v40 =	vpop (erf);
	v30 =	vmul.f32 v13, v13;
	v13 =	vadd.f32 v13, v13;
	v42 =	vmul.f32 $2.000000030e-01, v61  }
0x91: {  	v18 =	vmul.f32 v40, v18;
	v41 =	vpop (erf);
	v32 =	vadd.f32 v10, v10;
	v10 =	vmul.f32 v10, v10  }
0x92: {  	v34 =	vmul.f32 $2.000000030e-01, v63;
	v31 =	vadd.f32 $3.333333430e-01, v31;
	v21 =	vmul.f32 v41, v21  }
0x93: {  	v33 =	vadd.f32 v19, v19;
	v19 =	vmul.f32 v19, v19;
	v36 =	vmul.f32 $2.000000030e-01, v30  }
0x94: {  	v28 =	vadd.f32 $3.333333430e-01, v42;
	v35 =	vadd.f32 v18, v18;
	v18 =	vmul.f32 v18, v18  }
0x95: {  	v38 =	vmul.f32 $2.000000030e-01, v10;
	v34 =	vadd.f32 $3.333333430e-01, v34;
	v27 =	vmul.f32 v31, v59  }
0x96: {  	v37 =	vadd.f32 v21, v21;
	v21 =	vmul.f32 v21, v21;
	v39 =	vmul.f32 $2.000000030e-01, v19  }
0x97: {  	v26 =	vmul.f32 v28, v61;
	v41 =	vmul.f32 $2.000000030e-01, v18;
	v43 =	vadd.f32 $3.333333430e-01, v38  }
0x98: {  	v36 =	vadd.f32 $3.333333430e-01, v36;
	v44 =	vmul.f32 v34, v63;
	v40 =	vmul.f32 $2.000000030e-01, v21  }
0x99: {  	v27 =	vadd.f32 $1.000000000e+00, v27;
	v46 =	vadd.f32 $3.333333430e-01, v39;
	v10 =	vmul.f32 v43, v10  }
0x9a: {  	v30 =	vmul.f32 v36, v30;
	v26 =	vadd.f32 $1.000000000e+00, v26;
	v47 =	vadd.f32 $3.333333430e-01, v40  }
0x9b: {  	v45 =	vadd.f32 $3.333333430e-01, v41;
	v11 =	vmul.f32 v27, v11;
	v10 =	vadd.f32 $1.000000000e+00, v10  }
0x9c: {  	v28 =	vadd.f32 $1.000000000e+00, v44;
	v19 =	vmul.f32 v46, v19;
	v21 =	vmul.f32 v47, v21  }
0x9d: {  	v30 =	vadd.f32 $1.000000000e+00, v30;
	v18 =	vmul.f32 v45, v18;
	v10 =	vmul.f32 v10, v32  }
0x9e: {  	v16 =	vmul.f32 v26, v16;
	v11 =	vadd.f32 v11, v20;
	v21 =	vadd.f32 $1.000000000e+00, v21  }
0x9f: {  	s1 =	sor.u32 $0x8010, s29;
	v17 =	vmul.f32 v28, v17;
	v18 =	vadd.f32 $1.000000000e+00, v18;
	v10 =	vadd.f32 v10, v23  }
0xa0: {  	s0 =	sor.u32 $0x8030, s29;
	v54 =	vld [tilespmem:s1+$0x0];
	v19 =	vadd.f32 $1.000000000e+00, v19;
	v13 =	vmul.f32 v30, v13;
	v49 =	vmul.f32 v21, v37  }
0xa1: {  	v50 =	vld [tilespmem:s0+$0x0];
	v14 =	vadd.f32 v16, v14;
	v51 =	vmul.f32 v18, v35;
	v11 =	vsub.f32 v11, v10  }
0xa2: {  	s31 =	sor.u32 $0x8020, s29;
	v19 =	vmul.f32 v19, v33;
	v12 =	vadd.f32 v13, v12;
	v16 =	vadd.f32 v49, v24  }
0xa3: {  	v52 =	vld [tilespmem:s31+$0x0];
	v15 =	vadd.f32 v17, v15;
	v13 =	vadd.f32 v51, v22;
	v5 =	vmul.f32 v11, v5  }
0xa4: {  	v58 =	vsel vm0, $0x3F800000, v0;
	v19 =	vadd.f32 v19, v25;
	v12 =	vsub.f32 v12, v16  }
0xa5: {  	v60 =	vmul.f32 v58, v54;
	v56 =	vsub.f32 v15, v13;
	v5 =	vadd.f32 v5, v10  }
0xa6: {  	v3 =	vadd.f32 v54, v3;
	v57 =	vmul.f32 v53, v50;
	v8 =	vmul.f32 v12, v8  }
0xa7: {  	v14 =	vsub.f32 v14, v19;
	v6 =	vmul.f32 v56, v6;
	v61 =	vmul.f32 v5, v9  }
0xa8: {  	v59 =	vmul.f32 v55, v52;
	v5 =	vmul.f32 v5, v48;
	v8 =	vadd.f32 v8, v16  }
0xa9: {  	v7 =	vmul.f32 v14, v7;
	v6 =	vadd.f32 v6, v13;
	v2 =	vadd.f32 v61, v2  }
0xaa: {  	s28 =	sadd.s32 $0x1, s28;
	v1 =	vadd.f32 v5, v1;
	v62 =	vmul.f32 v8, v60;
	v5 =	vmul.f32 v8, v54  }
0xab: {  	p0 =	sne.s32 s28, $0x20;
	v4 =	vadd.f32 v60, v4;
	v7 =	vadd.f32 v7, v19;
	v63 =	vmul.f32 v6, v59  }
.Ltmp1:
0xac: {  	v2 =	vadd.f32 v62, v2;
	v1 =	vadd.f32 v5, v1;
	v5 =	vmul.f32 v6, v52;
	(pc) =	sbr.rel @p0 .LBB2_2-.Ltmp1, $4  }
0xad: {  	v3 =	vadd.f32 v52, v3;
	v4 =	vadd.f32 v59, v4;
	v6 =	vmul.f32 v7, v57  }
0xae: {  	v2 =	vadd.f32 v63, v2;
	v1 =	vadd.f32 v5, v1;
	v5 =	vmul.f32 v7, v50  }
0xaf: {  	v3 =	vadd.f32 v50, v3;
	v4 =	vadd.f32 v57, v4  }
0xb0: {  	v2 =	vadd.f32 v6, v2;
	v1 =	vadd.f32 v5, v1  }
0xb1: {  	_ =	swait.ge [sflag:s23], $0x4000  }
0xb2: {  	[sflag:s23] =	ssyncset.done $0x0  }
0xb3: {  	[sflag:s23] =	ssyncadd.s32 $0xFFFFC000  }
0xb4: {  	_ =	swait.ge [sflag:s23], $0x4000  }
0xb5: {  	[sflag:s23] =	ssyncset.done $0x0  }
0xb6: {  	[sflag:s23] =	ssyncadd.s32 $0xFFFFC000  }
0xb7: {  	_ =	swait.ge [sflag:s23], $0x4000  }
0xb8: {  	[sflag:s23] =	ssyncset.done $0x0  }
0xb9: {  	s28 =	simm.s32 $0x0;
	[sflag:s23] =	ssyncadd.s32 $0xFFFFC000  }
0xba: {  	[tilespmem:s28], [sflag:$0x1] =	stream.linear.gather [hbm4b:s9+s28], $0x4000, $0x38;
	[tilespmem:$0x18200] =	vst v63  }
0xbb: {  	_ = 	snop  }
0xbc: {  	[tilespmem:s17], [sflag:$0x1] =	stream.linear.gather [hbm4b:s10+s28], $0x4000, $0x38;
	[tilespmem:$0x18200] =	vst v63  }
0xbd: {  	s29 =	simm.s32 $0x0  }
0xbe: {  	[tilespmem:s18], [sflag:$0x1] =	stream.linear.gather [hbm4b:s11+s28], $0x4000, $0x38;
	[tilespmem:$0x18200] =	vst v63  }
.LBB2_6:
0xbf: {  	s0 =	sshll.u32 s29, $0x9;
	s1 =	sshll.u32 s29, $0x7  }
0xc0: {  	s0 =	sand.u32 $0x3000, s0;
	s1 =	sand.u32 $0x380, s1  }
0xc1: {  	s31 =	sor.u32 s0, s1;
	s1 =	sand.u32 $0x40, s28  }
0xc2: {  	s17 =	sand.u32 $0xC00, s28;
	s0 =	sor.u32 s1, s31  }
0xc3: {  	s30 =	sor.u32 s17, s0  }
0xc4: {  	v5 =	vld [tilespmem:s30+$0x10000]  }
0xc5: {  	v9 =	vld [tilespmem:s30+$0xC000];
	s0 =	sor.u32 $0x10030, s30  }
0xc6: {  	s1 =	sor.u32 $0x10020, s30;
	v7 =	vld [tilespmem:s0+$0x0]  }
0xc7: {  	s24 =	sor.u32 $0x10010, s30;
	v6 =	vld [tilespmem:s1+$0x0]  }
0xc8: {  	s17 =	sor.u32 $0xC020, s30;
	v8 =	vld [tilespmem:s24+$0x0]  }
0xc9: {  	s1 =	sor.u32 $0xC030, s30;
	v12 =	vld [tilespmem:s17+$0x0]  }
0xca: {  	s24 =	sor.u32 $0xC010, s30;
	v11 =	vld [tilespmem:s1+$0x0]  }
0xcb: {  	v13 =	vld [tilespmem:s24+$0x0];
	vm3 =	vgt.f32 v5, $5.000000000e-01  }
0xcc: {  	v14 =	vshra.s32 v9, $0x17;
	v15 =	vand.u32 $0x7FFFFF, v9;
	v10 =	vsub.f32 $1.000000000e+00, v9  }
0xcd: {  	vm0 =	vgt.f32 v8, $5.000000000e-01;
	vm1 =	vgt.f32 v6, $5.000000000e-01;
	vm2 =	vgt.f32 v7, $5.000000000e-01  }
0xce: {  	v9 =	vsel vm3, $0x3F800000, v0;
	v16 =	vshra.s32 v12, $0x17;
	v20 =	vcvt.s32.f32 v14  }
0xcf: {  	v25 =	vand.u32 $0x7FFFFF, v12;
	v26 =	vor.u32 $0x3F800000, v15;
	v18 =	vsub.f32 $1.000000000e+00, v12  }
0xd0: {  	v17 =	vshra.s32 v11, $0x17;
	v21 =	vshra.s32 v13, $0x17;
	v22 =	vand.u32 $0x7FFFFF, v11  }
0xd1: {  	v24 =	vand.u32 $0x7FFFFF, v13;
	v19 =	vsub.f32 $1.000000000e+00, v11;
	v15 =	vcvt.s32.f32 v16  }
0xd2: {  	v11 =	vadd.f32 $-1.000000000e+00, v26;
	v23 =	vshra.s32 v10, $0x17;
	v14 =	vcvt.s32.f32 v17  }
0xd3: {  	v12 =	vcvt.s32.f32 v21;
	v21 =	vsub.f32 $1.000000000e+00, v13;
	v16 =	vor.u32 $0x3F800000, v22  }
0xd4: {  	s0 =	simm.s32 $0x0;
	s1 =	simm.s32 $0x40;
	v22 =	vadd.f32 $1.000000000e+00, v26;
	v13 =	vor.u32 $0x3F800000, v24;
	v17 =	vor.u32 $0x3F800000, v25  }
.LBB2_7:
0xd5: {  	p0 =	sne.s32 s1, $0x1C0;
	v24 =	vand.u32 $0x7FFFFF, v10;
	v25 =	vshra.s32 v18, $0x17;
	v26 =	vshra.s32 v19, $0x17  }
0xd6: {  	v10 =	vmul.f32 $6.931471820e-01, v20;
	v20 =	vcvt.s32.f32 v23;
	v23 =	vshra.s32 v21, $0x17  }
0xd7: {  	v27 =	vadd.f32 $1.000000000e+00, v17;
	v28 =	vadd.f32 $1.000000000e+00, v16;
	v19 =	vand.u32 $0x7FFFFF, v19  }
0xd8: {  	v29 =	vadd.f32 $1.000000000e+00, v13;
	v18 =	vand.u32 $0x7FFFFF, v18;
	(erf) = vrcp.f32 v22  }
0xd9: {  	v21 =	vand.u32 $0x7FFFFF, v21;
	v22 =	vor.u32 $0x3F800000, v24;
	(erf) = vrcp.f32 v28  }
0xda: {  	v19 =	vor.u32 $0x3F800000, v19;
	v24 =	vadd.f32 $1.000000000e+00, v22;
	(erf) = vrcp.f32 v27  }
0xdb: {  	v18 =	vor.u32 $0x3F800000, v18;
	v27 =	vadd.f32 $1.000000000e+00, v19;
	(erf) = vrcp.f32 v29  }
0xdc: {  	v21 =	vor.u32 $0x3F800000, v21;
	v28 =	vadd.f32 $1.000000000e+00, v18;
	(erf) = vrcp.f32 v24  }
0xdd: {  	v14 =	vmul.f32 $6.931471820e-01, v14;
	v24 =	vadd.f32 $1.000000000e+00, v21;
	(erf) = vrcp.f32 v27  }
0xde: {  	v15 =	vmul.f32 $6.931471820e-01, v15;
	v16 =	vadd.f32 $-1.000000000e+00, v16;
	(erf) = vrcp.f32 v28  }
0xdf: {  	v17 =	vadd.f32 $-1.000000000e+00, v17;
	v26 =	vcvt.s32.f32 v26;
	(erf) = vrcp.f32 v24  }
0xe0: {  	v13 =	vadd.f32 $-1.000000000e+00, v13;
	v12 =	vmul.f32 $6.931471820e-01, v12;
	v24 =	vcvt.s32.f32 v25  }
0xe1: {  	v23 =	vcvt.s32.f32 v23;
	v20 =	vmul.f32 $6.931471820e-01, v20;
	v22 =	vadd.f32 $-1.000000000e+00, v22;
	v25 =	vpop (erf)  }
0xe2: {  	v26 =	vmul.f32 $6.931471820e-01, v26;
	v19 =	vadd.f32 $-1.000000000e+00, v19;
	v24 =	vmul.f32 $6.931471820e-01, v24;
	v27 =	vpop (erf)  }
0xe3: {  	v23 =	vmul.f32 $6.931471820e-01, v23;
	v18 =	vadd.f32 $-1.000000000e+00, v18;
	v11 =	vmul.f32 v25, v11;
	v25 =	vpop (erf)  }
0xe4: {  	v21 =	vadd.f32 $-1.000000000e+00, v21;
	v16 =	vmul.f32 v27, v16;
	v17 =	vmul.f32 v25, v17;
	v25 =	vpop (erf)  }
0xe5: {  	v27 =	vmul.f32 v11, v11;
	v11 =	vadd.f32 v11, v11;
	v13 =	vmul.f32 v25, v13;
	v25 =	vpop (erf)  }
0xe6: {  	v22 =	vmul.f32 v25, v22;
	v25 =	vmul.f32 v16, v16;
	v16 =	vadd.f32 v16, v16;
	v28 =	vpop (erf)  }
0xe7: {  	v29 =	vmul.f32 v17, v17;
	v17 =	vadd.f32 v17, v17;
	v19 =	vmul.f32 v28, v19;
	v28 =	vpop (erf)  }
0xe8: {  	v30 =	vmul.f32 v13, v13;
	v13 =	vadd.f32 v13, v13;
	v18 =	vmul.f32 v28, v18;
	v28 =	vpop (erf)  }
0xe9: {  	v31 =	vmul.f32 $2.000000030e-01, v27;
	v32 =	vadd.f32 v22, v22;
	v21 =	vmul.f32 v28, v21  }
0xea: {  	v22 =	vmul.f32 v22, v22;
	v28 =	vmul.f32 $2.000000030e-01, v25;
	v33 =	vadd.f32 v19, v19  }
0xeb: {  	v34 =	vmul.f32 $2.000000030e-01, v29;
	v19 =	vmul.f32 v19, v19;
	v35 =	vadd.f32 v18, v18  }
0xec: {  	v36 =	vmul.f32 $2.000000030e-01, v30;
	v18 =	vmul.f32 v18, v18;
	v37 =	vadd.f32 v21, v21  }
0xed: {  	v31 =	vadd.f32 $3.333333430e-01, v31;
	v38 =	vmul.f32 $2.000000030e-01, v22;
	v21 =	vmul.f32 v21, v21  }
0xee: {  	v34 =	vadd.f32 $3.333333430e-01, v34;
	v28 =	vadd.f32 $3.333333430e-01, v28;
	v39 =	vmul.f32 $2.000000030e-01, v19  }
0xef: {  	v36 =	vadd.f32 $3.333333430e-01, v36;
	v41 =	vmul.f32 $2.000000030e-01, v18;
	v40 =	vmul.f32 $2.000000030e-01, v21  }
0xf0: {  	v27 =	vmul.f32 v31, v27;
	v31 =	vadd.f32 $3.333333430e-01, v38;
	v25 =	vmul.f32 v28, v25  }
0xf1: {  	v28 =	vmul.f32 v34, v29;
	v34 =	vadd.f32 $3.333333430e-01, v39;
	v29 =	vadd.f32 $3.333333430e-01, v41  }
0xf2: {  	v27 =	vadd.f32 $1.000000000e+00, v27;
	v30 =	vmul.f32 v36, v30;
	v36 =	vadd.f32 $3.333333430e-01, v40  }
0xf3: {  	v22 =	vmul.f32 v31, v22;
	v28 =	vadd.f32 $1.000000000e+00, v28;
	v25 =	vadd.f32 $1.000000000e+00, v25  }
0xf4: {  	v30 =	vadd.f32 $1.000000000e+00, v30;
	v19 =	vmul.f32 v34, v19;
	v18 =	vmul.f32 v29, v18  }
0xf5: {  	v11 =	vmul.f32 v27, v11;
	v22 =	vadd.f32 $1.000000000e+00, v22;
	v21 =	vmul.f32 v36, v21  }
0xf6: {  	v17 =	vmul.f32 v28, v17;
	v16 =	vmul.f32 v25, v16;
	v19 =	vadd.f32 $1.000000000e+00, v19  }
0xf7: {  	v13 =	vmul.f32 v30, v13;
	v18 =	vadd.f32 $1.000000000e+00, v18;
	v21 =	vadd.f32 $1.000000000e+00, v21  }
0xf8: {  	s24 =	sor.u32 $0x14030, s30;
	v10 =	vadd.f32 v11, v10;
	v11 =	vmul.f32 v22, v32;
	v14 =	vadd.f32 v16, v14;
	v25 =	vld [tilespmem:s30+$0x14000]  }
0xf9: {  	v15 =	vadd.f32 v17, v15;
	v19 =	vmul.f32 v19, v33;
	v16 =	vmul.f32 v21, v37;
	v17 =	vld [tilespmem:s24+$0x0]  }
0xfa: {  	v12 =	vadd.f32 v13, v12;
	v11 =	vadd.f32 v11, v20;
	v13 =	vmul.f32 v18, v35;
	s24 =	sor.u32 $0x14020, s30  }
0xfb: {  	v20 =	vsel vm2, $0x3F800000, v0;
	v19 =	vadd.f32 v19, v26;
	v16 =	vadd.f32 v16, v23;
	s30 =	sor.u32 $0x14010, s30;
	v18 =	vld [tilespmem:s24+$0x0]  }
0xfc: {  	v22 =	vsel vm1, $0x3F800000, v0;
	v10 =	vsub.f32 v10, v11;
	v13 =	vadd.f32 v13, v24;
	v21 =	vld [tilespmem:s30+$0x0]  }
0xfd: {  	v14 =	vsub.f32 v14, v19;
	v12 =	vsub.f32 v12, v16;
	v9 =	vmul.f32 v9, v25  }
0xfe: {  	v5 =	vmul.f32 v10, v5;
	v10 =	vsub.f32 v15, v13;
	v15 =	vmul.f32 v20, v17  }
0xff: {  	s0 =	sadd.s32 $0x200, s0;
	v7 =	vmul.f32 v14, v7;
	s24 =	sand.u32 $0x40, s1;
	v8 =	vmul.f32 v12, v8;
	v20 =	vsel vm0, $0x3F800000, v0  }
0x100: {  	v11 =	vadd.f32 v5, v11;
	v6 =	vmul.f32 v10, v6;
	s30 =	sand.u32 $0xC00, s0;
	s24 =	sor.u32 s24, s31;
	v12 =	vmul.f32 v22, v18  }
0x101: {  	v14 =	vadd.f32 v7, v19;
	s30 =	sor.u32 s30, s24;
	v8 =	vadd.f32 v8, v16;
	v10 =	vmul.f32 v20, v21  }
0x102: {  	v13 =	vadd.f32 v6, v13;
	v16 =	vmul.f32 v11, v9;
	v11 =	vmul.f32 v11, v25;
	v5 =	vld [tilespmem:s30+$0x10000]  }
0x103: {  	v3 =	vadd.f32 v25, v3;
	s24 =	sor.u32 $0x10030, s30;
	v4 =	vadd.f32 v9, v4;
	v19 =	vld [tilespmem:s30+$0xC000];
	v9 =	vmul.f32 v8, v10  }
0x104: {  	s17 =	sor.u32 $0x10020, s30;
	v2 =	vadd.f32 v16, v2;
	v1 =	vadd.f32 v11, v1;
	v11 =	vmul.f32 v8, v21;
	v7 =	vld [tilespmem:s24+$0x0]  }
0x105: {  	v3 =	vadd.f32 v21, v3;
	v4 =	vadd.f32 v10, v4;
	v10 =	vmul.f32 v13, v12;
	s24 =	sor.u32 $0x10010, s30;
	v6 =	vld [tilespmem:s17+$0x0]  }
0x106: {  	v1 =	vadd.f32 v11, v1;
	s17 =	sor.u32 $0xC030, s30;
	v2 =	vadd.f32 v9, v2;
	v9 =	vmul.f32 v13, v18;
	v8 =	vld [tilespmem:s24+$0x0]  }
0x107: {  	v3 =	vadd.f32 v18, v3;
	v4 =	vadd.f32 v12, v4;
	v12 =	vmul.f32 v14, v15;
	s24 =	sor.u32 $0xC020, s30;
	v11 =	vld [tilespmem:s17+$0x0]  }
0x108: {  	s17 =	sor.u32 $0xC010, s30;
	v2 =	vadd.f32 v10, v2;
	v1 =	vadd.f32 v9, v1;
	v9 =	vmul.f32 v14, v17;
	v13 =	vld [tilespmem:s24+$0x0]  }
0x109: {  	v3 =	vadd.f32 v17, v3;
	v4 =	vadd.f32 v15, v4;
	v16 =	vld [tilespmem:s17+$0x0]  }
0x10a: {  	vm3 =	vgt.f32 v5, $5.000000000e-01;
	v2 =	vadd.f32 v12, v2;
	v1 =	vadd.f32 v9, v1  }
0x10b: {  	v14 =	vand.u32 $0x7FFFFF, v19;
	v10 =	vsub.f32 $1.000000000e+00, v19;
	v12 =	vshra.s32 v19, $0x17  }
0x10c: {  	vm2 =	vgt.f32 v7, $5.000000000e-01;
	vm1 =	vgt.f32 v6, $5.000000000e-01;
	vm0 =	vgt.f32 v8, $5.000000000e-01  }
0x10d: {  	v9 =	vsel vm3, $0x3F800000, v0;
	v17 =	vshra.s32 v11, $0x17;
	v15 =	vshra.s32 v13, $0x17  }
0x10e: {  	v20 =	vcvt.s32.f32 v12;
	v22 =	vand.u32 $0x7FFFFF, v11;
	v12 =	vshra.s32 v16, $0x17  }
.Ltmp2:
0x10f: {  	v19 =	vsub.f32 $1.000000000e+00, v11;
	v25 =	vand.u32 $0x7FFFFF, v13;
	v24 =	vand.u32 $0x7FFFFF, v16;
	(pc) =	sbr.rel @p0 .LBB2_7-.Ltmp2, $4  }
0x110: {  	v26 =	vor.u32 $0x3F800000, v14;
	v18 =	vsub.f32 $1.000000000e+00, v13;
	v14 =	vcvt.s32.f32 v17  }
0x111: {  	v21 =	vsub.f32 $1.000000000e+00, v16;
	v15 =	vcvt.s32.f32 v15;
	v12 =	vcvt.s32.f32 v12  }
0x112: {  	v23 =	vshra.s32 v10, $0x17;
	v11 =	vadd.f32 $-1.000000000e+00, v26;
	v16 =	vor.u32 $0x3F800000, v22  }
0x113: {  	s1 =	sadd.s32 $0x40, s1;
	v22 =	vadd.f32 $1.000000000e+00, v26;
	v17 =	vor.u32 $0x3F800000, v25;
	v13 =	vor.u32 $0x3F800000, v24  }
0x114: {  	v10 =	vand.u32 $0x7FFFFF, v10;
	v24 =	vshra.s32 v18, $0x17;
	v25 =	vshra.s32 v19, $0x17  }
0x115: {  	v20 =	vmul.f32 $6.931471820e-01, v20;
	v23 =	vcvt.s32.f32 v23;
	v26 =	vshra.s32 v21, $0x17  }
0x116: {  	v27 =	vadd.f32 $1.000000000e+00, v17;
	v28 =	vadd.f32 $1.000000000e+00, v16;
	v43 =	vand.u32 $0x7FFFFF, v19  }
0x117: {  	v29 =	vadd.f32 $1.000000000e+00, v13;
	v44 =	vand.u32 $0x7FFFFF, v18;
	v45 =	vand.u32 $0x7FFFFF, v21  }
0x118: {  	v14 =	vmul.f32 $6.931471820e-01, v14;
	v15 =	vmul.f32 $6.931471820e-01, v15;
	v50 =	vadd.f32 $-1.000000000e+00, v16  }
0x119: {  	v51 =	vadd.f32 $-1.000000000e+00, v17;
	v52 =	vadd.f32 $-1.000000000e+00, v13;
	(erf) = vrcp.f32 v22  }
0x11a: {  	v12 =	vmul.f32 $6.931471820e-01, v12;
	v10 =	vor.u32 $0x3F800000, v10;
	(erf) = vrcp.f32 v28  }
0x11b: {  	v19 =	vor.u32 $0x3F800000, v43;
	v46 =	vadd.f32 $1.000000000e+00, v10;
	(erf) = vrcp.f32 v27  }
0x11c: {  	v18 =	vor.u32 $0x3F800000, v44;
	v47 =	vadd.f32 $1.000000000e+00, v19;
	(erf) = vrcp.f32 v29  }
0x11d: {  	v25 =	vcvt.s32.f32 v25;
	v48 =	vadd.f32 $1.000000000e+00, v18;
	(erf) = vrcp.f32 v46  }
0x11e: {  	v21 =	vor.u32 $0x3F800000, v45;
	v53 =	vcvt.s32.f32 v24;
	(erf) = vrcp.f32 v47  }
0x11f: {  	v54 =	vcvt.s32.f32 v26;
	v49 =	vadd.f32 $1.000000000e+00, v21;
	(erf) = vrcp.f32 v48;
	v48 =	vld [tilespmem:s30+$0x14000]  }
0x120: {  	v10 =	vadd.f32 $-1.000000000e+00, v10;
	v23 =	vmul.f32 $6.931471820e-01, v23;
	v19 =	vadd.f32 $-1.000000000e+00, v19  }
0x121: {  	v18 =	vadd.f32 $-1.000000000e+00, v18;
	v22 =	vmul.f32 $6.931471820e-01, v53;
	(erf) = vrcp.f32 v49  }
0x122: {  	v21 =	vadd.f32 $-1.000000000e+00, v21;
	v25 =	vmul.f32 $6.931471820e-01, v25;
	v24 =	vmul.f32 $6.931471820e-01, v54;
	v55 =	vpop (erf)  }
0x123: {  	v53 =	vsel vm2, $0x3F800000, v0;
	v56 =	vpop (erf);
	v11 =	vmul.f32 v55, v11;
	v55 =	vsel vm1, $0x3F800000, v0  }
0x124: {  	v57 =	vpop (erf);
	v16 =	vmul.f32 v56, v50;
	v9 =	vmul.f32 v9, v48;
	v3 =	vadd.f32 v48, v3  }
0x125: {  	v17 =	vmul.f32 v57, v51;
	v58 =	vpop (erf);
	v59 =	vmul.f32 v11, v11;
	v11 =	vadd.f32 v11, v11  }
0x126: {  	v13 =	vmul.f32 v58, v52;
	v60 =	vpop (erf);
	v61 =	vmul.f32 v16, v16;
	v16 =	vadd.f32 v16, v16  }
0x127: {  	v4 =	vadd.f32 v9, v4;
	v10 =	vmul.f32 v60, v10;
	v62 =	vpop (erf);
	v63 =	vmul.f32 v17, v17  }
0x128: {  	v17 =	vadd.f32 v17, v17;
	v31 =	vmul.f32 $2.000000030e-01, v59;
	v19 =	vmul.f32 v62, v19  }
0x129: {  	v40 =	vpop (erf);
	v30 =	vmul.f32 v13, v13;
	v13 =	vadd.f32 v13, v13;
	v42 =	vmul.f32 $2.000000030e-01, v61  }
0x12a: {  	v18 =	vmul.f32 v40, v18;
	v41 =	vpop (erf);
	v32 =	vadd.f32 v10, v10;
	v10 =	vmul.f32 v10, v10  }
0x12b: {  	v34 =	vmul.f32 $2.000000030e-01, v63;
	v31 =	vadd.f32 $3.333333430e-01, v31;
	v21 =	vmul.f32 v41, v21  }
0x12c: {  	v33 =	vadd.f32 v19, v19;
	v19 =	vmul.f32 v19, v19;
	v36 =	vmul.f32 $2.000000030e-01, v30  }
0x12d: {  	v28 =	vadd.f32 $3.333333430e-01, v42;
	v35 =	vadd.f32 v18, v18;
	v18 =	vmul.f32 v18, v18  }
0x12e: {  	v38 =	vmul.f32 $2.000000030e-01, v10;
	v34 =	vadd.f32 $3.333333430e-01, v34;
	v27 =	vmul.f32 v31, v59  }
0x12f: {  	v37 =	vadd.f32 v21, v21;
	v21 =	vmul.f32 v21, v21;
	v39 =	vmul.f32 $2.000000030e-01, v19  }
0x130: {  	v26 =	vmul.f32 v28, v61;
	v41 =	vmul.f32 $2.000000030e-01, v18;
	v43 =	vadd.f32 $3.333333430e-01, v38  }
0x131: {  	v36 =	vadd.f32 $3.333333430e-01, v36;
	v44 =	vmul.f32 v34, v63;
	v40 =	vmul.f32 $2.000000030e-01, v21  }
0x132: {  	v27 =	vadd.f32 $1.000000000e+00, v27;
	v46 =	vadd.f32 $3.333333430e-01, v39;
	v10 =	vmul.f32 v43, v10  }
0x133: {  	v30 =	vmul.f32 v36, v30;
	v26 =	vadd.f32 $1.000000000e+00, v26;
	v47 =	vadd.f32 $3.333333430e-01, v40  }
0x134: {  	v45 =	vadd.f32 $3.333333430e-01, v41;
	v11 =	vmul.f32 v27, v11;
	v10 =	vadd.f32 $1.000000000e+00, v10  }
0x135: {  	v28 =	vadd.f32 $1.000000000e+00, v44;
	v19 =	vmul.f32 v46, v19;
	v21 =	vmul.f32 v47, v21  }
0x136: {  	v30 =	vadd.f32 $1.000000000e+00, v30;
	v18 =	vmul.f32 v45, v18;
	v10 =	vmul.f32 v10, v32  }
0x137: {  	v16 =	vmul.f32 v26, v16;
	v11 =	vadd.f32 v11, v20;
	v21 =	vadd.f32 $1.000000000e+00, v21  }
0x138: {  	s1 =	sor.u32 $0x14010, s30;
	v17 =	vmul.f32 v28, v17;
	v18 =	vadd.f32 $1.000000000e+00, v18;
	v10 =	vadd.f32 v10, v23  }
0x139: {  	s0 =	sor.u32 $0x14030, s30;
	v54 =	vld [tilespmem:s1+$0x0];
	v19 =	vadd.f32 $1.000000000e+00, v19;
	v13 =	vmul.f32 v30, v13;
	v49 =	vmul.f32 v21, v37  }
0x13a: {  	v50 =	vld [tilespmem:s0+$0x0];
	v14 =	vadd.f32 v16, v14;
	v51 =	vmul.f32 v18, v35;
	v11 =	vsub.f32 v11, v10  }
0x13b: {  	s31 =	sor.u32 $0x14020, s30;
	v19 =	vmul.f32 v19, v33;
	v12 =	vadd.f32 v13, v12;
	v16 =	vadd.f32 v49, v24  }
0x13c: {  	v52 =	vld [tilespmem:s31+$0x0];
	v15 =	vadd.f32 v17, v15;
	v13 =	vadd.f32 v51, v22;
	v5 =	vmul.f32 v11, v5  }
0x13d: {  	v58 =	vsel vm0, $0x3F800000, v0;
	v19 =	vadd.f32 v19, v25;
	v12 =	vsub.f32 v12, v16  }
0x13e: {  	v60 =	vmul.f32 v58, v54;
	v56 =	vsub.f32 v15, v13;
	v5 =	vadd.f32 v5, v10  }
0x13f: {  	v3 =	vadd.f32 v54, v3;
	v57 =	vmul.f32 v53, v50;
	v8 =	vmul.f32 v12, v8  }
0x140: {  	v14 =	vsub.f32 v14, v19;
	v6 =	vmul.f32 v56, v6;
	v61 =	vmul.f32 v5, v9  }
0x141: {  	v59 =	vmul.f32 v55, v52;
	v5 =	vmul.f32 v5, v48;
	v8 =	vadd.f32 v8, v16  }
0x142: {  	v7 =	vmul.f32 v14, v7;
	v6 =	vadd.f32 v6, v13;
	v2 =	vadd.f32 v61, v2  }
0x143: {  	s29 =	sadd.s32 $0x1, s29;
	v1 =	vadd.f32 v5, v1;
	v62 =	vmul.f32 v8, v60;
	v5 =	vmul.f32 v8, v54  }
0x144: {  	p0 =	sne.s32 s29, $0x20;
	v4 =	vadd.f32 v60, v4;
	v7 =	vadd.f32 v7, v19;
	v63 =	vmul.f32 v6, v59  }
.Ltmp3:
0x145: {  	v2 =	vadd.f32 v62, v2;
	v1 =	vadd.f32 v5, v1;
	v5 =	vmul.f32 v6, v52;
	(pc) =	sbr.rel @p0 .LBB2_6-.Ltmp3, $4  }
0x146: {  	v3 =	vadd.f32 v52, v3;
	v4 =	vadd.f32 v59, v4;
	v6 =	vmul.f32 v7, v57  }
0x147: {  	v2 =	vadd.f32 v63, v2;
	v1 =	vadd.f32 v5, v1;
	v5 =	vmul.f32 v7, v50  }
0x148: {  	v3 =	vadd.f32 v50, v3;
	v4 =	vadd.f32 v57, v4  }
0x149: {  	v2 =	vadd.f32 v6, v2;
	v1 =	vadd.f32 v5, v1  }
0x14a: {  	_ =	swait.ge [sflag:s19], $0x4000  }
0x14b: {  	[sflag:s19] =	ssyncset.done $0x0  }
0x14c: {  	[sflag:s19] =	ssyncadd.s32 $0xFFFFC000  }
0x14d: {  	_ =	swait.ge [sflag:s19], $0x4000  }
0x14e: {  	[sflag:s19] =	ssyncset.done $0x0  }
0x14f: {  	[sflag:s19] =	ssyncadd.s32 $0xFFFFC000  }
0x150: {  	_ =	swait.ge [sflag:s19], $0x4000  }
0x151: {  	[sflag:s19] =	ssyncset.done $0x0  }
0x152: {  	s28 =	simm.s32 $0x0;
	[sflag:s19] =	ssyncadd.s32 $0xFFFFC000  }
0x153: {  	[tilespmem:s20], [sflag:$0x2] =	stream.linear.gather [hbm4b:s12+s28], $0x4000, $0x38;
	[tilespmem:$0x18200] =	vst v63  }
0x154: {  	_ = 	snop  }
0x155: {  	[tilespmem:s21], [sflag:$0x2] =	stream.linear.gather [hbm4b:s13+s28], $0x4000, $0x38;
	[tilespmem:$0x18200] =	vst v63  }
0x156: {  	s29 =	simm.s32 $0x0  }
0x157: {  	[tilespmem:s22], [sflag:$0x2] =	stream.linear.gather [hbm4b:s14+s28], $0x4000, $0x38;
	[tilespmem:$0x18200] =	vst v63  }
.LBB2_10:
0x158: {  	s0 =	sshll.u32 s29, $0x9;
	s1 =	sshll.u32 s29, $0x7  }
0x159: {  	s0 =	sand.u32 $0x3000, s0;
	s1 =	sand.u32 $0x380, s1  }
0x15a: {  	s31 =	sor.u32 s0, s1;
	s1 =	sand.u32 $0x40, s28  }
0x15b: {  	s17 =	sand.u32 $0xC00, s28;
	s0 =	sor.u32 s1, s31  }
0x15c: {  	s30 =	sor.u32 s17, s0  }
0x15d: {  	v5 =	vld [tilespmem:s30+$0x4000]  }
0x15e: {  	v9 =	vld [tilespmem:s30+$0x0];
	s0 =	sor.u32 $0x4030, s30  }
0x15f: {  	s1 =	sor.u32 $0x4020, s30;
	v7 =	vld [tilespmem:s0+$0x0]  }
0x160: {  	s24 =	sor.u32 $0x4010, s30;
	v6 =	vld [tilespmem:s1+$0x0]  }
0x161: {  	s17 =	sor.u32 $0x20, s30;
	v8 =	vld [tilespmem:s24+$0x0]  }
0x162: {  	s1 =	sor.u32 $0x30, s30;
	v12 =	vld [tilespmem:s17+$0x0]  }
0x163: {  	s24 =	sor.u32 $0x10, s30;
	v11 =	vld [tilespmem:s1+$0x0]  }
0x164: {  	v13 =	vld [tilespmem:s24+$0x0];
	vm3 =	vgt.f32 v5, $5.000000000e-01  }
0x165: {  	v14 =	vshra.s32 v9, $0x17;
	v15 =	vand.u32 $0x7FFFFF, v9;
	v10 =	vsub.f32 $1.000000000e+00, v9  }
0x166: {  	vm0 =	vgt.f32 v8, $5.000000000e-01;
	vm1 =	vgt.f32 v6, $5.000000000e-01;
	vm2 =	vgt.f32 v7, $5.000000000e-01  }
0x167: {  	v9 =	vsel vm3, $0x3F800000, v0;
	v16 =	vshra.s32 v12, $0x17;
	v20 =	vcvt.s32.f32 v14  }
0x168: {  	v25 =	vand.u32 $0x7FFFFF, v12;
	v26 =	vor.u32 $0x3F800000, v15;
	v18 =	vsub.f32 $1.000000000e+00, v12  }
0x169: {  	v17 =	vshra.s32 v11, $0x17;
	v21 =	vshra.s32 v13, $0x17;
	v22 =	vand.u32 $0x7FFFFF, v11  }
0x16a: {  	v24 =	vand.u32 $0x7FFFFF, v13;
	v19 =	vsub.f32 $1.000000000e+00, v11;
	v15 =	vcvt.s32.f32 v16  }
0x16b: {  	v11 =	vadd.f32 $-1.000000000e+00, v26;
	v23 =	vshra.s32 v10, $0x17;
	v14 =	vcvt.s32.f32 v17  }
0x16c: {  	v12 =	vcvt.s32.f32 v21;
	v21 =	vsub.f32 $1.000000000e+00, v13;
	v16 =	vor.u32 $0x3F800000, v22  }
0x16d: {  	s0 =	simm.s32 $0x0;
	s1 =	simm.s32 $0x40;
	v22 =	vadd.f32 $1.000000000e+00, v26;
	v13 =	vor.u32 $0x3F800000, v24;
	v17 =	vor.u32 $0x3F800000, v25  }
.LBB2_11:
0x16e: {  	p0 =	sne.s32 s1, $0x1C0;
	v24 =	vand.u32 $0x7FFFFF, v10;
	v25 =	vshra.s32 v18, $0x17;
	v26 =	vshra.s32 v19, $0x17  }
0x16f: {  	v10 =	vmul.f32 $6.931471820e-01, v20;
	v20 =	vcvt.s32.f32 v23;
	v23 =	vshra.s32 v21, $0x17  }
0x170: {  	v27 =	vadd.f32 $1.000000000e+00, v17;
	v28 =	vadd.f32 $1.000000000e+00, v16;
	v19 =	vand.u32 $0x7FFFFF, v19  }
0x171: {  	v29 =	vadd.f32 $1.000000000e+00, v13;
	v18 =	vand.u32 $0x7FFFFF, v18;
	(erf) = vrcp.f32 v22  }
0x172: {  	v21 =	vand.u32 $0x7FFFFF, v21;
	v22 =	vor.u32 $0x3F800000, v24;
	(erf) = vrcp.f32 v28  }
0x173: {  	v19 =	vor.u32 $0x3F800000, v19;
	v24 =	vadd.f32 $1.000000000e+00, v22;
	(erf) = vrcp.f32 v27  }
0x174: {  	v18 =	vor.u32 $0x3F800000, v18;
	v27 =	vadd.f32 $1.000000000e+00, v19;
	(erf) = vrcp.f32 v29  }
0x175: {  	v21 =	vor.u32 $0x3F800000, v21;
	v28 =	vadd.f32 $1.000000000e+00, v18;
	(erf) = vrcp.f32 v24  }
0x176: {  	v14 =	vmul.f32 $6.931471820e-01, v14;
	v24 =	vadd.f32 $1.000000000e+00, v21;
	(erf) = vrcp.f32 v27  }
0x177: {  	v15 =	vmul.f32 $6.931471820e-01, v15;
	v16 =	vadd.f32 $-1.000000000e+00, v16;
	(erf) = vrcp.f32 v28  }
0x178: {  	v17 =	vadd.f32 $-1.000000000e+00, v17;
	v26 =	vcvt.s32.f32 v26;
	(erf) = vrcp.f32 v24  }
0x179: {  	v13 =	vadd.f32 $-1.000000000e+00, v13;
	v12 =	vmul.f32 $6.931471820e-01, v12;
	v24 =	vcvt.s32.f32 v25  }
0x17a: {  	v23 =	vcvt.s32.f32 v23;
	v20 =	vmul.f32 $6.931471820e-01, v20;
	v22 =	vadd.f32 $-1.000000000e+00, v22;
	v25 =	vpop (erf)  }
0x17b: {  	v26 =	vmul.f32 $6.931471820e-01, v26;
	v19 =	vadd.f32 $-1.000000000e+00, v19;
	v24 =	vmul.f32 $6.931471820e-01, v24;
	v27 =	vpop (erf)  }
0x17c: {  	v23 =	vmul.f32 $6.931471820e-01, v23;
	v18 =	vadd.f32 $-1.000000000e+00, v18;
	v11 =	vmul.f32 v25, v11;
	v25 =	vpop (erf)  }
0x17d: {  	v21 =	vadd.f32 $-1.000000000e+00, v21;
	v16 =	vmul.f32 v27, v16;
	v17 =	vmul.f32 v25, v17;
	v25 =	vpop (erf)  }
0x17e: {  	v27 =	vmul.f32 v11, v11;
	v11 =	vadd.f32 v11, v11;
	v13 =	vmul.f32 v25, v13;
	v25 =	vpop (erf)  }
0x17f: {  	v22 =	vmul.f32 v25, v22;
	v25 =	vmul.f32 v16, v16;
	v16 =	vadd.f32 v16, v16;
	v28 =	vpop (erf)  }
0x180: {  	v29 =	vmul.f32 v17, v17;
	v17 =	vadd.f32 v17, v17;
	v19 =	vmul.f32 v28, v19;
	v28 =	vpop (erf)  }
0x181: {  	v30 =	vmul.f32 v13, v13;
	v13 =	vadd.f32 v13, v13;
	v18 =	vmul.f32 v28, v18;
	v28 =	vpop (erf)  }
0x182: {  	v31 =	vmul.f32 $2.000000030e-01, v27;
	v32 =	vadd.f32 v22, v22;
	v21 =	vmul.f32 v28, v21  }
0x183: {  	v22 =	vmul.f32 v22, v22;
	v28 =	vmul.f32 $2.000000030e-01, v25;
	v33 =	vadd.f32 v19, v19  }
0x184: {  	v34 =	vmul.f32 $2.000000030e-01, v29;
	v19 =	vmul.f32 v19, v19;
	v35 =	vadd.f32 v18, v18  }
0x185: {  	v36 =	vmul.f32 $2.000000030e-01, v30;
	v18 =	vmul.f32 v18, v18;
	v37 =	vadd.f32 v21, v21  }
0x186: {  	v31 =	vadd.f32 $3.333333430e-01, v31;
	v38 =	vmul.f32 $2.000000030e-01, v22;
	v21 =	vmul.f32 v21, v21  }
0x187: {  	v34 =	vadd.f32 $3.333333430e-01, v34;
	v28 =	vadd.f32 $3.333333430e-01, v28;
	v39 =	vmul.f32 $2.000000030e-01, v19  }
0x188: {  	v36 =	vadd.f32 $3.333333430e-01, v36;
	v41 =	vmul.f32 $2.000000030e-01, v18;
	v40 =	vmul.f32 $2.000000030e-01, v21  }
0x189: {  	v27 =	vmul.f32 v31, v27;
	v31 =	vadd.f32 $3.333333430e-01, v38;
	v25 =	vmul.f32 v28, v25  }
0x18a: {  	v28 =	vmul.f32 v34, v29;
	v34 =	vadd.f32 $3.333333430e-01, v39;
	v29 =	vadd.f32 $3.333333430e-01, v41  }
0x18b: {  	v27 =	vadd.f32 $1.000000000e+00, v27;
	v30 =	vmul.f32 v36, v30;
	v36 =	vadd.f32 $3.333333430e-01, v40  }
0x18c: {  	v22 =	vmul.f32 v31, v22;
	v28 =	vadd.f32 $1.000000000e+00, v28;
	v25 =	vadd.f32 $1.000000000e+00, v25  }
0x18d: {  	v30 =	vadd.f32 $1.000000000e+00, v30;
	v19 =	vmul.f32 v34, v19;
	v18 =	vmul.f32 v29, v18  }
0x18e: {  	v11 =	vmul.f32 v27, v11;
	v22 =	vadd.f32 $1.000000000e+00, v22;
	v21 =	vmul.f32 v36, v21  }
0x18f: {  	v17 =	vmul.f32 v28, v17;
	v16 =	vmul.f32 v25, v16;
	v19 =	vadd.f32 $1.000000000e+00, v19  }
0x190: {  	v13 =	vmul.f32 v30, v13;
	v18 =	vadd.f32 $1.000000000e+00, v18;
	v21 =	vadd.f32 $1.000000000e+00, v21  }
0x191: {  	s17 =	sor.u32 $0x8030, s30;
	v10 =	vadd.f32 v11, v10;
	v11 =	vmul.f32 v22, v32;
	v14 =	vadd.f32 v16, v14;
	v25 =	vld [tilespmem:s30+$0x8000]  }
0x192: {  	v15 =	vadd.f32 v17, v15;
	v19 =	vmul.f32 v19, v33;
	v16 =	vmul.f32 v21, v37;
	v17 =	vld [tilespmem:s17+$0x0]  }
0x193: {  	v12 =	vadd.f32 v13, v12;
	v11 =	vadd.f32 v11, v20;
	v13 =	vmul.f32 v18, v35;
	s17 =	sor.u32 $0x8020, s30  }
0x194: {  	s24 =	sor.u32 $0x8010, s30;
	v20 =	vsel vm2, $0x3F800000, v0;
	v19 =	vadd.f32 v19, v26;
	v16 =	vadd.f32 v16, v23;
	v18 =	vld [tilespmem:s17+$0x0]  }
0x195: {  	v22 =	vsel vm1, $0x3F800000, v0;
	v10 =	vsub.f32 v10, v11;
	v13 =	vadd.f32 v13, v24;
	v21 =	vld [tilespmem:s24+$0x0]  }
0x196: {  	v14 =	vsub.f32 v14, v19;
	v12 =	vsub.f32 v12, v16;
	v9 =	vmul.f32 v9, v25  }
0x197: {  	v5 =	vmul.f32 v10, v5;
	v10 =	vsub.f32 v15, v13;
	v15 =	vmul.f32 v20, v17  }
0x198: {  	s0 =	sadd.s32 $0x200, s0;
	v7 =	vmul.f32 v14, v7;
	s17 =	sand.u32 $0x40, s1;
	v8 =	vmul.f32 v12, v8;
	v20 =	vsel vm0, $0x3F800000, v0  }
0x199: {  	v11 =	vadd.f32 v5, v11;
	v6 =	vmul.f32 v10, v6;
	s24 =	sand.u32 $0xC00, s0;
	s17 =	sor.u32 s17, s31;
	v12 =	vmul.f32 v22, v18  }
0x19a: {  	v14 =	vadd.f32 v7, v19;
	s30 =	sor.u32 s24, s17;
	v8 =	vadd.f32 v8, v16;
	v10 =	vmul.f32 v20, v21  }
0x19b: {  	v13 =	vadd.f32 v6, v13;
	v16 =	vmul.f32 v11, v9;
	v11 =	vmul.f32 v11, v25;
	v5 =	vld [tilespmem:s30+$0x4000]  }
0x19c: {  	v3 =	vadd.f32 v25, v3;
	s17 =	sor.u32 $0x4030, s30;
	v4 =	vadd.f32 v9, v4;
	v19 =	vld [tilespmem:s30+$0x0];
	v9 =	vmul.f32 v8, v10  }
0x19d: {  	s24 =	sor.u32 $0x4020, s30;
	v2 =	vadd.f32 v16, v2;
	v1 =	vadd.f32 v11, v1;
	v11 =	vmul.f32 v8, v21;
	v7 =	vld [tilespmem:s17+$0x0]  }
0x19e: {  	v3 =	vadd.f32 v21, v3;
	v4 =	vadd.f32 v10, v4;
	v10 =	vmul.f32 v13, v12;
	s17 =	sor.u32 $0x4010, s30;
	v6 =	vld [tilespmem:s24+$0x0]  }
0x19f: {  	v1 =	vadd.f32 v11, v1;
	v2 =	vadd.f32 v9, v2;
	v9 =	vmul.f32 v13, v18;
	v8 =	vld [tilespmem:s17+$0x0];
	s17 =	sor.u32 $0x30, s30  }
0x1a0: {  	v3 =	vadd.f32 v18, v3;
	s24 =	sor.u32 $0x20, s30;
	v4 =	vadd.f32 v12, v4;
	v12 =	vmul.f32 v14, v15;
	v11 =	vld [tilespmem:s17+$0x0]  }
0x1a1: {  	s17 =	sor.u32 $0x10, s30;
	v2 =	vadd.f32 v10, v2;
	v1 =	vadd.f32 v9, v1;
	v9 =	vmul.f32 v14, v17;
	v13 =	vld [tilespmem:s24+$0x0]  }
0x1a2: {  	v3 =	vadd.f32 v17, v3;
	v4 =	vadd.f32 v15, v4;
	v16 =	vld [tilespmem:s17+$0x0]  }
0x1a3: {  	vm3 =	vgt.f32 v5, $5.000000000e-01;
	v2 =	vadd.f32 v12, v2;
	v1 =	vadd.f32 v9, v1  }
0x1a4: {  	v14 =	vand.u32 $0x7FFFFF, v19;
	v10 =	vsub.f32 $1.000000000e+00, v19;
	v12 =	vshra.s32 v19, $0x17  }
0x1a5: {  	vm2 =	vgt.f32 v7, $5.000000000e-01;
	vm1 =	vgt.f32 v6, $5.000000000e-01;
	vm0 =	vgt.f32 v8, $5.000000000e-01  }
0x1a6: {  	v9 =	vsel vm3, $0x3F800000, v0;
	v17 =	vshra.s32 v11, $0x17;
	v15 =	vshra.s32 v13, $0x17  }
0x1a7: {  	v20 =	vcvt.s32.f32 v12;
	v22 =	vand.u32 $0x7FFFFF, v11;
	v12 =	vshra.s32 v16, $0x17  }
.Ltmp4:
0x1a8: {  	v19 =	vsub.f32 $1.000000000e+00, v11;
	v25 =	vand.u32 $0x7FFFFF, v13;
	v24 =	vand.u32 $0x7FFFFF, v16;
	(pc) =	sbr.rel @p0 .LBB2_11-.Ltmp4, $4  }
0x1a9: {  	v26 =	vor.u32 $0x3F800000, v14;
	v18 =	vsub.f32 $1.000000000e+00, v13;
	v14 =	vcvt.s32.f32 v17  }
0x1aa: {  	v21 =	vsub.f32 $1.000000000e+00, v16;
	v15 =	vcvt.s32.f32 v15;
	v12 =	vcvt.s32.f32 v12  }
0x1ab: {  	v23 =	vshra.s32 v10, $0x17;
	v11 =	vadd.f32 $-1.000000000e+00, v26;
	v16 =	vor.u32 $0x3F800000, v22  }
0x1ac: {  	s1 =	sadd.s32 $0x40, s1;
	v22 =	vadd.f32 $1.000000000e+00, v26;
	v17 =	vor.u32 $0x3F800000, v25;
	v13 =	vor.u32 $0x3F800000, v24  }
0x1ad: {  	v10 =	vand.u32 $0x7FFFFF, v10;
	v24 =	vshra.s32 v18, $0x17;
	v25 =	vshra.s32 v19, $0x17  }
0x1ae: {  	v20 =	vmul.f32 $6.931471820e-01, v20;
	v23 =	vcvt.s32.f32 v23;
	v26 =	vshra.s32 v21, $0x17  }
0x1af: {  	v27 =	vadd.f32 $1.000000000e+00, v17;
	v28 =	vadd.f32 $1.000000000e+00, v16;
	v43 =	vand.u32 $0x7FFFFF, v19  }
0x1b0: {  	v29 =	vadd.f32 $1.000000000e+00, v13;
	v44 =	vand.u32 $0x7FFFFF, v18;
	v45 =	vand.u32 $0x7FFFFF, v21  }
0x1b1: {  	v14 =	vmul.f32 $6.931471820e-01, v14;
	v15 =	vmul.f32 $6.931471820e-01, v15;
	v50 =	vadd.f32 $-1.000000000e+00, v16  }
0x1b2: {  	v51 =	vadd.f32 $-1.000000000e+00, v17;
	v52 =	vadd.f32 $-1.000000000e+00, v13;
	(erf) = vrcp.f32 v22  }
0x1b3: {  	v12 =	vmul.f32 $6.931471820e-01, v12;
	v10 =	vor.u32 $0x3F800000, v10;
	(erf) = vrcp.f32 v28  }
0x1b4: {  	v19 =	vor.u32 $0x3F800000, v43;
	v46 =	vadd.f32 $1.000000000e+00, v10;
	(erf) = vrcp.f32 v27  }
0x1b5: {  	v18 =	vor.u32 $0x3F800000, v44;
	v47 =	vadd.f32 $1.000000000e+00, v19;
	(erf) = vrcp.f32 v29  }
0x1b6: {  	v25 =	vcvt.s32.f32 v25;
	v48 =	vadd.f32 $1.000000000e+00, v18;
	(erf) = vrcp.f32 v46  }
0x1b7: {  	v21 =	vor.u32 $0x3F800000, v45;
	v53 =	vcvt.s32.f32 v24;
	(erf) = vrcp.f32 v47  }
0x1b8: {  	v54 =	vcvt.s32.f32 v26;
	v49 =	vadd.f32 $1.000000000e+00, v21;
	(erf) = vrcp.f32 v48;
	v48 =	vld [tilespmem:s30+$0x8000]  }
0x1b9: {  	v10 =	vadd.f32 $-1.000000000e+00, v10;
	v23 =	vmul.f32 $6.931471820e-01, v23;
	v19 =	vadd.f32 $-1.000000000e+00, v19  }
0x1ba: {  	v18 =	vadd.f32 $-1.000000000e+00, v18;
	v22 =	vmul.f32 $6.931471820e-01, v53;
	(erf) = vrcp.f32 v49  }
0x1bb: {  	v21 =	vadd.f32 $-1.000000000e+00, v21;
	v25 =	vmul.f32 $6.931471820e-01, v25;
	v24 =	vmul.f32 $6.931471820e-01, v54;
	v55 =	vpop (erf)  }
0x1bc: {  	v53 =	vsel vm2, $0x3F800000, v0;
	v56 =	vpop (erf);
	v11 =	vmul.f32 v55, v11;
	v55 =	vsel vm1, $0x3F800000, v0  }
0x1bd: {  	v57 =	vpop (erf);
	v16 =	vmul.f32 v56, v50;
	v9 =	vmul.f32 v9, v48;
	v3 =	vadd.f32 v48, v3  }
0x1be: {  	v17 =	vmul.f32 v57, v51;
	v58 =	vpop (erf);
	v59 =	vmul.f32 v11, v11;
	v11 =	vadd.f32 v11, v11  }
0x1bf: {  	v13 =	vmul.f32 v58, v52;
	v60 =	vpop (erf);
	v61 =	vmul.f32 v16, v16;
	v16 =	vadd.f32 v16, v16  }
0x1c0: {  	v4 =	vadd.f32 v9, v4;
	v10 =	vmul.f32 v60, v10;
	v62 =	vpop (erf);
	v63 =	vmul.f32 v17, v17  }
0x1c1: {  	v17 =	vadd.f32 v17, v17;
	v31 =	vmul.f32 $2.000000030e-01, v59;
	v19 =	vmul.f32 v62, v19  }
0x1c2: {  	v40 =	vpop (erf);
	v30 =	vmul.f32 v13, v13;
	v13 =	vadd.f32 v13, v13;
	v42 =	vmul.f32 $2.000000030e-01, v61  }
0x1c3: {  	v18 =	vmul.f32 v40, v18;
	v41 =	vpop (erf);
	v32 =	vadd.f32 v10, v10;
	v10 =	vmul.f32 v10, v10  }
0x1c4: {  	v34 =	vmul.f32 $2.000000030e-01, v63;
	v31 =	vadd.f32 $3.333333430e-01, v31;
	v21 =	vmul.f32 v41, v21  }
0x1c5: {  	v33 =	vadd.f32 v19, v19;
	v19 =	vmul.f32 v19, v19;
	v36 =	vmul.f32 $2.000000030e-01, v30  }
0x1c6: {  	v28 =	vadd.f32 $3.333333430e-01, v42;
	v35 =	vadd.f32 v18, v18;
	v18 =	vmul.f32 v18, v18  }
0x1c7: {  	v38 =	vmul.f32 $2.000000030e-01, v10;
	v34 =	vadd.f32 $3.333333430e-01, v34;
	v27 =	vmul.f32 v31, v59  }
0x1c8: {  	v37 =	vadd.f32 v21, v21;
	v21 =	vmul.f32 v21, v21;
	v39 =	vmul.f32 $2.000000030e-01, v19  }
0x1c9: {  	v26 =	vmul.f32 v28, v61;
	v41 =	vmul.f32 $2.000000030e-01, v18;
	v43 =	vadd.f32 $3.333333430e-01, v38  }
0x1ca: {  	v36 =	vadd.f32 $3.333333430e-01, v36;
	v44 =	vmul.f32 v34, v63;
	v40 =	vmul.f32 $2.000000030e-01, v21  }
0x1cb: {  	v27 =	vadd.f32 $1.000000000e+00, v27;
	v46 =	vadd.f32 $3.333333430e-01, v39;
	v10 =	vmul.f32 v43, v10  }
0x1cc: {  	v30 =	vmul.f32 v36, v30;
	v26 =	vadd.f32 $1.000000000e+00, v26;
	v47 =	vadd.f32 $3.333333430e-01, v40  }
0x1cd: {  	v45 =	vadd.f32 $3.333333430e-01, v41;
	v11 =	vmul.f32 v27, v11;
	v10 =	vadd.f32 $1.000000000e+00, v10  }
0x1ce: {  	v28 =	vadd.f32 $1.000000000e+00, v44;
	v19 =	vmul.f32 v46, v19;
	v21 =	vmul.f32 v47, v21  }
0x1cf: {  	v30 =	vadd.f32 $1.000000000e+00, v30;
	v18 =	vmul.f32 v45, v18;
	v10 =	vmul.f32 v10, v32  }
0x1d0: {  	v16 =	vmul.f32 v26, v16;
	v11 =	vadd.f32 v11, v20;
	v21 =	vadd.f32 $1.000000000e+00, v21  }
0x1d1: {  	s1 =	sor.u32 $0x8010, s30;
	v17 =	vmul.f32 v28, v17;
	v18 =	vadd.f32 $1.000000000e+00, v18;
	v10 =	vadd.f32 v10, v23  }
0x1d2: {  	s0 =	sor.u32 $0x8030, s30;
	v54 =	vld [tilespmem:s1+$0x0];
	v19 =	vadd.f32 $1.000000000e+00, v19;
	v13 =	vmul.f32 v30, v13;
	v49 =	vmul.f32 v21, v37  }
0x1d3: {  	v50 =	vld [tilespmem:s0+$0x0];
	v14 =	vadd.f32 v16, v14;
	v51 =	vmul.f32 v18, v35;
	v11 =	vsub.f32 v11, v10  }
0x1d4: {  	s31 =	sor.u32 $0x8020, s30;
	v19 =	vmul.f32 v19, v33;
	v12 =	vadd.f32 v13, v12;
	v16 =	vadd.f32 v49, v24  }
0x1d5: {  	v52 =	vld [tilespmem:s31+$0x0];
	v15 =	vadd.f32 v17, v15;
	v13 =	vadd.f32 v51, v22;
	v5 =	vmul.f32 v11, v5  }
0x1d6: {  	v58 =	vsel vm0, $0x3F800000, v0;
	v19 =	vadd.f32 v19, v25;
	v12 =	vsub.f32 v12, v16  }
0x1d7: {  	v60 =	vmul.f32 v58, v54;
	v56 =	vsub.f32 v15, v13;
	v5 =	vadd.f32 v5, v10  }
0x1d8: {  	v3 =	vadd.f32 v54, v3;
	v57 =	vmul.f32 v53, v50;
	v8 =	vmul.f32 v12, v8  }
0x1d9: {  	v14 =	vsub.f32 v14, v19;
	v6 =	vmul.f32 v56, v6;
	v61 =	vmul.f32 v5, v9  }
0x1da: {  	v59 =	vmul.f32 v55, v52;
	v5 =	vmul.f32 v5, v48;
	v8 =	vadd.f32 v8, v16  }
0x1db: {  	v7 =	vmul.f32 v14, v7;
	v6 =	vadd.f32 v6, v13;
	v2 =	vadd.f32 v61, v2  }
0x1dc: {  	s29 =	sadd.s32 $0x1, s29;
	v1 =	vadd.f32 v5, v1;
	v62 =	vmul.f32 v8, v60;
	v5 =	vmul.f32 v8, v54  }
0x1dd: {  	p0 =	sne.s32 s29, $0x20;
	v4 =	vadd.f32 v60, v4;
	v7 =	vadd.f32 v7, v19;
	v63 =	vmul.f32 v6, v59  }
.Ltmp5:
0x1de: {  	v2 =	vadd.f32 v62, v2;
	v1 =	vadd.f32 v5, v1;
	v5 =	vmul.f32 v6, v52;
	(pc) =	sbr.rel @p0 .LBB2_10-.Ltmp5, $4  }
0x1df: {  	v3 =	vadd.f32 v52, v3;
	v4 =	vadd.f32 v59, v4;
	v6 =	vmul.f32 v7, v57  }
0x1e0: {  	v2 =	vadd.f32 v63, v2;
	v1 =	vadd.f32 v5, v1;
	v5 =	vmul.f32 v7, v50  }
0x1e1: {  	v3 =	vadd.f32 v50, v3;
	v4 =	vadd.f32 v57, v4  }
0x1e2: {  	v2 =	vadd.f32 v6, v2;
	v1 =	vadd.f32 v5, v1  }
0x1e3: {  	_ =	swait.ge [sflag:s23], $0x4000  }
0x1e4: {  	[sflag:s23] =	ssyncset.done $0x0  }
0x1e5: {  	[sflag:s23] =	ssyncadd.s32 $0xFFFFC000  }
0x1e6: {  	_ =	swait.ge [sflag:s23], $0x4000  }
0x1e7: {  	[sflag:s23] =	ssyncset.done $0x0  }
0x1e8: {  	[sflag:s23] =	ssyncadd.s32 $0xFFFFC000  }
0x1e9: {  	_ =	swait.ge [sflag:s23], $0x4000  }
0x1ea: {  	[sflag:s23] =	ssyncset.done $0x0  }
0x1eb: {  	s28 =	simm.s32 $0x0;
	s29 =	simm.s32 $0x0;
	[sflag:s23] =	ssyncadd.s32 $0xFFFFC000  }
.LBB2_14:
0x1ec: {  	s0 =	sshll.u32 s29, $0x9;
	s1 =	sshll.u32 s29, $0x7  }
0x1ed: {  	s0 =	sand.u32 $0x3000, s0;
	s1 =	sand.u32 $0x380, s1  }
0x1ee: {  	s31 =	sor.u32 s0, s1;
	s1 =	sand.u32 $0x40, s28  }
0x1ef: {  	s17 =	sand.u32 $0xC00, s28;
	s0 =	sor.u32 s1, s31  }
0x1f0: {  	s30 =	sor.u32 s17, s0  }
0x1f1: {  	v5 =	vld [tilespmem:s30+$0x10000]  }
0x1f2: {  	v9 =	vld [tilespmem:s30+$0xC000];
	s0 =	sor.u32 $0x10030, s30  }
0x1f3: {  	s1 =	sor.u32 $0x10020, s30;
	v7 =	vld [tilespmem:s0+$0x0]  }
0x1f4: {  	s24 =	sor.u32 $0x10010, s30;
	v6 =	vld [tilespmem:s1+$0x0]  }
0x1f5: {  	s17 =	sor.u32 $0xC020, s30;
	v8 =	vld [tilespmem:s24+$0x0]  }
0x1f6: {  	s1 =	sor.u32 $0xC030, s30;
	v12 =	vld [tilespmem:s17+$0x0]  }
0x1f7: {  	s24 =	sor.u32 $0xC010, s30;
	v11 =	vld [tilespmem:s1+$0x0]  }
0x1f8: {  	v13 =	vld [tilespmem:s24+$0x0];
	vm3 =	vgt.f32 v5, $5.000000000e-01  }
0x1f9: {  	v14 =	vshra.s32 v9, $0x17;
	v15 =	vand.u32 $0x7FFFFF, v9;
	v10 =	vsub.f32 $1.000000000e+00, v9  }
0x1fa: {  	vm0 =	vgt.f32 v8, $5.000000000e-01;
	vm1 =	vgt.f32 v6, $5.000000000e-01;
	vm2 =	vgt.f32 v7, $5.000000000e-01  }
0x1fb: {  	v9 =	vsel vm3, $0x3F800000, v0;
	v16 =	vshra.s32 v12, $0x17;
	v20 =	vcvt.s32.f32 v14  }
0x1fc: {  	v25 =	vand.u32 $0x7FFFFF, v12;
	v26 =	vor.u32 $0x3F800000, v15;
	v18 =	vsub.f32 $1.000000000e+00, v12  }
0x1fd: {  	v17 =	vshra.s32 v11, $0x17;
	v21 =	vshra.s32 v13, $0x17;
	v22 =	vand.u32 $0x7FFFFF, v11  }
0x1fe: {  	v24 =	vand.u32 $0x7FFFFF, v13;
	v19 =	vsub.f32 $1.000000000e+00, v11;
	v15 =	vcvt.s32.f32 v16  }
0x1ff: {  	v11 =	vadd.f32 $-1.000000000e+00, v26;
	v23 =	vshra.s32 v10, $0x17;
	v14 =	vcvt.s32.f32 v17  }
0x200: {  	v12 =	vcvt.s32.f32 v21;
	v21 =	vsub.f32 $1.000000000e+00, v13;
	v16 =	vor.u32 $0x3F800000, v22  }
0x201: {  	s0 =	simm.s32 $0x0;
	s1 =	simm.s32 $0x40;
	v22 =	vadd.f32 $1.000000000e+00, v26;
	v13 =	vor.u32 $0x3F800000, v24;
	v17 =	vor.u32 $0x3F800000, v25  }
.LBB2_15:
0x202: {  	p0 =	sne.s32 s1, $0x1C0;
	v24 =	vand.u32 $0x7FFFFF, v10;
	v25 =	vshra.s32 v18, $0x17;
	v26 =	vshra.s32 v19, $0x17  }
0x203: {  	v10 =	vmul.f32 $6.931471820e-01, v20;
	v20 =	vcvt.s32.f32 v23;
	v23 =	vshra.s32 v21, $0x17  }
0x204: {  	v27 =	vadd.f32 $1.000000000e+00, v17;
	v28 =	vadd.f32 $1.000000000e+00, v16;
	v19 =	vand.u32 $0x7FFFFF, v19  }
0x205: {  	v29 =	vadd.f32 $1.000000000e+00, v13;
	v18 =	vand.u32 $0x7FFFFF, v18;
	(erf) = vrcp.f32 v22  }
0x206: {  	v21 =	vand.u32 $0x7FFFFF, v21;
	v22 =	vor.u32 $0x3F800000, v24;
	(erf) = vrcp.f32 v28  }
0x207: {  	v19 =	vor.u32 $0x3F800000, v19;
	v24 =	vadd.f32 $1.000000000e+00, v22;
	(erf) = vrcp.f32 v27  }
0x208: {  	v18 =	vor.u32 $0x3F800000, v18;
	v27 =	vadd.f32 $1.000000000e+00, v19;
	(erf) = vrcp.f32 v29  }
0x209: {  	v21 =	vor.u32 $0x3F800000, v21;
	v28 =	vadd.f32 $1.000000000e+00, v18;
	(erf) = vrcp.f32 v24  }
0x20a: {  	v14 =	vmul.f32 $6.931471820e-01, v14;
	v24 =	vadd.f32 $1.000000000e+00, v21;
	(erf) = vrcp.f32 v27  }
0x20b: {  	v15 =	vmul.f32 $6.931471820e-01, v15;
	v16 =	vadd.f32 $-1.000000000e+00, v16;
	(erf) = vrcp.f32 v28  }
0x20c: {  	v17 =	vadd.f32 $-1.000000000e+00, v17;
	v26 =	vcvt.s32.f32 v26;
	(erf) = vrcp.f32 v24  }
0x20d: {  	v13 =	vadd.f32 $-1.000000000e+00, v13;
	v12 =	vmul.f32 $6.931471820e-01, v12;
	v24 =	vcvt.s32.f32 v25  }
0x20e: {  	v23 =	vcvt.s32.f32 v23;
	v20 =	vmul.f32 $6.931471820e-01, v20;
	v22 =	vadd.f32 $-1.000000000e+00, v22;
	v25 =	vpop (erf)  }
0x20f: {  	v26 =	vmul.f32 $6.931471820e-01, v26;
	v19 =	vadd.f32 $-1.000000000e+00, v19;
	v24 =	vmul.f32 $6.931471820e-01, v24;
	v27 =	vpop (erf)  }
0x210: {  	v23 =	vmul.f32 $6.931471820e-01, v23;
	v18 =	vadd.f32 $-1.000000000e+00, v18;
	v11 =	vmul.f32 v25, v11;
	v25 =	vpop (erf)  }
0x211: {  	v21 =	vadd.f32 $-1.000000000e+00, v21;
	v16 =	vmul.f32 v27, v16;
	v17 =	vmul.f32 v25, v17;
	v25 =	vpop (erf)  }
0x212: {  	v27 =	vmul.f32 v11, v11;
	v11 =	vadd.f32 v11, v11;
	v13 =	vmul.f32 v25, v13;
	v25 =	vpop (erf)  }
0x213: {  	v22 =	vmul.f32 v25, v22;
	v25 =	vmul.f32 v16, v16;
	v16 =	vadd.f32 v16, v16;
	v28 =	vpop (erf)  }
0x214: {  	v29 =	vmul.f32 v17, v17;
	v17 =	vadd.f32 v17, v17;
	v19 =	vmul.f32 v28, v19;
	v28 =	vpop (erf)  }
0x215: {  	v30 =	vmul.f32 v13, v13;
	v13 =	vadd.f32 v13, v13;
	v18 =	vmul.f32 v28, v18;
	v28 =	vpop (erf)  }
0x216: {  	v31 =	vmul.f32 $2.000000030e-01, v27;
	v32 =	vadd.f32 v22, v22;
	v21 =	vmul.f32 v28, v21  }
0x217: {  	v22 =	vmul.f32 v22, v22;
	v28 =	vmul.f32 $2.000000030e-01, v25;
	v33 =	vadd.f32 v19, v19  }
0x218: {  	v34 =	vmul.f32 $2.000000030e-01, v29;
	v19 =	vmul.f32 v19, v19;
	v35 =	vadd.f32 v18, v18  }
0x219: {  	v36 =	vmul.f32 $2.000000030e-01, v30;
	v18 =	vmul.f32 v18, v18;
	v37 =	vadd.f32 v21, v21  }
0x21a: {  	v31 =	vadd.f32 $3.333333430e-01, v31;
	v38 =	vmul.f32 $2.000000030e-01, v22;
	v21 =	vmul.f32 v21, v21  }
0x21b: {  	v34 =	vadd.f32 $3.333333430e-01, v34;
	v28 =	vadd.f32 $3.333333430e-01, v28;
	v39 =	vmul.f32 $2.000000030e-01, v19  }
0x21c: {  	v36 =	vadd.f32 $3.333333430e-01, v36;
	v41 =	vmul.f32 $2.000000030e-01, v18;
	v40 =	vmul.f32 $2.000000030e-01, v21  }
0x21d: {  	v27 =	vmul.f32 v31, v27;
	v31 =	vadd.f32 $3.333333430e-01, v38;
	v25 =	vmul.f32 v28, v25  }
0x21e: {  	v28 =	vmul.f32 v34, v29;
	v34 =	vadd.f32 $3.333333430e-01, v39;
	v29 =	vadd.f32 $3.333333430e-01, v41  }
0x21f: {  	v27 =	vadd.f32 $1.000000000e+00, v27;
	v30 =	vmul.f32 v36, v30;
	v36 =	vadd.f32 $3.333333430e-01, v40  }
0x220: {  	v22 =	vmul.f32 v31, v22;
	v28 =	vadd.f32 $1.000000000e+00, v28;
	v25 =	vadd.f32 $1.000000000e+00, v25  }
0x221: {  	v30 =	vadd.f32 $1.000000000e+00, v30;
	v19 =	vmul.f32 v34, v19;
	v18 =	vmul.f32 v29, v18  }
0x222: {  	v11 =	vmul.f32 v27, v11;
	v22 =	vadd.f32 $1.000000000e+00, v22;
	v21 =	vmul.f32 v36, v21  }
0x223: {  	v17 =	vmul.f32 v28, v17;
	v16 =	vmul.f32 v25, v16;
	v19 =	vadd.f32 $1.000000000e+00, v19  }
0x224: {  	v13 =	vmul.f32 v30, v13;
	v18 =	vadd.f32 $1.000000000e+00, v18;
	v21 =	vadd.f32 $1.000000000e+00, v21  }
0x225: {  	s17 =	sor.u32 $0x14030, s30;
	v10 =	vadd.f32 v11, v10;
	v11 =	vmul.f32 v22, v32;
	v14 =	vadd.f32 v16, v14;
	v25 =	vld [tilespmem:s30+$0x14000]  }
0x226: {  	v15 =	vadd.f32 v17, v15;
	v19 =	vmul.f32 v19, v33;
	v16 =	vmul.f32 v21, v37;
	v17 =	vld [tilespmem:s17+$0x0]  }
0x227: {  	v12 =	vadd.f32 v13, v12;
	v11 =	vadd.f32 v11, v20;
	v13 =	vmul.f32 v18, v35;
	s17 =	sor.u32 $0x14020, s30  }
0x228: {  	s24 =	sor.u32 $0x14010, s30;
	v20 =	vsel vm2, $0x3F800000, v0;
	v19 =	vadd.f32 v19, v26;
	v16 =	vadd.f32 v16, v23;
	v18 =	vld [tilespmem:s17+$0x0]  }
0x229: {  	v22 =	vsel vm1, $0x3F800000, v0;
	v10 =	vsub.f32 v10, v11;
	v13 =	vadd.f32 v13, v24;
	v21 =	vld [tilespmem:s24+$0x0]  }
0x22a: {  	v14 =	vsub.f32 v14, v19;
	v12 =	vsub.f32 v12, v16;
	v9 =	vmul.f32 v9, v25  }
0x22b: {  	v5 =	vmul.f32 v10, v5;
	v10 =	vsub.f32 v15, v13;
	v15 =	vmul.f32 v20, v17  }
0x22c: {  	s0 =	sadd.s32 $0x200, s0;
	v7 =	vmul.f32 v14, v7;
	s17 =	sand.u32 $0x40, s1;
	v8 =	vmul.f32 v12, v8;
	v20 =	vsel vm0, $0x3F800000, v0  }
0x22d: {  	v11 =	vadd.f32 v5, v11;
	v6 =	vmul.f32 v10, v6;
	s24 =	sand.u32 $0xC00, s0;
	s17 =	sor.u32 s17, s31;
	v12 =	vmul.f32 v22, v18  }
0x22e: {  	v14 =	vadd.f32 v7, v19;
	s30 =	sor.u32 s24, s17;
	v8 =	vadd.f32 v8, v16;
	v10 =	vmul.f32 v20, v21  }
0x22f: {  	v13 =	vadd.f32 v6, v13;
	v16 =	vmul.f32 v11, v9;
	v11 =	vmul.f32 v11, v25;
	v5 =	vld [tilespmem:s30+$0x10000]  }
0x230: {  	v3 =	vadd.f32 v25, v3;
	s17 =	sor.u32 $0x10030, s30;
	v4 =	vadd.f32 v9, v4;
	v19 =	vld [tilespmem:s30+$0xC000];
	v9 =	vmul.f32 v8, v10  }
0x231: {  	s24 =	sor.u32 $0x10020, s30;
	v2 =	vadd.f32 v16, v2;
	v1 =	vadd.f32 v11, v1;
	v11 =	vmul.f32 v8, v21;
	v7 =	vld [tilespmem:s17+$0x0]  }
0x232: {  	v3 =	vadd.f32 v21, v3;
	v4 =	vadd.f32 v10, v4;
	v10 =	vmul.f32 v13, v12;
	s17 =	sor.u32 $0x10010, s30;
	v6 =	vld [tilespmem:s24+$0x0]  }
0x233: {  	v1 =	vadd.f32 v11, v1;
	v2 =	vadd.f32 v9, v2;
	v9 =	vmul.f32 v13, v18;
	v8 =	vld [tilespmem:s17+$0x0];
	s17 =	sor.u32 $0xC030, s30  }
0x234: {  	v3 =	vadd.f32 v18, v3;
	s24 =	sor.u32 $0xC020, s30;
	v4 =	vadd.f32 v12, v4;
	v12 =	vmul.f32 v14, v15;
	v11 =	vld [tilespmem:s17+$0x0]  }
0x235: {  	s17 =	sor.u32 $0xC010, s30;
	v2 =	vadd.f32 v10, v2;
	v1 =	vadd.f32 v9, v1;
	v9 =	vmul.f32 v14, v17;
	v13 =	vld [tilespmem:s24+$0x0]  }
0x236: {  	v3 =	vadd.f32 v17, v3;
	v4 =	vadd.f32 v15, v4;
	v16 =	vld [tilespmem:s17+$0x0]  }
0x237: {  	vm3 =	vgt.f32 v5, $5.000000000e-01;
	v2 =	vadd.f32 v12, v2;
	v1 =	vadd.f32 v9, v1  }
0x238: {  	v14 =	vand.u32 $0x7FFFFF, v19;
	v10 =	vsub.f32 $1.000000000e+00, v19;
	v12 =	vshra.s32 v19, $0x17  }
0x239: {  	vm2 =	vgt.f32 v7, $5.000000000e-01;
	vm1 =	vgt.f32 v6, $5.000000000e-01;
	vm0 =	vgt.f32 v8, $5.000000000e-01  }
0x23a: {  	v9 =	vsel vm3, $0x3F800000, v0;
	v17 =	vshra.s32 v11, $0x17;
	v15 =	vshra.s32 v13, $0x17  }
0x23b: {  	v20 =	vcvt.s32.f32 v12;
	v22 =	vand.u32 $0x7FFFFF, v11;
	v12 =	vshra.s32 v16, $0x17  }
.Ltmp6:
0x23c: {  	v19 =	vsub.f32 $1.000000000e+00, v11;
	v25 =	vand.u32 $0x7FFFFF, v13;
	v24 =	vand.u32 $0x7FFFFF, v16;
	(pc) =	sbr.rel @p0 .LBB2_15-.Ltmp6, $4  }
0x23d: {  	v26 =	vor.u32 $0x3F800000, v14;
	v18 =	vsub.f32 $1.000000000e+00, v13;
	v14 =	vcvt.s32.f32 v17  }
0x23e: {  	v21 =	vsub.f32 $1.000000000e+00, v16;
	v15 =	vcvt.s32.f32 v15;
	v12 =	vcvt.s32.f32 v12  }
0x23f: {  	v23 =	vshra.s32 v10, $0x17;
	v11 =	vadd.f32 $-1.000000000e+00, v26;
	v16 =	vor.u32 $0x3F800000, v22  }
0x240: {  	s1 =	sadd.s32 $0x40, s1;
	v22 =	vadd.f32 $1.000000000e+00, v26;
	v17 =	vor.u32 $0x3F800000, v25;
	v13 =	vor.u32 $0x3F800000, v24  }
0x241: {  	v10 =	vand.u32 $0x7FFFFF, v10;
	v24 =	vshra.s32 v18, $0x17;
	v25 =	vshra.s32 v19, $0x17  }
0x242: {  	v20 =	vmul.f32 $6.931471820e-01, v20;
	v23 =	vcvt.s32.f32 v23;
	v26 =	vshra.s32 v21, $0x17  }
0x243: {  	v27 =	vadd.f32 $1.000000000e+00, v17;
	v28 =	vadd.f32 $1.000000000e+00, v16;
	v43 =	vand.u32 $0x7FFFFF, v19  }
0x244: {  	v29 =	vadd.f32 $1.000000000e+00, v13;
	v44 =	vand.u32 $0x7FFFFF, v18;
	v45 =	vand.u32 $0x7FFFFF, v21  }
0x245: {  	v14 =	vmul.f32 $6.931471820e-01, v14;
	v15 =	vmul.f32 $6.931471820e-01, v15;
	v50 =	vadd.f32 $-1.000000000e+00, v16  }
0x246: {  	v51 =	vadd.f32 $-1.000000000e+00, v17;
	v52 =	vadd.f32 $-1.000000000e+00, v13;
	(erf) = vrcp.f32 v22  }
0x247: {  	v12 =	vmul.f32 $6.931471820e-01, v12;
	v10 =	vor.u32 $0x3F800000, v10;
	(erf) = vrcp.f32 v28  }
0x248: {  	v19 =	vor.u32 $0x3F800000, v43;
	v46 =	vadd.f32 $1.000000000e+00, v10;
	(erf) = vrcp.f32 v27  }
0x249: {  	v18 =	vor.u32 $0x3F800000, v44;
	v47 =	vadd.f32 $1.000000000e+00, v19;
	(erf) = vrcp.f32 v29  }
0x24a: {  	v25 =	vcvt.s32.f32 v25;
	v48 =	vadd.f32 $1.000000000e+00, v18;
	(erf) = vrcp.f32 v46  }
0x24b: {  	v21 =	vor.u32 $0x3F800000, v45;
	v53 =	vcvt.s32.f32 v24;
	(erf) = vrcp.f32 v47  }
0x24c: {  	v54 =	vcvt.s32.f32 v26;
	v49 =	vadd.f32 $1.000000000e+00, v21;
	(erf) = vrcp.f32 v48;
	v48 =	vld [tilespmem:s30+$0x14000]  }
0x24d: {  	v10 =	vadd.f32 $-1.000000000e+00, v10;
	v23 =	vmul.f32 $6.931471820e-01, v23;
	v19 =	vadd.f32 $-1.000000000e+00, v19  }
0x24e: {  	v18 =	vadd.f32 $-1.000000000e+00, v18;
	v22 =	vmul.f32 $6.931471820e-01, v53;
	(erf) = vrcp.f32 v49  }
0x24f: {  	v21 =	vadd.f32 $-1.000000000e+00, v21;
	v25 =	vmul.f32 $6.931471820e-01, v25;
	v24 =	vmul.f32 $6.931471820e-01, v54;
	v55 =	vpop (erf)  }
0x250: {  	v53 =	vsel vm2, $0x3F800000, v0;
	v56 =	vpop (erf);
	v11 =	vmul.f32 v55, v11;
	v55 =	vsel vm1, $0x3F800000, v0  }
0x251: {  	v57 =	vpop (erf);
	v16 =	vmul.f32 v56, v50;
	v9 =	vmul.f32 v9, v48;
	v3 =	vadd.f32 v48, v3  }
0x252: {  	v17 =	vmul.f32 v57, v51;
	v58 =	vpop (erf);
	v59 =	vmul.f32 v11, v11;
	v11 =	vadd.f32 v11, v11  }
0x253: {  	v13 =	vmul.f32 v58, v52;
	v60 =	vpop (erf);
	v61 =	vmul.f32 v16, v16;
	v16 =	vadd.f32 v16, v16  }
0x254: {  	v4 =	vadd.f32 v9, v4;
	v10 =	vmul.f32 v60, v10;
	v62 =	vpop (erf);
	v63 =	vmul.f32 v17, v17  }
0x255: {  	v17 =	vadd.f32 v17, v17;
	v31 =	vmul.f32 $2.000000030e-01, v59;
	v19 =	vmul.f32 v62, v19  }
0x256: {  	v40 =	vpop (erf);
	v30 =	vmul.f32 v13, v13;
	v13 =	vadd.f32 v13, v13;
	v42 =	vmul.f32 $2.000000030e-01, v61  }
0x257: {  	v18 =	vmul.f32 v40, v18;
	v41 =	vpop (erf);
	v32 =	vadd.f32 v10, v10;
	v10 =	vmul.f32 v10, v10  }
0x258: {  	v34 =	vmul.f32 $2.000000030e-01, v63;
	v31 =	vadd.f32 $3.333333430e-01, v31;
	v21 =	vmul.f32 v41, v21  }
0x259: {  	v33 =	vadd.f32 v19, v19;
	v19 =	vmul.f32 v19, v19;
	v36 =	vmul.f32 $2.000000030e-01, v30  }
0x25a: {  	v28 =	vadd.f32 $3.333333430e-01, v42;
	v35 =	vadd.f32 v18, v18;
	v18 =	vmul.f32 v18, v18  }
0x25b: {  	v38 =	vmul.f32 $2.000000030e-01, v10;
	v34 =	vadd.f32 $3.333333430e-01, v34;
	v27 =	vmul.f32 v31, v59  }
0x25c: {  	v37 =	vadd.f32 v21, v21;
	v21 =	vmul.f32 v21, v21;
	v39 =	vmul.f32 $2.000000030e-01, v19  }
0x25d: {  	v26 =	vmul.f32 v28, v61;
	v41 =	vmul.f32 $2.000000030e-01, v18;
	v43 =	vadd.f32 $3.333333430e-01, v38  }
0x25e: {  	v36 =	vadd.f32 $3.333333430e-01, v36;
	v44 =	vmul.f32 v34, v63;
	v40 =	vmul.f32 $2.000000030e-01, v21  }
0x25f: {  	v27 =	vadd.f32 $1.000000000e+00, v27;
	v46 =	vadd.f32 $3.333333430e-01, v39;
	v10 =	vmul.f32 v43, v10  }
0x260: {  	v30 =	vmul.f32 v36, v30;
	v26 =	vadd.f32 $1.000000000e+00, v26;
	v47 =	vadd.f32 $3.333333430e-01, v40  }
0x261: {  	v45 =	vadd.f32 $3.333333430e-01, v41;
	v11 =	vmul.f32 v27, v11;
	v10 =	vadd.f32 $1.000000000e+00, v10  }
0x262: {  	v28 =	vadd.f32 $1.000000000e+00, v44;
	v19 =	vmul.f32 v46, v19;
	v21 =	vmul.f32 v47, v21  }
0x263: {  	v30 =	vadd.f32 $1.000000000e+00, v30;
	v18 =	vmul.f32 v45, v18;
	v10 =	vmul.f32 v10, v32  }
0x264: {  	v16 =	vmul.f32 v26, v16;
	v11 =	vadd.f32 v11, v20;
	v21 =	vadd.f32 $1.000000000e+00, v21  }
0x265: {  	s1 =	sor.u32 $0x14010, s30;
	v17 =	vmul.f32 v28, v17;
	v18 =	vadd.f32 $1.000000000e+00, v18;
	v10 =	vadd.f32 v10, v23  }
0x266: {  	s0 =	sor.u32 $0x14030, s30;
	v54 =	vld [tilespmem:s1+$0x0];
	v19 =	vadd.f32 $1.000000000e+00, v19;
	v13 =	vmul.f32 v30, v13;
	v49 =	vmul.f32 v21, v37  }
0x267: {  	v50 =	vld [tilespmem:s0+$0x0];
	v14 =	vadd.f32 v16, v14;
	v51 =	vmul.f32 v18, v35;
	v11 =	vsub.f32 v11, v10  }
0x268: {  	s31 =	sor.u32 $0x14020, s30;
	v19 =	vmul.f32 v19, v33;
	v12 =	vadd.f32 v13, v12;
	v16 =	vadd.f32 v49, v24  }
0x269: {  	v52 =	vld [tilespmem:s31+$0x0];
	v15 =	vadd.f32 v17, v15;
	v13 =	vadd.f32 v51, v22;
	v5 =	vmul.f32 v11, v5  }
0x26a: {  	v58 =	vsel vm0, $0x3F800000, v0;
	v19 =	vadd.f32 v19, v25;
	v12 =	vsub.f32 v12, v16  }
0x26b: {  	v60 =	vmul.f32 v58, v54;
	v56 =	vsub.f32 v15, v13;
	v5 =	vadd.f32 v5, v10  }
0x26c: {  	v3 =	vadd.f32 v54, v3;
	v57 =	vmul.f32 v53, v50;
	v8 =	vmul.f32 v12, v8  }
0x26d: {  	v14 =	vsub.f32 v14, v19;
	v6 =	vmul.f32 v56, v6;
	v61 =	vmul.f32 v5, v9  }
0x26e: {  	v59 =	vmul.f32 v55, v52;
	v5 =	vmul.f32 v5, v48;
	v8 =	vadd.f32 v8, v16  }
0x26f: {  	v7 =	vmul.f32 v14, v7;
	v6 =	vadd.f32 v6, v13;
	v2 =	vadd.f32 v61, v2  }
0x270: {  	s29 =	sadd.s32 $0x1, s29;
	v1 =	vadd.f32 v5, v1;
	v62 =	vmul.f32 v8, v60;
	v5 =	vmul.f32 v8, v54  }
0x271: {  	p0 =	sne.s32 s29, $0x20;
	v4 =	vadd.f32 v60, v4;
	v7 =	vadd.f32 v7, v19;
	v63 =	vmul.f32 v6, v59  }
.Ltmp7:
0x272: {  	v2 =	vadd.f32 v62, v2;
	v1 =	vadd.f32 v5, v1;
	v5 =	vmul.f32 v6, v52;
	(pc) =	sbr.rel @p0 .LBB2_14-.Ltmp7, $4  }
0x273: {  	v3 =	vadd.f32 v52, v3;
	v4 =	vadd.f32 v59, v4;
	v6 =	vmul.f32 v7, v57  }
0x274: {  	v2 =	vadd.f32 v63, v2;
	v1 =	vadd.f32 v5, v1;
	v5 =	vmul.f32 v7, v50  }
0x275: {  	v3 =	vadd.f32 v50, v3;
	v4 =	vadd.f32 v57, v4  }
0x276: {  	v2 =	vadd.f32 v6, v2;
	v1 =	vadd.f32 v5, v1  }
0x277: {  	[tilespmem:$0x18000] =	vst v4  }
0x278: {  	[tilespmem:$0x18080] =	vst v3;
	s26 =	sadd.s32 $0x1, s26  }
0x279: {  	[tilespmem:$0x18100] =	vst v2;
	p0 =	sne.s32 s26, s16  }
.Ltmp8:
0x27a: {  	s0 =	simm.s32 $0x18000;
	[tilespmem:$0x18180] =	vst v1;
	(pc) =	sbr.rel @p0 .LBB2_1-.Ltmp8, $4  }
0x27b: {  	[hbm4b:s15+s2] =	stream.linear.scatter [tilespmem:s0], [sflag:$0x3], $0x200, $0x38;
	[tilespmem:$0x18200] =	vst v63  }
0x27c: {  	_ =	swait.ge [sflag:s25], $0x200  }
0x27d: {  	[sflag:s25] =	ssyncset.done $0x0  }
0x27e: {  	s17 =	simm.s32 $0x4000;
	[sflag:s25] =	ssyncadd.s32 $0xFFFFFE00  }
0x27f: {  	_ =	sfence.sel $0x180000  }
0x280: {  	[bflag:$0x0] =	sbarrier.arrive $0xFFFF  }
0x281: {  	_ =	strace $0x90000047  }
0x282: {  	s0 =	stileid.u32;
	[bflag:$0x2] =	sbarrier.arrive $0xFFFF  }
0x283: {  	p0 =	sne.s32 s0, $0x0;
	s0 =	rddreg [dreg:$0x4]  }
0x284: {  	s0 =	sadd.s32 @!p0 $0x100000, s0  }
0x285: {  	[sflag:s0] =	ssyncadd.tile.s32 @!p0 $0x1;
	_ =	shalt  }
.Lfunc_end2:
_tile_overlayer_lowered:
.L_overlay_start_2:
0x286: {  	(tag) =	ssettag $0x2  }
0x287: {  	s0 =	rddreg [dreg:$0x0];
	s2 =	stileid.u32  }
0x288: {  	s1 =	rddreg [dreg:$0x1];
	p0 =	sne.s32 s2, $0x0  }
0x289: {  	s3 =	rddreg [dreg:$0x2];
	[bflag:$0x3] =	sbarrier.arrive $0xFFFF;
	s2 =	simm.s32 @!p0 $0x1C03  }
0x28a: {  	[timem:s3], [sflag:s2] =	dma.local @!p0 [hbm:s0], s1  }
0x28b: {  	s0 =	simm.s32 @!p0 $0x3  }
0x28c: {  	_ =	swait.ge @!p0 [sflag:s0], s1  }
0x28d: {  	s1 =	ssub.s32 @!p0 $0x0, s1;
	[sflag:s0] =	ssyncset.done @!p0 $0x0  }
0x28e: {  	[sflag:s0] =	ssyncadd.s32 @!p0 s1  }
0x28f: {  	[bflag:$0x3] =	sbarrier.arrive $0xFFFF  }
0x290: {  	_ =	shalt  }

</sc_bundles>
